<compile_context>
chip_gen: v7x
topology: tpu7x:2x2x1
jax: 0.10.2.dev20260603
libtpu: 0.0.44.dev20260713+nightly
codegen_flags: <defaults>
</compile_context>

<pallas_src>
import jax
import jax.numpy as jnp
from jax import lax
from jax.experimental import pallas as pl
from jax.experimental.pallas import tpu as pltpu
from jax.experimental.pallas import tpu_sc as plsc

B = 1024
S = 256
H = 14
W = 14
C = 128
Q = H * W
NR = Q * B
NC = 2
NS = 16
NW = NC * NS
RPW = NR // NW
RCH = 112
NSTEP = RPW // RCH
LANES = 16
CV = C // LANES


def kernel(inputs, injection_sites, masks, indices):
    inj2 = jnp.transpose(injection_sites, (1, 2, 0, 3)).reshape(Q * S, C)
    msk2 = jnp.transpose(masks, (1, 2, 0, 3)).reshape(Q * S, C)
    x2 = jnp.transpose(inputs, (1, 2, 0, 3)).reshape(NR, C)

    mesh = plsc.VectorSubcoreMesh(core_axis_name="c", subcore_axis_name="s")

    def run(inj_hbm, msk_hbm, x_hbm, idx_hbm, out_hbm,
            idx_v, exp_v, x_v, m_v, a_v, o_v, sems, sem_wb):
        wid = lax.axis_index("s") * NC + lax.axis_index("c")
        base = wid * RPW
        pltpu.sync_copy(idx_hbm, idx_v)

        lane = lax.iota(jnp.int32, LANES)

        @pl.loop(0, RPW, step=LANES)
        def _(t):
            r16 = base + t + lane
            q = lax.shift_right_logical(r16, 10)
            b = lax.bitwise_and(r16, 1023)
            v = plsc.load_gather(idx_v, [b])
            exp_v[pl.ds(t, LANES)] = lax.shift_left(q, 8) + v

        def issue(n, j):
            idxs = exp_v.at[pl.ds(n * RCH, RCH)]
            r0 = base + n * RCH
            pltpu.async_copy(inj_hbm.at[idxs], a_v.at[j], sems.at[j, 0])
            pltpu.async_copy(msk_hbm.at[idxs], m_v.at[j], sems.at[j, 1])
            pltpu.async_copy(x_hbm.at[pl.ds(r0, RCH)], x_v.at[j], sems.at[j, 2])

        def wait_in(j):
            pltpu.make_async_copy(inj_hbm.at[pl.ds(0, RCH)], a_v.at[j],
                                  sems.at[j, 0]).wait()
            pltpu.make_async_copy(msk_hbm.at[pl.ds(0, RCH)], m_v.at[j],
                                  sems.at[j, 1]).wait()
            pltpu.make_async_copy(x_hbm.at[pl.ds(0, RCH)], x_v.at[j],
                                  sems.at[j, 2]).wait()

        def compute(j):
            xp, mp, ap = x_v.at[j], m_v.at[j], a_v.at[j]

            @pl.loop(0, RCH)
            def _(i):
                for c in range(CV):
                    sl = (i, pl.ds(c * LANES, LANES))
                    o_v.at[*sl][...] = (xp.at[*sl][...] * mp.at[*sl][...]
                                        + ap.at[*sl][...])

        def wb_start(n):
            r0 = base + n * RCH
            pltpu.async_copy(o_v, out_hbm.at[pl.ds(r0, RCH)], sem_wb)

        def wb_wait():
            pltpu.make_async_copy(o_v, out_hbm.at[pl.ds(0, RCH)],
                                  sem_wb).wait()

        def step(n, j, wait_prev_wb, issue_next):
            wait_in(j)
            if wait_prev_wb:
                wb_wait()
            compute(j)
            wb_start(n)
            if issue_next:
                issue(n + 2, j)

        issue(0, 0)
        issue(1, 1)
        step(0, 0, False, True)
        step(1, 1, True, True)

        @pl.loop(2, NSTEP - 2, step=2)
        def _(n0):
            step(n0, 0, True, True)
            step(n0 + 1, 1, True, True)

        step(NSTEP - 2, 0, True, False)
        step(NSTEP - 1, 1, True, False)
        wb_wait()

    grid_kernel = pl.kernel(
        run,
        out_type=jax.ShapeDtypeStruct((NR, C), jnp.float32),
        mesh=mesh,
        scratch_types=[
            pltpu.VMEM((B,), jnp.int32),
            pltpu.VMEM((RPW,), jnp.int32),
            pltpu.VMEM((2, RCH, C), jnp.float32),
            pltpu.VMEM((2, RCH, C), jnp.float32),
            pltpu.VMEM((2, RCH, C), jnp.float32),
            pltpu.VMEM((RCH, C), jnp.float32),
            pltpu.SemaphoreType.DMA((2, 3)),
            pltpu.SemaphoreType.DMA,
        ],
        compiler_params=pltpu.CompilerParams(use_tc_tiling_on_sc=True,
                                             needs_layout_passes=False),
    )
    out2 = grid_kernel(inj2, msk2, x2, indices)
    return jnp.transpose(out2.reshape(H, W, B, C), (2, 0, 1, 3))

# --- scband reference (transcript-rebuilt; emitter-appended) ---
"""Pipeline reference for scband-error-simulator-58978490908731 (READ-ONLY COPY).

The authoritative reference and input builder live on the scoring server;
editing this copy changes nothing except your own understanding.
"""

import jax, jax.numpy as jnp
import numpy as np

B = 1024   # batch size
S = 256    # num_inj_sites
H = 14
W = 14
C = 128    # feature-map shape of the protected layer output


def setup_inputs(seed: int = 0) -> dict:
    key = jax.random.key(seed)
    k1, k2, k3, k4 = jax.random.split(key, 4)
    # Activations flowing through the ErrorSimulator layer (CNN feature map).
    inputs = jax.random.normal(k1, (B, H, W, C), dtype=jnp.float32)
    # Buffers corresponding to __available_injection_sites and __masks stacked
    # into dense tables of shape [num_inj_sites, *feature_shape].
    injection_sites = jax.random.normal(k2, (S, H, W, C), dtype=jnp.float32)
    masks = jax.random.uniform(k3, (S, H, W, C), dtype=jnp.float32)
    # The TF layer draws random per-sample indices internally
    # (tf.random.uniform over [0, num_inj_sites)); we materialize them here
    # deterministically so the reference is reproducible.
    indices = jax.random.randint(k4, (B,), 0, S, dtype=jnp.int32)
    return {
        "inputs": inputs,
        "injection_sites": injection_sites,
        "masks": masks,
        "indices": indices,
    }


def reference(inputs, injection_sites, masks, indices):
    # fault_injection_batch_v2: per-batch-element gather of an injection
    # tensor and its mask, then inputs * mask + injection.
    random_tensor = jnp.take(injection_sites, indices, axis=0)  # [B,H,W,C]
    random_mask = jnp.take(masks, indices, axis=0)              # [B,H,W,C]
    return inputs * random_mask + random_tensor

if __name__ == "__main__":
    import jax
    _d = setup_inputs()
    print(jax.jit(kernel)(*tuple(_d.values())))

</pallas_src>

<mosaic_0001>
#map = affine_map<(d0, d1) -> (0, 0)>
#map1 = affine_map<(d0, d1) -> (0)>
module attributes {stable_mosaic.version = 14 : i64} {
  func.func @run(%arg0: i32, %arg1: i32, %arg2: memref<50176x128xf32, #tpu.memory_space<hbm>>, %arg3: memref<50176x128xf32, #tpu.memory_space<hbm>>, %arg4: memref<200704x128xf32, #tpu.memory_space<hbm>>, %arg5: memref<1024xi32, #tpu.memory_space<hbm>>, %arg6: memref<200704x128xf32, #tpu.memory_space<hbm>>, %arg7: memref<1024xi32, #tpu.memory_space<vmem>>, %arg8: memref<6272xi32, #tpu.memory_space<vmem>>, %arg9: memref<2x112x128xf32, #tpu.memory_space<vmem>>, %arg10: memref<2x112x128xf32, #tpu.memory_space<vmem>>, %arg11: memref<2x112x128xf32, #tpu.memory_space<vmem>>, %arg12: memref<112x128xf32, #tpu.memory_space<vmem>>, %arg13: memref<2x3x!tpu.dma_semaphore, #tpu.memory_space<semaphore_mem>>, %arg14: memref<!tpu.dma_semaphore, #tpu.memory_space<semaphore_mem>>) attributes {dimension_semantics = [#tpu.dimension_semantics<core_parallel>, #tpu.dimension_semantics<subcore_parallel>], iteration_bounds = array<i64: 2, 16>, scalar_prefetch = 0 : i64, scratch_operands = 8 : i64, tpu.core_type = #tpu.core_type<sc_vector_subcore>, window_params = [{transform_indices = #map}, {transform_indices = #map}, {transform_indices = #map}, {transform_indices = #map1}, {transform_indices = #map}]} {
    %mul3A = arith.constant 2 : i32
    %mul3A_0 = arith.muli %arg1, %mul3A : i32
    %add3A = arith.addi %mul3A_0, %arg0 : i32
    %mul3A_1 = arith.constant 6272 : i32
    %mul3A_2 = arith.muli %add3A, %mul3A_1 : i32
    "tpu.region"() ({
      %run_scoped3A = tpu.sem_alloc : memref<!tpu.dma_semaphore, #tpu.memory_space<semaphore_mem>>
      tpu.enqueue_dma source(%arg5 : memref<1024xi32, #tpu.memory_space<hbm>>) target(%arg7 : memref<1024xi32, #tpu.memory_space<vmem>>) target_semaphore(%run_scoped3A : memref<!tpu.dma_semaphore, #tpu.memory_space<semaphore_mem>>)
      tpu.wait_dma2 semaphore(%run_scoped3A : memref<!tpu.dma_semaphore, #tpu.memory_space<semaphore_mem>>) src(%arg5 : memref<1024xi32, #tpu.memory_space<hbm>>) dst(%arg7 : memref<1024xi32, #tpu.memory_space<vmem>>)
      tpu.yield
    }) : () -> ()
    %iota3A = tpu.iota {dimensions = array<i32: 0>} : vector<16xi32>
    %scan3A = arith.constant 0 : i32
    %scan3A_3 = arith.constant 392 : i32
    %scan3A_4 = arith.addi %scan3A, %scan3A_3 : i32
    %scan3A_5 = arith.constant 1 : i32
    scf.for %scan3A_506 = %scan3A to %scan3A_4 step %scan3A_5  : i32 {
      %mul3A_507 = arith.constant 16 : i32
      %mul3A_508 = arith.muli %scan3A_506, %mul3A_507 : i32
      %add3A_509 = arith.constant 0 : i32
      %add3A_510 = arith.addi %add3A_509, %mul3A_508 : i32
      %add3A_511 = arith.addi %mul3A_2, %add3A_510 : i32
      %add3A_512 = vector.broadcast %add3A_511 : i32 to vector<16xi32>
      %add3A_513 = arith.addi %add3A_512, %iota3A : vector<16xi32>
      %shift_right_logical3A = arith.constant 10 : i32
      %shift_right_logical3A_514 = vector.broadcast %shift_right_logical3A : i32 to vector<16xi32>
      %shift_right_logical3A_515 = arith.shrui %add3A_513, %shift_right_logical3A_514 : vector<16xi32>
      %and3A = arith.constant 1023 : i32
      %and3A_516 = vector.broadcast %and3A : i32 to vector<16xi32>
      %and3A_517 = arith.andi %add3A_513, %and3A_516 : vector<16xi32>
      %gather3A = tpu.vector_load_idx %arg7[%and3A_517] : memref<1024xi32, #tpu.memory_space<vmem>>[vector<16xi32>], vector<16xi32>,
      %shift_left3A = arith.constant 8 : i32
      %shift_left3A_518 = vector.broadcast %shift_left3A : i32 to vector<16xi32>
      %shift_left3A_519 = arith.shli %shift_right_logical3A_515, %shift_left3A_518 : vector<16xi32>
      %add3A_520 = arith.addi %shift_left3A_519, %gather3A : vector<16xi32>
      %swap3A = arith.index_cast %add3A_510 : i32 to index
      %swap3A_521 = tpu.vector_load %arg8[%swap3A] {strides = array<i32>} : memref<6272xi32, #tpu.memory_space<vmem>>, vector<16xi32>,
      tpu.vector_store %arg8[%swap3A], %add3A_520 {strides = array<i32>} : memref<6272xi32, #tpu.memory_space<vmem>>, vector<16xi32>,
    }
    %scan3A_6 = arith.constant 392 : i32
    %add3A_7 = arith.constant 0 : i32
    %add3A_8 = arith.addi %mul3A_2, %add3A_7 : i32
    %dma_start3A = arith.constant 0 : i32
    %dma_start3A_9 = arith.constant 0 : i32
    %dma_start3A_10 = arith.constant 0 : i32
    %dma_start3A_11 = arith.constant 0 : i32
    %dma_start3A_12 = arith.constant 0 : i32
    %dma_start3A_13 = tpu.memref_slice %arg11[%dma_start3A, %dma_start3A_11, %dma_start3A_12] : memref<2x112x128xf32, #tpu.memory_space<vmem>> -> memref<1x112x128xf32, #tpu.memory_space<vmem>>
    %dma_start3A_14 = tpu.memref_squeeze %dma_start3A_13 : memref<1x112x128xf32, #tpu.memory_space<vmem>> -> memref<112x128xf32, #tpu.memory_space<vmem>>
    %dma_start3A_15 = arith.constant 0 : i32
    %dma_start3A_16 = tpu.memref_slice %arg8[%dma_start3A_15] : memref<6272xi32, #tpu.memory_space<vmem>> -> memref<112xi32, #tpu.memory_space<vmem>>
    %dma_start3A_17 = arith.constant 0 : i32
    %dma_start3A_18 = arith.constant 0 : i32
    %dma_start3A_19 = tpu.memref_slice %arg2[%dma_start3A_17, %dma_start3A_18] : memref<50176x128xf32, #tpu.memory_space<hbm>> -> memref<50176x128xf32, #tpu.memory_space<hbm>>
    %dma_start3A_20 = tpu.memref_slice %arg13[%dma_start3A_9, %dma_start3A_10] : memref<2x3x!tpu.dma_semaphore, #tpu.memory_space<semaphore_mem>> -> memref<1x1x!tpu.dma_semaphore, #tpu.memory_space<semaphore_mem>>
    %dma_start3A_21 = tpu.memref_squeeze %dma_start3A_20 : memref<1x1x!tpu.dma_semaphore, #tpu.memory_space<semaphore_mem>> -> memref<!tpu.dma_semaphore, #tpu.memory_space<semaphore_mem>>
    tpu.enqueue_indirect_dma source(%dma_start3A_19 : memref<50176x128xf32, #tpu.memory_space<hbm>>) target(%dma_start3A_14 : memref<112x128xf32, #tpu.memory_space<vmem>>) offsets(%dma_start3A_16 : memref<112xi32, #tpu.memory_space<vmem>>) semaphore(%dma_start3A_21 : memref<!tpu.dma_semaphore, #tpu.memory_space<semaphore_mem>>)
    %dma_start3A_22 = arith.constant 0 : i32
    %dma_start3A_23 = arith.constant 0 : i32
    %dma_start3A_24 = arith.constant 1 : i32
    %dma_start3A_25 = arith.constant 0 : i32
    %dma_start3A_26 = arith.constant 0 : i32
    %dma_start3A_27 = tpu.memref_slice %arg10[%dma_start3A_22, %dma_start3A_25, %dma_start3A_26] : memref<2x112x128xf32, #tpu.memory_space<vmem>> -> memref<1x112x128xf32, #tpu.memory_space<vmem>>
    %dma_start3A_28 = tpu.memref_squeeze %dma_start3A_27 : memref<1x112x128xf32, #tpu.memory_space<vmem>> -> memref<112x128xf32, #tpu.memory_space<vmem>>
    %dma_start3A_29 = arith.constant 0 : i32
    %dma_start3A_30 = tpu.memref_slice %arg8[%dma_start3A_29] : memref<6272xi32, #tpu.memory_space<vmem>> -> memref<112xi32, #tpu.memory_space<vmem>>
    %dma_start3A_31 = arith.constant 0 : i32
    %dma_start3A_32 = arith.constant 0 : i32
    %dma_start3A_33 = tpu.memref_slice %arg3[%dma_start3A_31, %dma_start3A_32] : memref<50176x128xf32, #tpu.memory_space<hbm>> -> memref<50176x128xf32, #tpu.memory_space<hbm>>
    %dma_start3A_34 = tpu.memref_slice %arg13[%dma_start3A_23, %dma_start3A_24] : memref<2x3x!tpu.dma_semaphore, #tpu.memory_space<semaphore_mem>> -> memref<1x1x!tpu.dma_semaphore, #tpu.memory_space<semaphore_mem>>
    %dma_start3A_35 = tpu.memref_squeeze %dma_start3A_34 : memref<1x1x!tpu.dma_semaphore, #tpu.memory_space<semaphore_mem>> -> memref<!tpu.dma_semaphore, #tpu.memory_space<semaphore_mem>>
    tpu.enqueue_indirect_dma source(%dma_start3A_33 : memref<50176x128xf32, #tpu.memory_space<hbm>>) target(%dma_start3A_28 : memref<112x128xf32, #tpu.memory_space<vmem>>) offsets(%dma_start3A_30 : memref<112xi32, #tpu.memory_space<vmem>>) semaphore(%dma_start3A_35 : memref<!tpu.dma_semaphore, #tpu.memory_space<semaphore_mem>>)
    %dma_start3A_36 = arith.constant 0 : i32
    %dma_start3A_37 = arith.constant 0 : i32
    %dma_start3A_38 = arith.constant 2 : i32
    %dma_start3A_39 = arith.constant 0 : i32
    %dma_start3A_40 = arith.constant 0 : i32
    %dma_start3A_41 = tpu.memref_slice %arg9[%dma_start3A_36, %dma_start3A_39, %dma_start3A_40] : memref<2x112x128xf32, #tpu.memory_space<vmem>> -> memref<1x112x128xf32, #tpu.memory_space<vmem>>
    %dma_start3A_42 = tpu.memref_squeeze %dma_start3A_41 : memref<1x112x128xf32, #tpu.memory_space<vmem>> -> memref<112x128xf32, #tpu.memory_space<vmem>>
    %dma_start3A_43 = arith.constant 0 : i32
    %dma_start3A_44 = tpu.memref_slice %arg4[%add3A_8, %dma_start3A_43] : memref<200704x128xf32, #tpu.memory_space<hbm>> -> memref<112x128xf32, #tpu.memory_space<hbm>>
    %dma_start3A_45 = tpu.memref_slice %arg13[%dma_start3A_37, %dma_start3A_38] : memref<2x3x!tpu.dma_semaphore, #tpu.memory_space<semaphore_mem>> -> memref<1x1x!tpu.dma_semaphore, #tpu.memory_space<semaphore_mem>>
    %dma_start3A_46 = tpu.memref_squeeze %dma_start3A_45 : memref<1x1x!tpu.dma_semaphore, #tpu.memory_space<semaphore_mem>> -> memref<!tpu.dma_semaphore, #tpu.memory_space<semaphore_mem>>
    %dma_start3A_47 = arith.constant 0 : i32
    %dma_start3A_48 = arith.constant 0 : i32
    %dma_start3A_49 = tpu.memref_slice %arg9[%dma_start3A_36, %dma_start3A_47, %dma_start3A_48] : memref<2x112x128xf32, #tpu.memory_space<vmem>> -> memref<1x112x128xf32, #tpu.memory_space<vmem>>
    %dma_start3A_50 = tpu.memref_squeeze %dma_start3A_49 : memref<1x112x128xf32, #tpu.memory_space<vmem>> -> memref<112x128xf32, #tpu.memory_space<vmem>>
    %dma_start3A_51 = arith.constant 0 : i32
    %dma_start3A_52 = tpu.memref_slice %arg4[%add3A_8, %dma_start3A_51] : memref<200704x128xf32, #tpu.memory_space<hbm>> -> memref<112x128xf32, #tpu.memory_space<hbm>>
    tpu.enqueue_dma source(%dma_start3A_52 : memref<112x128xf32, #tpu.memory_space<hbm>>) target(%dma_start3A_50 : memref<112x128xf32, #tpu.memory_space<vmem>>) target_semaphore(%dma_start3A_46 : memref<!tpu.dma_semaphore, #tpu.memory_space<semaphore_mem>>)
    %add3A_53 = arith.constant 112 : i32
    %add3A_54 = arith.addi %mul3A_2, %add3A_53 : i32
    %dma_start3A_55 = arith.constant 1 : i32
    %dma_start3A_56 = arith.constant 1 : i32
    %dma_start3A_57 = arith.constant 0 : i32
    %dma_start3A_58 = arith.constant 0 : i32
    %dma_start3A_59 = arith.constant 0 : i32
    %dma_start3A_60 = tpu.memref_slice %arg11[%dma_start3A_55, %dma_start3A_58, %dma_start3A_59] : memref<2x112x128xf32, #tpu.memory_space<vmem>> -> memref<1x112x128xf32, #tpu.memory_space<vmem>>
    %dma_start3A_61 = tpu.memref_squeeze %dma_start3A_60 : memref<1x112x128xf32, #tpu.memory_space<vmem>> -> memref<112x128xf32, #tpu.memory_space<vmem>>
    %dma_start3A_62 = arith.constant 112 : i32
    %dma_start3A_63 = tpu.memref_slice %arg8[%dma_start3A_62] : memref<6272xi32, #tpu.memory_space<vmem>> -> memref<112xi32, #tpu.memory_space<vmem>>
    %dma_start3A_64 = arith.constant 0 : i32
    %dma_start3A_65 = arith.constant 0 : i32
    %dma_start3A_66 = tpu.memref_slice %arg2[%dma_start3A_64, %dma_start3A_65] : memref<50176x128xf32, #tpu.memory_space<hbm>> -> memref<50176x128xf32, #tpu.memory_space<hbm>>
    %dma_start3A_67 = tpu.memref_slice %arg13[%dma_start3A_56, %dma_start3A_57] : memref<2x3x!tpu.dma_semaphore, #tpu.memory_space<semaphore_mem>> -> memref<1x1x!tpu.dma_semaphore, #tpu.memory_space<semaphore_mem>>
    %dma_start3A_68 = tpu.memref_squeeze %dma_start3A_67 : memref<1x1x!tpu.dma_semaphore, #tpu.memory_space<semaphore_mem>> -> memref<!tpu.dma_semaphore, #tpu.memory_space<semaphore_mem>>
    tpu.enqueue_indirect_dma source(%dma_start3A_66 : memref<50176x128xf32, #tpu.memory_space<hbm>>) target(%dma_start3A_61 : memref<112x128xf32, #tpu.memory_space<vmem>>) offsets(%dma_start3A_63 : memref<112xi32, #tpu.memory_space<vmem>>) semaphore(%dma_start3A_68 : memref<!tpu.dma_semaphore, #tpu.memory_space<semaphore_mem>>)
    %dma_start3A_69 = arith.constant 1 : i32
    %dma_start3A_70 = arith.constant 1 : i32
    %dma_start3A_71 = arith.constant 1 : i32
    %dma_start3A_72 = arith.constant 0 : i32
    %dma_start3A_73 = arith.constant 0 : i32
    %dma_start3A_74 = tpu.memref_slice %arg10[%dma_start3A_69, %dma_start3A_72, %dma_start3A_73] : memref<2x112x128xf32, #tpu.memory_space<vmem>> -> memref<1x112x128xf32, #tpu.memory_space<vmem>>
    %dma_start3A_75 = tpu.memref_squeeze %dma_start3A_74 : memref<1x112x128xf32, #tpu.memory_space<vmem>> -> memref<112x128xf32, #tpu.memory_space<vmem>>
    %dma_start3A_76 = arith.constant 112 : i32
    %dma_start3A_77 = tpu.memref_slice %arg8[%dma_start3A_76] : memref<6272xi32, #tpu.memory_space<vmem>> -> memref<112xi32, #tpu.memory_space<vmem>>
    %dma_start3A_78 = arith.constant 0 : i32
    %dma_start3A_79 = arith.constant 0 : i32
    %dma_start3A_80 = tpu.memref_slice %arg3[%dma_start3A_78, %dma_start3A_79] : memref<50176x128xf32, #tpu.memory_space<hbm>> -> memref<50176x128xf32, #tpu.memory_space<hbm>>
    %dma_start3A_81 = tpu.memref_slice %arg13[%dma_start3A_70, %dma_start3A_71] : memref<2x3x!tpu.dma_semaphore, #tpu.memory_space<semaphore_mem>> -> memref<1x1x!tpu.dma_semaphore, #tpu.memory_space<semaphore_mem>>
    %dma_start3A_82 = tpu.memref_squeeze %dma_start3A_81 : memref<1x1x!tpu.dma_semaphore, #tpu.memory_space<semaphore_mem>> -> memref<!tpu.dma_semaphore, #tpu.memory_space<semaphore_mem>>
    tpu.enqueue_indirect_dma source(%dma_start3A_80 : memref<50176x128xf32, #tpu.memory_space<hbm>>) target(%dma_start3A_75 : memref<112x128xf32, #tpu.memory_space<vmem>>) offsets(%dma_start3A_77 : memref<112xi32, #tpu.memory_space<vmem>>) semaphore(%dma_start3A_82 : memref<!tpu.dma_semaphore, #tpu.memory_space<semaphore_mem>>)
    %dma_start3A_83 = arith.constant 1 : i32
    %dma_start3A_84 = arith.constant 1 : i32
    %dma_start3A_85 = arith.constant 2 : i32
    %dma_start3A_86 = arith.constant 0 : i32
    %dma_start3A_87 = arith.constant 0 : i32
    %dma_start3A_88 = tpu.memref_slice %arg9[%dma_start3A_83, %dma_start3A_86, %dma_start3A_87] : memref<2x112x128xf32, #tpu.memory_space<vmem>> -> memref<1x112x128xf32, #tpu.memory_space<vmem>>
    %dma_start3A_89 = tpu.memref_squeeze %dma_start3A_88 : memref<1x112x128xf32, #tpu.memory_space<vmem>> -> memref<112x128xf32, #tpu.memory_space<vmem>>
    %dma_start3A_90 = arith.constant 0 : i32
    %dma_start3A_91 = tpu.memref_slice %arg4[%add3A_54, %dma_start3A_90] : memref<200704x128xf32, #tpu.memory_space<hbm>> -> memref<112x128xf32, #tpu.memory_space<hbm>>
    %dma_start3A_92 = tpu.memref_slice %arg13[%dma_start3A_84, %dma_start3A_85] : memref<2x3x!tpu.dma_semaphore, #tpu.memory_space<semaphore_mem>> -> memref<1x1x!tpu.dma_semaphore, #tpu.memory_space<semaphore_mem>>
    %dma_start3A_93 = tpu.memref_squeeze %dma_start3A_92 : memref<1x1x!tpu.dma_semaphore, #tpu.memory_space<semaphore_mem>> -> memref<!tpu.dma_semaphore, #tpu.memory_space<semaphore_mem>>
    %dma_start3A_94 = arith.constant 0 : i32
    %dma_start3A_95 = arith.constant 0 : i32
    %dma_start3A_96 = tpu.memref_slice %arg9[%dma_start3A_83, %dma_start3A_94, %dma_start3A_95] : memref<2x112x128xf32, #tpu.memory_space<vmem>> -> memref<1x112x128xf32, #tpu.memory_space<vmem>>
    %dma_start3A_97 = tpu.memref_squeeze %dma_start3A_96 : memref<1x112x128xf32, #tpu.memory_space<vmem>> -> memref<112x128xf32, #tpu.memory_space<vmem>>
    %dma_start3A_98 = arith.constant 0 : i32
    %dma_start3A_99 = tpu.memref_slice %arg4[%add3A_54, %dma_start3A_98] : memref<200704x128xf32, #tpu.memory_space<hbm>> -> memref<112x128xf32, #tpu.memory_space<hbm>>
    tpu.enqueue_dma source(%dma_start3A_99 : memref<112x128xf32, #tpu.memory_space<hbm>>) target(%dma_start3A_97 : memref<112x128xf32, #tpu.memory_space<vmem>>) target_semaphore(%dma_start3A_93 : memref<!tpu.dma_semaphore, #tpu.memory_space<semaphore_mem>>)
    %dma_wait3A = arith.constant 0 : i32
    %dma_wait3A_100 = arith.constant 0 : i32
    %dma_wait3A_101 = arith.constant 0 : i32
    %dma_wait3A_102 = arith.constant 0 : i32
    %dma_wait3A_103 = arith.constant 0 : i32
    %dma_wait3A_104 = tpu.memref_slice %arg11[%dma_wait3A, %dma_wait3A_102, %dma_wait3A_103] : memref<2x112x128xf32, #tpu.memory_space<vmem>> -> memref<1x112x128xf32, #tpu.memory_space<vmem>>
    %dma_wait3A_105 = tpu.memref_squeeze %dma_wait3A_104 : memref<1x112x128xf32, #tpu.memory_space<vmem>> -> memref<112x128xf32, #tpu.memory_space<vmem>>
    %dma_wait3A_106 = arith.constant 0 : i32
    %dma_wait3A_107 = arith.constant 0 : i32
    %dma_wait3A_108 = tpu.memref_slice %arg2[%dma_wait3A_106, %dma_wait3A_107] : memref<50176x128xf32, #tpu.memory_space<hbm>> -> memref<112x128xf32, #tpu.memory_space<hbm>>
    %dma_wait3A_109 = tpu.memref_slice %arg13[%dma_wait3A_100, %dma_wait3A_101] : memref<2x3x!tpu.dma_semaphore, #tpu.memory_space<semaphore_mem>> -> memref<1x1x!tpu.dma_semaphore, #tpu.memory_space<semaphore_mem>>
    %dma_wait3A_110 = tpu.memref_squeeze %dma_wait3A_109 : memref<1x1x!tpu.dma_semaphore, #tpu.memory_space<semaphore_mem>> -> memref<!tpu.dma_semaphore, #tpu.memory_space<semaphore_mem>>
    %dma_wait3A_111 = arith.constant 0 : i32
    %dma_wait3A_112 = arith.constant 0 : i32
    %dma_wait3A_113 = tpu.memref_slice %arg11[%dma_wait3A, %dma_wait3A_111, %dma_wait3A_112] : memref<2x112x128xf32, #tpu.memory_space<vmem>> -> memref<1x112x128xf32, #tpu.memory_space<vmem>>
    %dma_wait3A_114 = tpu.memref_squeeze %dma_wait3A_113 : memref<1x112x128xf32, #tpu.memory_space<vmem>> -> memref<112x128xf32, #tpu.memory_space<vmem>>
    %dma_wait3A_115 = arith.constant 0 : i32
    %dma_wait3A_116 = arith.constant 0 : i32
    %dma_wait3A_117 = tpu.memref_slice %arg2[%dma_wait3A_115, %dma_wait3A_116] : memref<50176x128xf32, #tpu.memory_space<hbm>> -> memref<112x128xf32, #tpu.memory_space<hbm>>
    tpu.wait_dma2 semaphore(%dma_wait3A_110 : memref<!tpu.dma_semaphore, #tpu.memory_space<semaphore_mem>>) src(%dma_wait3A_117 : memref<112x128xf32, #tpu.memory_space<hbm>>) dst(%dma_wait3A_114 : memref<112x128xf32, #tpu.memory_space<vmem>>)
    %dma_wait3A_118 = arith.constant 0 : i32
    %dma_wait3A_119 = arith.constant 0 : i32
    %dma_wait3A_120 = arith.constant 1 : i32
    %dma_wait3A_121 = arith.constant 0 : i32
    %dma_wait3A_122 = arith.constant 0 : i32
    %dma_wait3A_123 = tpu.memref_slice %arg10[%dma_wait3A_118, %dma_wait3A_121, %dma_wait3A_122] : memref<2x112x128xf32, #tpu.memory_space<vmem>> -> memref<1x112x128xf32, #tpu.memory_space<vmem>>
    %dma_wait3A_124 = tpu.memref_squeeze %dma_wait3A_123 : memref<1x112x128xf32, #tpu.memory_space<vmem>> -> memref<112x128xf32, #tpu.memory_space<vmem>>
    %dma_wait3A_125 = arith.constant 0 : i32
    %dma_wait3A_126 = arith.constant 0 : i32
    %dma_wait3A_127 = tpu.memref_slice %arg3[%dma_wait3A_125, %dma_wait3A_126] : memref<50176x128xf32, #tpu.memory_space<hbm>> -> memref<112x128xf32, #tpu.memory_space<hbm>>
    %dma_wait3A_128 = tpu.memref_slice %arg13[%dma_wait3A_119, %dma_wait3A_120] : memref<2x3x!tpu.dma_semaphore, #tpu.memory_space<semaphore_mem>> -> memref<1x1x!tpu.dma_semaphore, #tpu.memory_space<semaphore_mem>>
    %dma_wait3A_129 = tpu.memref_squeeze %dma_wait3A_128 : memref<1x1x!tpu.dma_semaphore, #tpu.memory_space<semaphore_mem>> -> memref<!tpu.dma_semaphore, #tpu.memory_space<semaphore_mem>>
    %dma_wait3A_130 = arith.constant 0 : i32
    %dma_wait3A_131 = arith.constant 0 : i32
    %dma_wait3A_132 = tpu.memref_slice %arg10[%dma_wait3A_118, %dma_wait3A_130, %dma_wait3A_131] : memref<2x112x128xf32, #tpu.memory_space<vmem>> -> memref<1x112x128xf32, #tpu.memory_space<vmem>>
    %dma_wait3A_133 = tpu.memref_squeeze %dma_wait3A_132 : memref<1x112x128xf32, #tpu.memory_space<vmem>> -> memref<112x128xf32, #tpu.memory_space<vmem>>
    %dma_wait3A_134 = arith.constant 0 : i32
    %dma_wait3A_135 = arith.constant 0 : i32
    %dma_wait3A_136 = tpu.memref_slice %arg3[%dma_wait3A_134, %dma_wait3A_135] : memref<50176x128xf32, #tpu.memory_space<hbm>> -> memref<112x128xf32, #tpu.memory_space<hbm>>
    tpu.wait_dma2 semaphore(%dma_wait3A_129 : memref<!tpu.dma_semaphore, #tpu.memory_space<semaphore_mem>>) src(%dma_wait3A_136 : memref<112x128xf32, #tpu.memory_space<hbm>>) dst(%dma_wait3A_133 : memref<112x128xf32, #tpu.memory_space<vmem>>)
    %dma_wait3A_137 = arith.constant 0 : i32
    %dma_wait3A_138 = arith.constant 0 : i32
    %dma_wait3A_139 = arith.constant 2 : i32
    %dma_wait3A_140 = arith.constant 0 : i32
    %dma_wait3A_141 = arith.constant 0 : i32
    %dma_wait3A_142 = tpu.memref_slice %arg9[%dma_wait3A_137, %dma_wait3A_140, %dma_wait3A_141] : memref<2x112x128xf32, #tpu.memory_space<vmem>> -> memref<1x112x128xf32, #tpu.memory_space<vmem>>
    %dma_wait3A_143 = tpu.memref_squeeze %dma_wait3A_142 : memref<1x112x128xf32, #tpu.memory_space<vmem>> -> memref<112x128xf32, #tpu.memory_space<vmem>>
    %dma_wait3A_144 = arith.constant 0 : i32
    %dma_wait3A_145 = arith.constant 0 : i32
    %dma_wait3A_146 = tpu.memref_slice %arg4[%dma_wait3A_144, %dma_wait3A_145] : memref<200704x128xf32, #tpu.memory_space<hbm>> -> memref<112x128xf32, #tpu.memory_space<hbm>>
    %dma_wait3A_147 = tpu.memref_slice %arg13[%dma_wait3A_138, %dma_wait3A_139] : memref<2x3x!tpu.dma_semaphore, #tpu.memory_space<semaphore_mem>> -> memref<1x1x!tpu.dma_semaphore, #tpu.memory_space<semaphore_mem>>
    %dma_wait3A_148 = tpu.memref_squeeze %dma_wait3A_147 : memref<1x1x!tpu.dma_semaphore, #tpu.memory_space<semaphore_mem>> -> memref<!tpu.dma_semaphore, #tpu.memory_space<semaphore_mem>>
    %dma_wait3A_149 = arith.constant 0 : i32
    %dma_wait3A_150 = arith.constant 0 : i32
    %dma_wait3A_151 = tpu.memref_slice %arg9[%dma_wait3A_137, %dma_wait3A_149, %dma_wait3A_150] : memref<2x112x128xf32, #tpu.memory_space<vmem>> -> memref<1x112x128xf32, #tpu.memory_space<vmem>>
    %dma_wait3A_152 = tpu.memref_squeeze %dma_wait3A_151 : memref<1x112x128xf32, #tpu.memory_space<vmem>> -> memref<112x128xf32, #tpu.memory_space<vmem>>
    %dma_wait3A_153 = arith.constant 0 : i32
    %dma_wait3A_154 = arith.constant 0 : i32
    %dma_wait3A_155 = tpu.memref_slice %arg4[%dma_wait3A_153, %dma_wait3A_154] : memref<200704x128xf32, #tpu.memory_space<hbm>> -> memref<112x128xf32, #tpu.memory_space<hbm>>
    tpu.wait_dma2 semaphore(%dma_wait3A_148 : memref<!tpu.dma_semaphore, #tpu.memory_space<semaphore_mem>>) src(%dma_wait3A_155 : memref<112x128xf32, #tpu.memory_space<hbm>>) dst(%dma_wait3A_152 : memref<112x128xf32, #tpu.memory_space<vmem>>)
    %scan3A_156 = arith.constant 0 : i32
    %scan3A_157 = arith.constant 0 : i32
    %scan3A_158 = arith.constant 0 : i32
    %scan3A_159 = arith.constant 0 : i32
    %scan3A_160 = arith.constant 112 : i32
    %scan3A_161 = arith.addi %scan3A_159, %scan3A_160 : i32
    %scan3A_162 = arith.constant 1 : i32
    scf.for %scan3A_506 = %scan3A_159 to %scan3A_161 step %scan3A_162  : i32 {
      %mul3A_507 = arith.constant 1 : i32
      %mul3A_508 = arith.muli %scan3A_506, %mul3A_507 : i32
      %add3A_509 = arith.constant 0 : i32
      %add3A_510 = arith.addi %add3A_509, %mul3A_508 : i32
      %get3A = arith.constant 0 : i32
      %get3A_511 = arith.constant 0 : i32
      %get3A_512 = tpu.memref_slice %arg9[%scan3A_156, %get3A, %get3A_511] : memref<2x112x128xf32, #tpu.memory_space<vmem>> -> memref<1x112x128xf32, #tpu.memory_space<vmem>>
      %get3A_513 = tpu.memref_squeeze %get3A_512 : memref<1x112x128xf32, #tpu.memory_space<vmem>> -> memref<112x128xf32, #tpu.memory_space<vmem>>
      %get3A_514 = arith.index_cast %add3A_510 : i32 to index
      %get3A_515 = arith.constant 0 : index
      %get3A_516 = tpu.vector_load %get3A_513[%get3A_514, %get3A_515] {strides = array<i32>} : memref<112x128xf32, #tpu.memory_space<vmem>>, vector<16xf32>,
      %get3A_517 = arith.constant 0 : i32
      %get3A_518 = arith.constant 0 : i32
      %get3A_519 = tpu.memref_slice %arg10[%scan3A_157, %get3A_517, %get3A_518] : memref<2x112x128xf32, #tpu.memory_space<vmem>> -> memref<1x112x128xf32, #tpu.memory_space<vmem>>
      %get3A_520 = tpu.memref_squeeze %get3A_519 : memref<1x112x128xf32, #tpu.memory_space<vmem>> -> memref<112x128xf32, #tpu.memory_space<vmem>>
      %get3A_521 = arith.index_cast %add3A_510 : i32 to index
      %get3A_522 = arith.constant 0 : index
      %get3A_523 = tpu.vector_load %get3A_520[%get3A_521, %get3A_522] {strides = array<i32>} : memref<112x128xf32, #tpu.memory_space<vmem>>, vector<16xf32>,
      %mul3A_524 = arith.mulf %get3A_516, %get3A_523 : vector<16xf32>
      %get3A_525 = arith.constant 0 : i32
      %get3A_526 = arith.constant 0 : i32
      %get3A_527 = tpu.memref_slice %arg11[%scan3A_158, %get3A_525, %get3A_526] : memref<2x112x128xf32, #tpu.memory_space<vmem>> -> memref<1x112x128xf32, #tpu.memory_space<vmem>>
      %get3A_528 = tpu.memref_squeeze %get3A_527 : memref<1x112x128xf32, #tpu.memory_space<vmem>> -> memref<112x128xf32, #tpu.memory_space<vmem>>
      %get3A_529 = arith.index_cast %add3A_510 : i32 to index
      %get3A_530 = arith.constant 0 : index
      %get3A_531 = tpu.vector_load %get3A_528[%get3A_529, %get3A_530] {strides = array<i32>} : memref<112x128xf32, #tpu.memory_space<vmem>>, vector<16xf32>,
      %add3A_532 = arith.addf %mul3A_524, %get3A_531 : vector<16xf32>
      %swap3A = arith.index_cast %add3A_510 : i32 to index
      %swap3A_533 = arith.constant 0 : index
      %swap3A_534 = tpu.vector_load %arg12[%swap3A, %swap3A_533] {strides = array<i32>} : memref<112x128xf32, #tpu.memory_space<vmem>>, vector<16xf32>,
      tpu.vector_store %arg12[%swap3A, %swap3A_533], %add3A_532 {strides = array<i32>} : memref<112x128xf32, #tpu.memory_space<vmem>>, vector<16xf32>,
      %get3A_535 = arith.constant 0 : i32
      %get3A_536 = arith.constant 0 : i32
      %get3A_537 = tpu.memref_slice %arg9[%scan3A_156, %get3A_535, %get3A_536] : memref<2x112x128xf32, #tpu.memory_space<vmem>> -> memref<1x112x128xf32, #tpu.memory_space<vmem>>
      %get3A_538 = tpu.memref_squeeze %get3A_537 : memref<1x112x128xf32, #tpu.memory_space<vmem>> -> memref<112x128xf32, #tpu.memory_space<vmem>>
      %get3A_539 = arith.index_cast %add3A_510 : i32 to index
      %get3A_540 = arith.constant 16 : index
      %get3A_541 = tpu.vector_load %get3A_538[%get3A_539, %get3A_540] {strides = array<i32>} : memref<112x128xf32, #tpu.memory_space<vmem>>, vector<16xf32>,
      %get3A_542 = arith.constant 0 : i32
      %get3A_543 = arith.constant 0 : i32
      %get3A_544 = tpu.memref_slice %arg10[%scan3A_157, %get3A_542, %get3A_543] : memref<2x112x128xf32, #tpu.memory_space<vmem>> -> memref<1x112x128xf32, #tpu.memory_space<vmem>>
      %get3A_545 = tpu.memref_squeeze %get3A_544 : memref<1x112x128xf32, #tpu.memory_space<vmem>> -> memref<112x128xf32, #tpu.memory_space<vmem>>
      %get3A_546 = arith.index_cast %add3A_510 : i32 to index
      %get3A_547 = arith.constant 16 : index
      %get3A_548 = tpu.vector_load %get3A_545[%get3A_546, %get3A_547] {strides = array<i32>} : memref<112x128xf32, #tpu.memory_space<vmem>>, vector<16xf32>,
      %mul3A_549 = arith.mulf %get3A_541, %get3A_548 : vector<16xf32>
      %get3A_550 = arith.constant 0 : i32
      %get3A_551 = arith.constant 0 : i32
      %get3A_552 = tpu.memref_slice %arg11[%scan3A_158, %get3A_550, %get3A_551] : memref<2x112x128xf32, #tpu.memory_space<vmem>> -> memref<1x112x128xf32, #tpu.memory_space<vmem>>
      %get3A_553 = tpu.memref_squeeze %get3A_552 : memref<1x112x128xf32, #tpu.memory_space<vmem>> -> memref<112x128xf32, #tpu.memory_space<vmem>>
      %get3A_554 = arith.index_cast %add3A_510 : i32 to index
      %get3A_555 = arith.constant 16 : index
      %get3A_556 = tpu.vector_load %get3A_553[%get3A_554, %get3A_555] {strides = array<i32>} : memref<112x128xf32, #tpu.memory_space<vmem>>, vector<16xf32>,
      %add3A_557 = arith.addf %mul3A_549, %get3A_556 : vector<16xf32>
      %swap3A_558 = arith.index_cast %add3A_510 : i32 to index
      %swap3A_559 = arith.constant 16 : index
      %swap3A_560 = tpu.vector_load %arg12[%swap3A_558, %swap3A_559] {strides = array<i32>} : memref<112x128xf32, #tpu.memory_space<vmem>>, vector<16xf32>,
      tpu.vector_store %arg12[%swap3A_558, %swap3A_559], %add3A_557 {strides = array<i32>} : memref<112x128xf32, #tpu.memory_space<vmem>>, vector<16xf32>,
      %get3A_561 = arith.constant 0 : i32
      %get3A_562 = arith.constant 0 : i32
      %get3A_563 = tpu.memref_slice %arg9[%scan3A_156, %get3A_561, %get3A_562] : memref<2x112x128xf32, #tpu.memory_space<vmem>> -> memref<1x112x128xf32, #tpu.memory_space<vmem>>
      %get3A_564 = tpu.memref_squeeze %get3A_563 : memref<1x112x128xf32, #tpu.memory_space<vmem>> -> memref<112x128xf32, #tpu.memory_space<vmem>>
      %get3A_565 = arith.index_cast %add3A_510 : i32 to index
      %get3A_566 = arith.constant 32 : index
      %get3A_567 = tpu.vector_load %get3A_564[%get3A_565, %get3A_566] {strides = array<i32>} : memref<112x128xf32, #tpu.memory_space<vmem>>, vector<16xf32>,
      %get3A_568 = arith.constant 0 : i32
      %get3A_569 = arith.constant 0 : i32
      %get3A_570 = tpu.memref_slice %arg10[%scan3A_157, %get3A_568, %get3A_569] : memref<2x112x128xf32, #tpu.memory_space<vmem>> -> memref<1x112x128xf32, #tpu.memory_space<vmem>>
      %get3A_571 = tpu.memref_squeeze %get3A_570 : memref<1x112x128xf32, #tpu.memory_space<vmem>> -> memref<112x128xf32, #tpu.memory_space<vmem>>
      %get3A_572 = arith.index_cast %add3A_510 : i32 to index
      %get3A_573 = arith.constant 32 : index
      %get3A_574 = tpu.vector_load %get3A_571[%get3A_572, %get3A_573] {strides = array<i32>} : memref<112x128xf32, #tpu.memory_space<vmem>>, vector<16xf32>,
      %mul3A_575 = arith.mulf %get3A_567, %get3A_574 : vector<16xf32>
      %get3A_576 = arith.constant 0 : i32
      %get3A_577 = arith.constant 0 : i32
      %get3A_578 = tpu.memref_slice %arg11[%scan3A_158, %get3A_576, %get3A_577] : memref<2x112x128xf32, #tpu.memory_space<vmem>> -> memref<1x112x128xf32, #tpu.memory_space<vmem>>
      %get3A_579 = tpu.memref_squeeze %get3A_578 : memref<1x112x128xf32, #tpu.memory_space<vmem>> -> memref<112x128xf32, #tpu.memory_space<vmem>>
      %get3A_580 = arith.index_cast %add3A_510 : i32 to index
      %get3A_581 = arith.constant 32 : index
      %get3A_582 = tpu.vector_load %get3A_579[%get3A_580, %get3A_581] {strides = array<i32>} : memref<112x128xf32, #tpu.memory_space<vmem>>, vector<16xf32>,
      %add3A_583 = arith.addf %mul3A_575, %get3A_582 : vector<16xf32>
      %swap3A_584 = arith.index_cast %add3A_510 : i32 to index
      %swap3A_585 = arith.constant 32 : index
      %swap3A_586 = tpu.vector_load %arg12[%swap3A_584, %swap3A_585] {strides = array<i32>} : memref<112x128xf32, #tpu.memory_space<vmem>>, vector<16xf32>,
      tpu.vector_store %arg12[%swap3A_584, %swap3A_585], %add3A_583 {strides = array<i32>} : memref<112x128xf32, #tpu.memory_space<vmem>>, vector<16xf32>,
      %get3A_587 = arith.constant 0 : i32
      %get3A_588 = arith.constant 0 : i32
      %get3A_589 = tpu.memref_slice %arg9[%scan3A_156, %get3A_587, %get3A_588] : memref<2x112x128xf32, #tpu.memory_space<vmem>> -> memref<1x112x128xf32, #tpu.memory_space<vmem>>
      %get3A_590 = tpu.memref_squeeze %get3A_589 : memref<1x112x128xf32, #tpu.memory_space<vmem>> -> memref<112x128xf32, #tpu.memory_space<vmem>>
      %get3A_591 = arith.index_cast %add3A_510 : i32 to index
      %get3A_592 = arith.constant 48 : index
      %get3A_593 = tpu.vector_load %get3A_590[%get3A_591, %get3A_592] {strides = array<i32>} : memref<112x128xf32, #tpu.memory_space<vmem>>, vector<16xf32>,
      %get3A_594 = arith.constant 0 : i32
      %get3A_595 = arith.constant 0 : i32
      %get3A_596 = tpu.memref_slice %arg10[%scan3A_157, %get3A_594, %get3A_595] : memref<2x112x128xf32, #tpu.memory_space<vmem>> -> memref<1x112x128xf32, #tpu.memory_space<vmem>>
      %get3A_597 = tpu.memref_squeeze %get3A_596 : memref<1x112x128xf32, #tpu.memory_space<vmem>> -> memref<112x128xf32, #tpu.memory_space<vmem>>
      %get3A_598 = arith.index_cast %add3A_510 : i32 to index
      %get3A_599 = arith.constant 48 : index
      %get3A_600 = tpu.vector_load %get3A_597[%get3A_598, %get3A_599] {strides = array<i32>} : memref<112x128xf32, #tpu.memory_space<vmem>>, vector<16xf32>,
      %mul3A_601 = arith.mulf %get3A_593, %get3A_600 : vector<16xf32>
      %get3A_602 = arith.constant 0 : i32
      %get3A_603 = arith.constant 0 : i32
      %get3A_604 = tpu.memref_slice %arg11[%scan3A_158, %get3A_602, %get3A_603] : memref<2x112x128xf32, #tpu.memory_space<vmem>> -> memref<1x112x128xf32, #tpu.memory_space<vmem>>
      %get3A_605 = tpu.memref_squeeze %get3A_604 : memref<1x112x128xf32, #tpu.memory_space<vmem>> -> memref<112x128xf32, #tpu.memory_space<vmem>>
      %get3A_606 = arith.index_cast %add3A_510 : i32 to index
      %get3A_607 = arith.constant 48 : index
      %get3A_608 = tpu.vector_load %get3A_605[%get3A_606, %get3A_607] {strides = array<i32>} : memref<112x128xf32, #tpu.memory_space<vmem>>, vector<16xf32>,
      %add3A_609 = arith.addf %mul3A_601, %get3A_608 : vector<16xf32>
      %swap3A_610 = arith.index_cast %add3A_510 : i32 to index
      %swap3A_611 = arith.constant 48 : index
      %swap3A_612 = tpu.vector_load %arg12[%swap3A_610, %swap3A_611] {strides = array<i32>} : memref<112x128xf32, #tpu.memory_space<vmem>>, vector<16xf32>,
      tpu.vector_store %arg12[%swap3A_610, %swap3A_611], %add3A_609 {strides = array<i32>} : memref<112x128xf32, #tpu.memory_space<vmem>>, vector<16xf32>,
      %get3A_613 = arith.constant 0 : i32
      %get3A_614 = arith.constant 0 : i32
      %get3A_615 = tpu.memref_slice %arg9[%scan3A_156, %get3A_613, %get3A_614] : memref<2x112x128xf32, #tpu.memory_space<vmem>> -> memref<1x112x128xf32, #tpu.memory_space<vmem>>
      %get3A_616 = tpu.memref_squeeze %get3A_615 : memref<1x112x128xf32, #tpu.memory_space<vmem>> -> memref<112x128xf32, #tpu.memory_space<vmem>>
      %get3A_617 = arith.index_cast %add3A_510 : i32 to index
      %get3A_618 = arith.constant 64 : index
      %get3A_619 = tpu.vector_load %get3A_616[%get3A_617, %get3A_618] {strides = array<i32>} : memref<112x128xf32, #tpu.memory_space<vmem>>, vector<16xf32>,
      %get3A_620 = arith.constant 0 : i32
      %get3A_621 = arith.constant 0 : i32
      %get3A_622 = tpu.memref_slice %arg10[%scan3A_157, %get3A_620, %get3A_621] : memref<2x112x128xf32, #tpu.memory_space<vmem>> -> memref<1x112x128xf32, #tpu.memory_space<vmem>>
      %get3A_623 = tpu.memref_squeeze %get3A_622 : memref<1x112x128xf32, #tpu.memory_space<vmem>> -> memref<112x128xf32, #tpu.memory_space<vmem>>
      %get3A_624 = arith.index_cast %add3A_510 : i32 to index
      %get3A_625 = arith.constant 64 : index
      %get3A_626 = tpu.vector_load %get3A_623[%get3A_624, %get3A_625] {strides = array<i32>} : memref<112x128xf32, #tpu.memory_space<vmem>>, vector<16xf32>,
      %mul3A_627 = arith.mulf %get3A_619, %get3A_626 : vector<16xf32>
      %get3A_628 = arith.constant 0 : i32
      %get3A_629 = arith.constant 0 : i32
      %get3A_630 = tpu.memref_slice %arg11[%scan3A_158, %get3A_628, %get3A_629] : memref<2x112x128xf32, #tpu.memory_space<vmem>> -> memref<1x112x128xf32, #tpu.memory_space<vmem>>
      %get3A_631 = tpu.memref_squeeze %get3A_630 : memref<1x112x128xf32, #tpu.memory_space<vmem>> -> memref<112x128xf32, #tpu.memory_space<vmem>>
      %get3A_632 = arith.index_cast %add3A_510 : i32 to index
      %get3A_633 = arith.constant 64 : index
      %get3A_634 = tpu.vector_load %get3A_631[%get3A_632, %get3A_633] {strides = array<i32>} : memref<112x128xf32, #tpu.memory_space<vmem>>, vector<16xf32>,
      %add3A_635 = arith.addf %mul3A_627, %get3A_634 : vector<16xf32>
      %swap3A_636 = arith.index_cast %add3A_510 : i32 to index
      %swap3A_637 = arith.constant 64 : index
      %swap3A_638 = tpu.vector_load %arg12[%swap3A_636, %swap3A_637] {strides = array<i32>} : memref<112x128xf32, #tpu.memory_space<vmem>>, vector<16xf32>,
      tpu.vector_store %arg12[%swap3A_636, %swap3A_637], %add3A_635 {strides = array<i32>} : memref<112x128xf32, #tpu.memory_space<vmem>>, vector<16xf32>,
      %get3A_639 = arith.constant 0 : i32
      %get3A_640 = arith.constant 0 : i32
      %get3A_641 = tpu.memref_slice %arg9[%scan3A_156, %get3A_639, %get3A_640] : memref<2x112x128xf32, #tpu.memory_space<vmem>> -> memref<1x112x128xf32, #tpu.memory_space<vmem>>
      %get3A_642 = tpu.memref_squeeze %get3A_641 : memref<1x112x128xf32, #tpu.memory_space<vmem>> -> memref<112x128xf32, #tpu.memory_space<vmem>>
      %get3A_643 = arith.index_cast %add3A_510 : i32 to index
      %get3A_644 = arith.constant 80 : index
      %get3A_645 = tpu.vector_load %get3A_642[%get3A_643, %get3A_644] {strides = array<i32>} : memref<112x128xf32, #tpu.memory_space<vmem>>, vector<16xf32>,
      %get3A_646 = arith.constant 0 : i32
      %get3A_647 = arith.constant 0 : i32
      %get3A_648 = tpu.memref_slice %arg10[%scan3A_157, %get3A_646, %get3A_647] : memref<2x112x128xf32, #tpu.memory_space<vmem>> -> memref<1x112x128xf32, #tpu.memory_space<vmem>>
      %get3A_649 = tpu.memref_squeeze %get3A_648 : memref<1x112x128xf32, #tpu.memory_space<vmem>> -> memref<112x128xf32, #tpu.memory_space<vmem>>
      %get3A_650 = arith.index_cast %add3A_510 : i32 to index
      %get3A_651 = arith.constant 80 : index
      %get3A_652 = tpu.vector_load %get3A_649[%get3A_650, %get3A_651] {strides = array<i32>} : memref<112x128xf32, #tpu.memory_space<vmem>>, vector<16xf32>,
      %mul3A_653 = arith.mulf %get3A_645, %get3A_652 : vector<16xf32>
      %get3A_654 = arith.constant 0 : i32
      %get3A_655 = arith.constant 0 : i32
      %get3A_656 = tpu.memref_slice %arg11[%scan3A_158, %get3A_654, %get3A_655] : memref<2x112x128xf32, #tpu.memory_space<vmem>> -> memref<1x112x128xf32, #tpu.memory_space<vmem>>
      %get3A_657 = tpu.memref_squeeze %get3A_656 : memref<1x112x128xf32, #tpu.memory_space<vmem>> -> memref<112x128xf32, #tpu.memory_space<vmem>>
      %get3A_658 = arith.index_cast %add3A_510 : i32 to index
      %get3A_659 = arith.constant 80 : index
      %get3A_660 = tpu.vector_load %get3A_657[%get3A_658, %get3A_659] {strides = array<i32>} : memref<112x128xf32, #tpu.memory_space<vmem>>, vector<16xf32>,
      %add3A_661 = arith.addf %mul3A_653, %get3A_660 : vector<16xf32>
      %swap3A_662 = arith.index_cast %add3A_510 : i32 to index
      %swap3A_663 = arith.constant 80 : index
      %swap3A_664 = tpu.vector_load %arg12[%swap3A_662, %swap3A_663] {strides = array<i32>} : memref<112x128xf32, #tpu.memory_space<vmem>>, vector<16xf32>,
      tpu.vector_store %arg12[%swap3A_662, %swap3A_663], %add3A_661 {strides = array<i32>} : memref<112x128xf32, #tpu.memory_space<vmem>>, vector<16xf32>,
      %get3A_665 = arith.constant 0 : i32
      %get3A_666 = arith.constant 0 : i32
      %get3A_667 = tpu.memref_slice %arg9[%scan3A_156, %get3A_665, %get3A_666] : memref<2x112x128xf32, #tpu.memory_space<vmem>> -> memref<1x112x128xf32, #tpu.memory_space<vmem>>
      %get3A_668 = tpu.memref_squeeze %get3A_667 : memref<1x112x128xf32, #tpu.memory_space<vmem>> -> memref<112x128xf32, #tpu.memory_space<vmem>>
      %get3A_669 = arith.index_cast %add3A_510 : i32 to index
      %get3A_670 = arith.constant 96 : index
      %get3A_671 = tpu.vector_load %get3A_668[%get3A_669, %get3A_670] {strides = array<i32>} : memref<112x128xf32, #tpu.memory_space<vmem>>, vector<16xf32>,
      %get3A_672 = arith.constant 0 : i32
      %get3A_673 = arith.constant 0 : i32
      %get3A_674 = tpu.memref_slice %arg10[%scan3A_157, %get3A_672, %get3A_673] : memref<2x112x128xf32, #tpu.memory_space<vmem>> -> memref<1x112x128xf32, #tpu.memory_space<vmem>>
      %get3A_675 = tpu.memref_squeeze %get3A_674 : memref<1x112x128xf32, #tpu.memory_space<vmem>> -> memref<112x128xf32, #tpu.memory_space<vmem>>
      %get3A_676 = arith.index_cast %add3A_510 : i32 to index
      %get3A_677 = arith.constant 96 : index
      %get3A_678 = tpu.vector_load %get3A_675[%get3A_676, %get3A_677] {strides = array<i32>} : memref<112x128xf32, #tpu.memory_space<vmem>>, vector<16xf32>,
      %mul3A_679 = arith.mulf %get3A_671, %get3A_678 : vector<16xf32>
      %get3A_680 = arith.constant 0 : i32
      %get3A_681 = arith.constant 0 : i32
      %get3A_682 = tpu.memref_slice %arg11[%scan3A_158, %get3A_680, %get3A_681] : memref<2x112x128xf32, #tpu.memory_space<vmem>> -> memref<1x112x128xf32, #tpu.memory_space<vmem>>
      %get3A_683 = tpu.memref_squeeze %get3A_682 : memref<1x112x128xf32, #tpu.memory_space<vmem>> -> memref<112x128xf32, #tpu.memory_space<vmem>>
      %get3A_684 = arith.index_cast %add3A_510 : i32 to index
      %get3A_685 = arith.constant 96 : index
      %get3A_686 = tpu.vector_load %get3A_683[%get3A_684, %get3A_685] {strides = array<i32>} : memref<112x128xf32, #tpu.memory_space<vmem>>, vector<16xf32>,
      %add3A_687 = arith.addf %mul3A_679, %get3A_686 : vector<16xf32>
      %swap3A_688 = arith.index_cast %add3A_510 : i32 to index
      %swap3A_689 = arith.constant 96 : index
      %swap3A_690 = tpu.vector_load %arg12[%swap3A_688, %swap3A_689] {strides = array<i32>} : memref<112x128xf32, #tpu.memory_space<vmem>>, vector<16xf32>,
      tpu.vector_store %arg12[%swap3A_688, %swap3A_689], %add3A_687 {strides = array<i32>} : memref<112x128xf32, #tpu.memory_space<vmem>>, vector<16xf32>,
      %get3A_691 = arith.constant 0 : i32
      %get3A_692 = arith.constant 0 : i32
      %get3A_693 = tpu.memref_slice %arg9[%scan3A_156, %get3A_691, %get3A_692] : memref<2x112x128xf32, #tpu.memory_space<vmem>> -> memref<1x112x128xf32, #tpu.memory_space<vmem>>
      %get3A_694 = tpu.memref_squeeze %get3A_693 : memref<1x112x128xf32, #tpu.memory_space<vmem>> -> memref<112x128xf32, #tpu.memory_space<vmem>>
      %get3A_695 = arith.index_cast %add3A_510 : i32 to index
      %get3A_696 = arith.constant 112 : index
      %get3A_697 = tpu.vector_load %get3A_694[%get3A_695, %get3A_696] {strides = array<i32>} : memref<112x128xf32, #tpu.memory_space<vmem>>, vector<16xf32>,
      %get3A_698 = arith.constant 0 : i32
      %get3A_699 = arith.constant 0 : i32
      %get3A_700 = tpu.memref_slice %arg10[%scan3A_157, %get3A_698, %get3A_699] : memref<2x112x128xf32, #tpu.memory_space<vmem>> -> memref<1x112x128xf32, #tpu.memory_space<vmem>>
      %get3A_701 = tpu.memref_squeeze %get3A_700 : memref<1x112x128xf32, #tpu.memory_space<vmem>> -> memref<112x128xf32, #tpu.memory_space<vmem>>
      %get3A_702 = arith.index_cast %add3A_510 : i32 to index
      %get3A_703 = arith.constant 112 : index
      %get3A_704 = tpu.vector_load %get3A_701[%get3A_702, %get3A_703] {strides = array<i32>} : memref<112x128xf32, #tpu.memory_space<vmem>>, vector<16xf32>,
      %mul3A_705 = arith.mulf %get3A_697, %get3A_704 : vector<16xf32>
      %get3A_706 = arith.constant 0 : i32
      %get3A_707 = arith.constant 0 : i32
      %get3A_708 = tpu.memref_slice %arg11[%scan3A_158, %get3A_706, %get3A_707] : memref<2x112x128xf32, #tpu.memory_space<vmem>> -> memref<1x112x128xf32, #tpu.memory_space<vmem>>
      %get3A_709 = tpu.memref_squeeze %get3A_708 : memref<1x112x128xf32, #tpu.memory_space<vmem>> -> memref<112x128xf32, #tpu.memory_space<vmem>>
      %get3A_710 = arith.index_cast %add3A_510 : i32 to index
      %get3A_711 = arith.constant 112 : index
      %get3A_712 = tpu.vector_load %get3A_709[%get3A_710, %get3A_711] {strides = array<i32>} : memref<112x128xf32, #tpu.memory_space<vmem>>, vector<16xf32>,
      %add3A_713 = arith.addf %mul3A_705, %get3A_712 : vector<16xf32>
      %swap3A_714 = arith.index_cast %add3A_510 : i32 to index
      %swap3A_715 = arith.constant 112 : index
      %swap3A_716 = tpu.vector_load %arg12[%swap3A_714, %swap3A_715] {strides = array<i32>} : memref<112x128xf32, #tpu.memory_space<vmem>>, vector<16xf32>,
      tpu.vector_store %arg12[%swap3A_714, %swap3A_715], %add3A_713 {strides = array<i32>} : memref<112x128xf32, #tpu.memory_space<vmem>>, vector<16xf32>,
    }
    %scan3A_163 = arith.constant 112 : i32
    %add3A_164 = arith.constant 0 : i32
    %add3A_165 = arith.addi %mul3A_2, %add3A_164 : i32
    %dma_start3A_166 = arith.constant 0 : i32
    %dma_start3A_167 = tpu.memref_slice %arg6[%add3A_165, %dma_start3A_166] : memref<200704x128xf32, #tpu.memory_space<hbm>> -> memref<112x128xf32, #tpu.memory_space<hbm>>
    %dma_start3A_168 = arith.constant 0 : i32
    %dma_start3A_169 = tpu.memref_slice %arg6[%add3A_165, %dma_start3A_168] : memref<200704x128xf32, #tpu.memory_space<hbm>> -> memref<112x128xf32, #tpu.memory_space<hbm>>
    tpu.enqueue_dma source(%arg12 : memref<112x128xf32, #tpu.memory_space<vmem>>) target(%dma_start3A_169 : memref<112x128xf32, #tpu.memory_space<hbm>>) target_semaphore(%arg14 : memref<!tpu.dma_semaphore, #tpu.memory_space<semaphore_mem>>)
    %add3A_170 = arith.constant 224 : i32
    %add3A_171 = arith.addi %mul3A_2, %add3A_170 : i32
    %dma_start3A_172 = arith.constant 0 : i32
    %dma_start3A_173 = arith.constant 0 : i32
    %dma_start3A_174 = arith.constant 0 : i32
    %dma_start3A_175 = arith.constant 0 : i32
    %dma_start3A_176 = arith.constant 0 : i32
    %dma_start3A_177 = tpu.memref_slice %arg11[%dma_start3A_172, %dma_start3A_175, %dma_start3A_176] : memref<2x112x128xf32, #tpu.memory_space<vmem>> -> memref<1x112x128xf32, #tpu.memory_space<vmem>>
    %dma_start3A_178 = tpu.memref_squeeze %dma_start3A_177 : memref<1x112x128xf32, #tpu.memory_space<vmem>> -> memref<112x128xf32, #tpu.memory_space<vmem>>
    %dma_start3A_179 = arith.constant 224 : i32
    %dma_start3A_180 = tpu.memref_slice %arg8[%dma_start3A_179] : memref<6272xi32, #tpu.memory_space<vmem>> -> memref<112xi32, #tpu.memory_space<vmem>>
    %dma_start3A_181 = arith.constant 0 : i32
    %dma_start3A_182 = arith.constant 0 : i32
    %dma_start3A_183 = tpu.memref_slice %arg2[%dma_start3A_181, %dma_start3A_182] : memref<50176x128xf32, #tpu.memory_space<hbm>> -> memref<50176x128xf32, #tpu.memory_space<hbm>>
    %dma_start3A_184 = tpu.memref_slice %arg13[%dma_start3A_173, %dma_start3A_174] : memref<2x3x!tpu.dma_semaphore, #tpu.memory_space<semaphore_mem>> -> memref<1x1x!tpu.dma_semaphore, #tpu.memory_space<semaphore_mem>>
    %dma_start3A_185 = tpu.memref_squeeze %dma_start3A_184 : memref<1x1x!tpu.dma_semaphore, #tpu.memory_space<semaphore_mem>> -> memref<!tpu.dma_semaphore, #tpu.memory_space<semaphore_mem>>
    tpu.enqueue_indirect_dma source(%dma_start3A_183 : memref<50176x128xf32, #tpu.memory_space<hbm>>) target(%dma_start3A_178 : memref<112x128xf32, #tpu.memory_space<vmem>>) offsets(%dma_start3A_180 : memref<112xi32, #tpu.memory_space<vmem>>) semaphore(%dma_start3A_185 : memref<!tpu.dma_semaphore, #tpu.memory_space<semaphore_mem>>)
    %dma_start3A_186 = arith.constant 0 : i32
    %dma_start3A_187 = arith.constant 0 : i32
    %dma_start3A_188 = arith.constant 1 : i32
    %dma_start3A_189 = arith.constant 0 : i32
    %dma_start3A_190 = arith.constant 0 : i32
    %dma_start3A_191 = tpu.memref_slice %arg10[%dma_start3A_186, %dma_start3A_189, %dma_start3A_190] : memref<2x112x128xf32, #tpu.memory_space<vmem>> -> memref<1x112x128xf32, #tpu.memory_space<vmem>>
    %dma_start3A_192 = tpu.memref_squeeze %dma_start3A_191 : memref<1x112x128xf32, #tpu.memory_space<vmem>> -> memref<112x128xf32, #tpu.memory_space<vmem>>
    %dma_start3A_193 = arith.constant 224 : i32
    %dma_start3A_194 = tpu.memref_slice %arg8[%dma_start3A_193] : memref<6272xi32, #tpu.memory_space<vmem>> -> memref<112xi32, #tpu.memory_space<vmem>>
    %dma_start3A_195 = arith.constant 0 : i32
    %dma_start3A_196 = arith.constant 0 : i32
    %dma_start3A_197 = tpu.memref_slice %arg3[%dma_start3A_195, %dma_start3A_196] : memref<50176x128xf32, #tpu.memory_space<hbm>> -> memref<50176x128xf32, #tpu.memory_space<hbm>>
    %dma_start3A_198 = tpu.memref_slice %arg13[%dma_start3A_187, %dma_start3A_188] : memref<2x3x!tpu.dma_semaphore, #tpu.memory_space<semaphore_mem>> -> memref<1x1x!tpu.dma_semaphore, #tpu.memory_space<semaphore_mem>>
    %dma_start3A_199 = tpu.memref_squeeze %dma_start3A_198 : memref<1x1x!tpu.dma_semaphore, #tpu.memory_space<semaphore_mem>> -> memref<!tpu.dma_semaphore, #tpu.memory_space<semaphore_mem>>
    tpu.enqueue_indirect_dma source(%dma_start3A_197 : memref<50176x128xf32, #tpu.memory_space<hbm>>) target(%dma_start3A_192 : memref<112x128xf32, #tpu.memory_space<vmem>>) offsets(%dma_start3A_194 : memref<112xi32, #tpu.memory_space<vmem>>) semaphore(%dma_start3A_199 : memref<!tpu.dma_semaphore, #tpu.memory_space<semaphore_mem>>)
    %dma_start3A_200 = arith.constant 0 : i32
    %dma_start3A_201 = arith.constant 0 : i32
    %dma_start3A_202 = arith.constant 2 : i32
    %dma_start3A_203 = arith.constant 0 : i32
    %dma_start3A_204 = arith.constant 0 : i32
    %dma_start3A_205 = tpu.memref_slice %arg9[%dma_start3A_200, %dma_start3A_203, %dma_start3A_204] : memref<2x112x128xf32, #tpu.memory_space<vmem>> -> memref<1x112x128xf32, #tpu.memory_space<vmem>>
    %dma_start3A_206 = tpu.memref_squeeze %dma_start3A_205 : memref<1x112x128xf32, #tpu.memory_space<vmem>> -> memref<112x128xf32, #tpu.memory_space<vmem>>
    %dma_start3A_207 = arith.constant 0 : i32
    %dma_start3A_208 = tpu.memref_slice %arg4[%add3A_171, %dma_start3A_207] : memref<200704x128xf32, #tpu.memory_space<hbm>> -> memref<112x128xf32, #tpu.memory_space<hbm>>
    %dma_start3A_209 = tpu.memref_slice %arg13[%dma_start3A_201, %dma_start3A_202] : memref<2x3x!tpu.dma_semaphore, #tpu.memory_space<semaphore_mem>> -> memref<1x1x!tpu.dma_semaphore, #tpu.memory_space<semaphore_mem>>
    %dma_start3A_210 = tpu.memref_squeeze %dma_start3A_209 : memref<1x1x!tpu.dma_semaphore, #tpu.memory_space<semaphore_mem>> -> memref<!tpu.dma_semaphore, #tpu.memory_space<semaphore_mem>>
    %dma_start3A_211 = arith.constant 0 : i32
    %dma_start3A_212 = arith.constant 0 : i32
    %dma_start3A_213 = tpu.memref_slice %arg9[%dma_start3A_200, %dma_start3A_211, %dma_start3A_212] : memref<2x112x128xf32, #tpu.memory_space<vmem>> -> memref<1x112x128xf32, #tpu.memory_space<vmem>>
    %dma_start3A_214 = tpu.memref_squeeze %dma_start3A_213 : memref<1x112x128xf32, #tpu.memory_space<vmem>> -> memref<112x128xf32, #tpu.memory_space<vmem>>
    %dma_start3A_215 = arith.constant 0 : i32
    %dma_start3A_216 = tpu.memref_slice %arg4[%add3A_171, %dma_start3A_215] : memref<200704x128xf32, #tpu.memory_space<hbm>> -> memref<112x128xf32, #tpu.memory_space<hbm>>
    tpu.enqueue_dma source(%dma_start3A_216 : memref<112x128xf32, #tpu.memory_space<hbm>>) target(%dma_start3A_214 : memref<112x128xf32, #tpu.memory_space<vmem>>) target_semaphore(%dma_start3A_210 : memref<!tpu.dma_semaphore, #tpu.memory_space<semaphore_mem>>)
    %dma_wait3A_217 = arith.constant 1 : i32
    %dma_wait3A_218 = arith.constant 1 : i32
    %dma_wait3A_219 = arith.constant 0 : i32
    %dma_wait3A_220 = arith.constant 0 : i32
    %dma_wait3A_221 = arith.constant 0 : i32
    %dma_wait3A_222 = tpu.memref_slice %arg11[%dma_wait3A_217, %dma_wait3A_220, %dma_wait3A_221] : memref<2x112x128xf32, #tpu.memory_space<vmem>> -> memref<1x112x128xf32, #tpu.memory_space<vmem>>
    %dma_wait3A_223 = tpu.memref_squeeze %dma_wait3A_222 : memref<1x112x128xf32, #tpu.memory_space<vmem>> -> memref<112x128xf32, #tpu.memory_space<vmem>>
    %dma_wait3A_224 = arith.constant 0 : i32
    %dma_wait3A_225 = arith.constant 0 : i32
    %dma_wait3A_226 = tpu.memref_slice %arg2[%dma_wait3A_224, %dma_wait3A_225] : memref<50176x128xf32, #tpu.memory_space<hbm>> -> memref<112x128xf32, #tpu.memory_space<hbm>>
    %dma_wait3A_227 = tpu.memref_slice %arg13[%dma_wait3A_218, %dma_wait3A_219] : memref<2x3x!tpu.dma_semaphore, #tpu.memory_space<semaphore_mem>> -> memref<1x1x!tpu.dma_semaphore, #tpu.memory_space<semaphore_mem>>
    %dma_wait3A_228 = tpu.memref_squeeze %dma_wait3A_227 : memref<1x1x!tpu.dma_semaphore, #tpu.memory_space<semaphore_mem>> -> memref<!tpu.dma_semaphore, #tpu.memory_space<semaphore_mem>>
    %dma_wait3A_229 = arith.constant 0 : i32
    %dma_wait3A_230 = arith.constant 0 : i32
    %dma_wait3A_231 = tpu.memref_slice %arg11[%dma_wait3A_217, %dma_wait3A_229, %dma_wait3A_230] : memref<2x112x128xf32, #tpu.memory_space<vmem>> -> memref<1x112x128xf32, #tpu.memory_space<vmem>>
    %dma_wait3A_232 = tpu.memref_squeeze %dma_wait3A_231 : memref<1x112x128xf32, #tpu.memory_space<vmem>> -> memref<112x128xf32, #tpu.memory_space<vmem>>
    %dma_wait3A_233 = arith.constant 0 : i32
    %dma_wait3A_234 = arith.constant 0 : i32
    %dma_wait3A_235 = tpu.memref_slice %arg2[%dma_wait3A_233, %dma_wait3A_234] : memref<50176x128xf32, #tpu.memory_space<hbm>> -> memref<112x128xf32, #tpu.memory_space<hbm>>
    tpu.wait_dma2 semaphore(%dma_wait3A_228 : memref<!tpu.dma_semaphore, #tpu.memory_space<semaphore_mem>>) src(%dma_wait3A_235 : memref<112x128xf32, #tpu.memory_space<hbm>>) dst(%dma_wait3A_232 : memref<112x128xf32, #tpu.memory_space<vmem>>)
    %dma_wait3A_236 = arith.constant 1 : i32
    %dma_wait3A_237 = arith.constant 1 : i32
    %dma_wait3A_238 = arith.constant 1 : i32
    %dma_wait3A_239 = arith.constant 0 : i32
    %dma_wait3A_240 = arith.constant 0 : i32
    %dma_wait3A_241 = tpu.memref_slice %arg10[%dma_wait3A_236, %dma_wait3A_239, %dma_wait3A_240] : memref<2x112x128xf32, #tpu.memory_space<vmem>> -> memref<1x112x128xf32, #tpu.memory_space<vmem>>
    %dma_wait3A_242 = tpu.memref_squeeze %dma_wait3A_241 : memref<1x112x128xf32, #tpu.memory_space<vmem>> -> memref<112x128xf32, #tpu.memory_space<vmem>>
    %dma_wait3A_243 = arith.constant 0 : i32
    %dma_wait3A_244 = arith.constant 0 : i32
    %dma_wait3A_245 = tpu.memref_slice %arg3[%dma_wait3A_243, %dma_wait3A_244] : memref<50176x128xf32, #tpu.memory_space<hbm>> -> memref<112x128xf32, #tpu.memory_space<hbm>>
    %dma_wait3A_246 = tpu.memref_slice %arg13[%dma_wait3A_237, %dma_wait3A_238] : memref<2x3x!tpu.dma_semaphore, #tpu.memory_space<semaphore_mem>> -> memref<1x1x!tpu.dma_semaphore, #tpu.memory_space<semaphore_mem>>
    %dma_wait3A_247 = tpu.memref_squeeze %dma_wait3A_246 : memref<1x1x!tpu.dma_semaphore, #tpu.memory_space<semaphore_mem>> -> memref<!tpu.dma_semaphore, #tpu.memory_space<semaphore_mem>>
    %dma_wait3A_248 = arith.constant 0 : i32
    %dma_wait3A_249 = arith.constant 0 : i32
    %dma_wait3A_250 = tpu.memref_slice %arg10[%dma_wait3A_236, %dma_wait3A_248, %dma_wait3A_249] : memref<2x112x128xf32, #tpu.memory_space<vmem>> -> memref<1x112x128xf32, #tpu.memory_space<vmem>>
    %dma_wait3A_251 = tpu.memref_squeeze %dma_wait3A_250 : memref<1x112x128xf32, #tpu.memory_space<vmem>> -> memref<112x128xf32, #tpu.memory_space<vmem>>
    %dma_wait3A_252 = arith.constant 0 : i32
    %dma_wait3A_253 = arith.constant 0 : i32
    %dma_wait3A_254 = tpu.memref_slice %arg3[%dma_wait3A_252, %dma_wait3A_253] : memref<50176x128xf32, #tpu.memory_space<hbm>> -> memref<112x128xf32, #tpu.memory_space<hbm>>
    tpu.wait_dma2 semaphore(%dma_wait3A_247 : memref<!tpu.dma_semaphore, #tpu.memory_space<semaphore_mem>>) src(%dma_wait3A_254 : memref<112x128xf32, #tpu.memory_space<hbm>>) dst(%dma_wait3A_251 : memref<112x128xf32, #tpu.memory_space<vmem>>)
    %dma_wait3A_255 = arith.constant 1 : i32
    %dma_wait3A_256 = arith.constant 1 : i32
    %dma_wait3A_257 = arith.constant 2 : i32
    %dma_wait3A_258 = arith.constant 0 : i32
    %dma_wait3A_259 = arith.constant 0 : i32
    %dma_wait3A_260 = tpu.memref_slice %arg9[%dma_wait3A_255, %dma_wait3A_258, %dma_wait3A_259] : memref<2x112x128xf32, #tpu.memory_space<vmem>> -> memref<1x112x128xf32, #tpu.memory_space<vmem>>
    %dma_wait3A_261 = tpu.memref_squeeze %dma_wait3A_260 : memref<1x112x128xf32, #tpu.memory_space<vmem>> -> memref<112x128xf32, #tpu.memory_space<vmem>>
    %dma_wait3A_262 = arith.constant 0 : i32
    %dma_wait3A_263 = arith.constant 0 : i32
    %dma_wait3A_264 = tpu.memref_slice %arg4[%dma_wait3A_262, %dma_wait3A_263] : memref<200704x128xf32, #tpu.memory_space<hbm>> -> memref<112x128xf32, #tpu.memory_space<hbm>>
    %dma_wait3A_265 = tpu.memref_slice %arg13[%dma_wait3A_256, %dma_wait3A_257] : memref<2x3x!tpu.dma_semaphore, #tpu.memory_space<semaphore_mem>> -> memref<1x1x!tpu.dma_semaphore, #tpu.memory_space<semaphore_mem>>
    %dma_wait3A_266 = tpu.memref_squeeze %dma_wait3A_265 : memref<1x1x!tpu.dma_semaphore, #tpu.memory_space<semaphore_mem>> -> memref<!tpu.dma_semaphore, #tpu.memory_space<semaphore_mem>>
    %dma_wait3A_267 = arith.constant 0 : i32
    %dma_wait3A_268 = arith.constant 0 : i32
    %dma_wait3A_269 = tpu.memref_slice %arg9[%dma_wait3A_255, %dma_wait3A_267, %dma_wait3A_268] : memref<2x112x128xf32, #tpu.memory_space<vmem>> -> memref<1x112x128xf32, #tpu.memory_space<vmem>>
    %dma_wait3A_270 = tpu.memref_squeeze %dma_wait3A_269 : memref<1x112x128xf32, #tpu.memory_space<vmem>> -> memref<112x128xf32, #tpu.memory_space<vmem>>
    %dma_wait3A_271 = arith.constant 0 : i32
    %dma_wait3A_272 = arith.constant 0 : i32
    %dma_wait3A_273 = tpu.memref_slice %arg4[%dma_wait3A_271, %dma_wait3A_272] : memref<200704x128xf32, #tpu.memory_space<hbm>> -> memref<112x128xf32, #tpu.memory_space<hbm>>
    tpu.wait_dma2 semaphore(%dma_wait3A_266 : memref<!tpu.dma_semaphore, #tpu.memory_space<semaphore_mem>>) src(%dma_wait3A_273 : memref<112x128xf32, #tpu.memory_space<hbm>>) dst(%dma_wait3A_270 : memref<112x128xf32, #tpu.memory_space<vmem>>)
    %dma_wait3A_274 = arith.constant 0 : i32
    %dma_wait3A_275 = arith.constant 0 : i32
    %dma_wait3A_276 = tpu.memref_slice %arg6[%dma_wait3A_274, %dma_wait3A_275] : memref<200704x128xf32, #tpu.memory_space<hbm>> -> memref<112x128xf32, #tpu.memory_space<hbm>>
    %dma_wait3A_277 = arith.constant 0 : i32
    %dma_wait3A_278 = arith.constant 0 : i32
    %dma_wait3A_279 = tpu.memref_slice %arg6[%dma_wait3A_277, %dma_wait3A_278] : memref<200704x128xf32, #tpu.memory_space<hbm>> -> memref<112x128xf32, #tpu.memory_space<hbm>>
    tpu.wait_dma2 semaphore(%arg14 : memref<!tpu.dma_semaphore, #tpu.memory_space<semaphore_mem>>) src(%arg12 : memref<112x128xf32, #tpu.memory_space<vmem>>) dst(%dma_wait3A_279 : memref<112x128xf32, #tpu.memory_space<hbm>>)
    %scan3A_280 = arith.constant 1 : i32
    %scan3A_281 = arith.constant 1 : i32
    %scan3A_282 = arith.constant 1 : i32
    %scan3A_283 = arith.constant 0 : i32
    %scan3A_284 = arith.constant 112 : i32
    %scan3A_285 = arith.addi %scan3A_283, %scan3A_284 : i32
    %scan3A_286 = arith.constant 1 : i32
    scf.for %scan3A_506 = %scan3A_283 to %scan3A_285 step %scan3A_286  : i32 {
      %mul3A_507 = arith.constant 1 : i32
      %mul3A_508 = arith.muli %scan3A_506, %mul3A_507 : i32
      %add3A_509 = arith.constant 0 : i32
      %add3A_510 = arith.addi %add3A_509, %mul3A_508 : i32
      %get3A = arith.constant 0 : i32
      %get3A_511 = arith.constant 0 : i32
      %get3A_512 = tpu.memref_slice %arg9[%scan3A_280, %get3A, %get3A_511] : memref<2x112x128xf32, #tpu.memory_space<vmem>> -> memref<1x112x128xf32, #tpu.memory_space<vmem>>
      %get3A_513 = tpu.memref_squeeze %get3A_512 : memref<1x112x128xf32, #tpu.memory_space<vmem>> -> memref<112x128xf32, #tpu.memory_space<vmem>>
      %get3A_514 = arith.index_cast %add3A_510 : i32 to index
      %get3A_515 = arith.constant 0 : index
      %get3A_516 = tpu.vector_load %get3A_513[%get3A_514, %get3A_515] {strides = array<i32>} : memref<112x128xf32, #tpu.memory_space<vmem>>, vector<16xf32>,
      %get3A_517 = arith.constant 0 : i32
      %get3A_518 = arith.constant 0 : i32
      %get3A_519 = tpu.memref_slice %arg10[%scan3A_281, %get3A_517, %get3A_518] : memref<2x112x128xf32, #tpu.memory_space<vmem>> -> memref<1x112x128xf32, #tpu.memory_space<vmem>>
      %get3A_520 = tpu.memref_squeeze %get3A_519 : memref<1x112x128xf32, #tpu.memory_space<vmem>> -> memref<112x128xf32, #tpu.memory_space<vmem>>
      %get3A_521 = arith.index_cast %add3A_510 : i32 to index
      %get3A_522 = arith.constant 0 : index
      %get3A_523 = tpu.vector_load %get3A_520[%get3A_521, %get3A_522] {strides = array<i32>} : memref<112x128xf32, #tpu.memory_space<vmem>>, vector<16xf32>,
      %mul3A_524 = arith.mulf %get3A_516, %get3A_523 : vector<16xf32>
      %get3A_525 = arith.constant 0 : i32
      %get3A_526 = arith.constant 0 : i32
      %get3A_527 = tpu.memref_slice %arg11[%scan3A_282, %get3A_525, %get3A_526] : memref<2x112x128xf32, #tpu.memory_space<vmem>> -> memref<1x112x128xf32, #tpu.memory_space<vmem>>
      %get3A_528 = tpu.memref_squeeze %get3A_527 : memref<1x112x128xf32, #tpu.memory_space<vmem>> -> memref<112x128xf32, #tpu.memory_space<vmem>>
      %get3A_529 = arith.index_cast %add3A_510 : i32 to index
      %get3A_530 = arith.constant 0 : index
      %get3A_531 = tpu.vector_load %get3A_528[%get3A_529, %get3A_530] {strides = array<i32>} : memref<112x128xf32, #tpu.memory_space<vmem>>, vector<16xf32>,
      %add3A_532 = arith.addf %mul3A_524, %get3A_531 : vector<16xf32>
      %swap3A = arith.index_cast %add3A_510 : i32 to index
      %swap3A_533 = arith.constant 0 : index
      %swap3A_534 = tpu.vector_load %arg12[%swap3A, %swap3A_533] {strides = array<i32>} : memref<112x128xf32, #tpu.memory_space<vmem>>, vector<16xf32>,
      tpu.vector_store %arg12[%swap3A, %swap3A_533], %add3A_532 {strides = array<i32>} : memref<112x128xf32, #tpu.memory_space<vmem>>, vector<16xf32>,
      %get3A_535 = arith.constant 0 : i32
      %get3A_536 = arith.constant 0 : i32
      %get3A_537 = tpu.memref_slice %arg9[%scan3A_280, %get3A_535, %get3A_536] : memref<2x112x128xf32, #tpu.memory_space<vmem>> -> memref<1x112x128xf32, #tpu.memory_space<vmem>>
      %get3A_538 = tpu.memref_squeeze %get3A_537 : memref<1x112x128xf32, #tpu.memory_space<vmem>> -> memref<112x128xf32, #tpu.memory_space<vmem>>
      %get3A_539 = arith.index_cast %add3A_510 : i32 to index
      %get3A_540 = arith.constant 16 : index
      %get3A_541 = tpu.vector_load %get3A_538[%get3A_539, %get3A_540] {strides = array<i32>} : memref<112x128xf32, #tpu.memory_space<vmem>>, vector<16xf32>,
      %get3A_542 = arith.constant 0 : i32
      %get3A_543 = arith.constant 0 : i32
      %get3A_544 = tpu.memref_slice %arg10[%scan3A_281, %get3A_542, %get3A_543] : memref<2x112x128xf32, #tpu.memory_space<vmem>> -> memref<1x112x128xf32, #tpu.memory_space<vmem>>
      %get3A_545 = tpu.memref_squeeze %get3A_544 : memref<1x112x128xf32, #tpu.memory_space<vmem>> -> memref<112x128xf32, #tpu.memory_space<vmem>>
      %get3A_546 = arith.index_cast %add3A_510 : i32 to index
      %get3A_547 = arith.constant 16 : index
      %get3A_548 = tpu.vector_load %get3A_545[%get3A_546, %get3A_547] {strides = array<i32>} : memref<112x128xf32, #tpu.memory_space<vmem>>, vector<16xf32>,
      %mul3A_549 = arith.mulf %get3A_541, %get3A_548 : vector<16xf32>
      %get3A_550 = arith.constant 0 : i32
      %get3A_551 = arith.constant 0 : i32
      %get3A_552 = tpu.memref_slice %arg11[%scan3A_282, %get3A_550, %get3A_551] : memref<2x112x128xf32, #tpu.memory_space<vmem>> -> memref<1x112x128xf32, #tpu.memory_space<vmem>>
      %get3A_553 = tpu.memref_squeeze %get3A_552 : memref<1x112x128xf32, #tpu.memory_space<vmem>> -> memref<112x128xf32, #tpu.memory_space<vmem>>
      %get3A_554 = arith.index_cast %add3A_510 : i32 to index
      %get3A_555 = arith.constant 16 : index
      %get3A_556 = tpu.vector_load %get3A_553[%get3A_554, %get3A_555] {strides = array<i32>} : memref<112x128xf32, #tpu.memory_space<vmem>>, vector<16xf32>,
      %add3A_557 = arith.addf %mul3A_549, %get3A_556 : vector<16xf32>
      %swap3A_558 = arith.index_cast %add3A_510 : i32 to index
      %swap3A_559 = arith.constant 16 : index
      %swap3A_560 = tpu.vector_load %arg12[%swap3A_558, %swap3A_559] {strides = array<i32>} : memref<112x128xf32, #tpu.memory_space<vmem>>, vector<16xf32>,
      tpu.vector_store %arg12[%swap3A_558, %swap3A_559], %add3A_557 {strides = array<i32>} : memref<112x128xf32, #tpu.memory_space<vmem>>, vector<16xf32>,
      %get3A_561 = arith.constant 0 : i32
      %get3A_562 = arith.constant 0 : i32
      %get3A_563 = tpu.memref_slice %arg9[%scan3A_280, %get3A_561, %get3A_562] : memref<2x112x128xf32, #tpu.memory_space<vmem>> -> memref<1x112x128xf32, #tpu.memory_space<vmem>>
      %get3A_564 = tpu.memref_squeeze %get3A_563 : memref<1x112x128xf32, #tpu.memory_space<vmem>> -> memref<112x128xf32, #tpu.memory_space<vmem>>
      %get3A_565 = arith.index_cast %add3A_510 : i32 to index
      %get3A_566 = arith.constant 32 : index
      %get3A_567 = tpu.vector_load %get3A_564[%get3A_565, %get3A_566] {strides = array<i32>} : memref<112x128xf32, #tpu.memory_space<vmem>>, vector<16xf32>,
      %get3A_568 = arith.constant 0 : i32
      %get3A_569 = arith.constant 0 : i32
      %get3A_570 = tpu.memref_slice %arg10[%scan3A_281, %get3A_568, %get3A_569] : memref<2x112x128xf32, #tpu.memory_space<vmem>> -> memref<1x112x128xf32, #tpu.memory_space<vmem>>
      %get3A_571 = tpu.memref_squeeze %get3A_570 : memref<1x112x128xf32, #tpu.memory_space<vmem>> -> memref<112x128xf32, #tpu.memory_space<vmem>>
      %get3A_572 = arith.index_cast %add3A_510 : i32 to index
      %get3A_573 = arith.constant 32 : index
      %get3A_574 = tpu.vector_load %get3A_571[%get3A_572, %get3A_573] {strides = array<i32>} : memref<112x128xf32, #tpu.memory_space<vmem>>, vector<16xf32>,
      %mul3A_575 = arith.mulf %get3A_567, %get3A_574 : vector<16xf32>
      %get3A_576 = arith.constant 0 : i32
      %get3A_577 = arith.constant 0 : i32
      %get3A_578 = tpu.memref_slice %arg11[%scan3A_282, %get3A_576, %get3A_577] : memref<2x112x128xf32, #tpu.memory_space<vmem>> -> memref<1x112x128xf32, #tpu.memory_space<vmem>>
      %get3A_579 = tpu.memref_squeeze %get3A_578 : memref<1x112x128xf32, #tpu.memory_space<vmem>> -> memref<112x128xf32, #tpu.memory_space<vmem>>
      %get3A_580 = arith.index_cast %add3A_510 : i32 to index
      %get3A_581 = arith.constant 32 : index
      %get3A_582 = tpu.vector_load %get3A_579[%get3A_580, %get3A_581] {strides = array<i32>} : memref<112x128xf32, #tpu.memory_space<vmem>>, vector<16xf32>,
      %add3A_583 = arith.addf %mul3A_575, %get3A_582 : vector<16xf32>
      %swap3A_584 = arith.index_cast %add3A_510 : i32 to index
      %swap3A_585 = arith.constant 32 : index
      %swap3A_586 = tpu.vector_load %arg12[%swap3A_584, %swap3A_585] {strides = array<i32>} : memref<112x128xf32, #tpu.memory_space<vmem>>, vector<16xf32>,
      tpu.vector_store %arg12[%swap3A_584, %swap3A_585], %add3A_583 {strides = array<i32>} : memref<112x128xf32, #tpu.memory_space<vmem>>, vector<16xf32>,
      %get3A_587 = arith.constant 0 : i32
      %get3A_588 = arith.constant 0 : i32
      %get3A_589 = tpu.memref_slice %arg9[%scan3A_280, %get3A_587, %get3A_588] : memref<2x112x128xf32, #tpu.memory_space<vmem>> -> memref<1x112x128xf32, #tpu.memory_space<vmem>>
      %get3A_590 = tpu.memref_squeeze %get3A_589 : memref<1x112x128xf32, #tpu.memory_space<vmem>> -> memref<112x128xf32, #tpu.memory_space<vmem>>
      %get3A_591 = arith.index_cast %add3A_510 : i32 to index
      %get3A_592 = arith.constant 48 : index
      %get3A_593 = tpu.vector_load %get3A_590[%get3A_591, %get3A_592] {strides = array<i32>} : memref<112x128xf32, #tpu.memory_space<vmem>>, vector<16xf32>,
      %get3A_594 = arith.constant 0 : i32
      %get3A_595 = arith.constant 0 : i32
      %get3A_596 = tpu.memref_slice %arg10[%scan3A_281, %get3A_594, %get3A_595] : memref<2x112x128xf32, #tpu.memory_space<vmem>> -> memref<1x112x128xf32, #tpu.memory_space<vmem>>
      %get3A_597 = tpu.memref_squeeze %get3A_596 : memref<1x112x128xf32, #tpu.memory_space<vmem>> -> memref<112x128xf32, #tpu.memory_space<vmem>>
      %get3A_598 = arith.index_cast %add3A_510 : i32 to index
      %get3A_599 = arith.constant 48 : index
      %get3A_600 = tpu.vector_load %get3A_597[%get3A_598, %get3A_599] {strides = array<i32>} : memref<112x128xf32, #tpu.memory_space<vmem>>, vector<16xf32>,
      %mul3A_601 = arith.mulf %get3A_593, %get3A_600 : vector<16xf32>
      %get3A_602 = arith.constant 0 : i32
      %get3A_603 = arith.constant 0 : i32
      %get3A_604 = tpu.memref_slice %arg11[%scan3A_282, %get3A_602, %get3A_603] : memref<2x112x128xf32, #tpu.memory_space<vmem>> -> memref<1x112x128xf32, #tpu.memory_space<vmem>>
      %get3A_605 = tpu.memref_squeeze %get3A_604 : memref<1x112x128xf32, #tpu.memory_space<vmem>> -> memref<112x128xf32, #tpu.memory_space<vmem>>
      %get3A_606 = arith.index_cast %add3A_510 : i32 to index
      %get3A_607 = arith.constant 48 : index
      %get3A_608 = tpu.vector_load %get3A_605[%get3A_606, %get3A_607] {strides = array<i32>} : memref<112x128xf32, #tpu.memory_space<vmem>>, vector<16xf32>,
      %add3A_609 = arith.addf %mul3A_601, %get3A_608 : vector<16xf32>
      %swap3A_610 = arith.index_cast %add3A_510 : i32 to index
      %swap3A_611 = arith.constant 48 : index
      %swap3A_612 = tpu.vector_load %arg12[%swap3A_610, %swap3A_611] {strides = array<i32>} : memref<112x128xf32, #tpu.memory_space<vmem>>, vector<16xf32>,
      tpu.vector_store %arg12[%swap3A_610, %swap3A_611], %add3A_609 {strides = array<i32>} : memref<112x128xf32, #tpu.memory_space<vmem>>, vector<16xf32>,
      %get3A_613 = arith.constant 0 : i32
      %get3A_614 = arith.constant 0 : i32
      %get3A_615 = tpu.memref_slice %arg9[%scan3A_280, %get3A_613, %get3A_614] : memref<2x112x128xf32, #tpu.memory_space<vmem>> -> memref<1x112x128xf32, #tpu.memory_space<vmem>>
      %get3A_616 = tpu.memref_squeeze %get3A_615 : memref<1x112x128xf32, #tpu.memory_space<vmem>> -> memref<112x128xf32, #tpu.memory_space<vmem>>
      %get3A_617 = arith.index_cast %add3A_510 : i32 to index
      %get3A_618 = arith.constant 64 : index
      %get3A_619 = tpu.vector_load %get3A_616[%get3A_617, %get3A_618] {strides = array<i32>} : memref<112x128xf32, #tpu.memory_space<vmem>>, vector<16xf32>,
      %get3A_620 = arith.constant 0 : i32
      %get3A_621 = arith.constant 0 : i32
      %get3A_622 = tpu.memref_slice %arg10[%scan3A_281, %get3A_620, %get3A_621] : memref<2x112x128xf32, #tpu.memory_space<vmem>> -> memref<1x112x128xf32, #tpu.memory_space<vmem>>
      %get3A_623 = tpu.memref_squeeze %get3A_622 : memref<1x112x128xf32, #tpu.memory_space<vmem>> -> memref<112x128xf32, #tpu.memory_space<vmem>>
      %get3A_624 = arith.index_cast %add3A_510 : i32 to index
      %get3A_625 = arith.constant 64 : index
      %get3A_626 = tpu.vector_load %get3A_623[%get3A_624, %get3A_625] {strides = array<i32>} : memref<112x128xf32, #tpu.memory_space<vmem>>, vector<16xf32>,
      %mul3A_627 = arith.mulf %get3A_619, %get3A_626 : vector<16xf32>
      %get3A_628 = arith.constant 0 : i32
      %get3A_629 = arith.constant 0 : i32
      %get3A_630 = tpu.memref_slice %arg11[%scan3A_282, %get3A_628, %get3A_629] : memref<2x112x128xf32, #tpu.memory_space<vmem>> -> memref<1x112x128xf32, #tpu.memory_space<vmem>>
      %get3A_631 = tpu.memref_squeeze %get3A_630 : memref<1x112x128xf32, #tpu.memory_space<vmem>> -> memref<112x128xf32, #tpu.memory_space<vmem>>
      %get3A_632 = arith.index_cast %add3A_510 : i32 to index
      %get3A_633 = arith.constant 64 : index
      %get3A_634 = tpu.vector_load %get3A_631[%get3A_632, %get3A_633] {strides = array<i32>} : memref<112x128xf32, #tpu.memory_space<vmem>>, vector<16xf32>,
      %add3A_635 = arith.addf %mul3A_627, %get3A_634 : vector<16xf32>
      %swap3A_636 = arith.index_cast %add3A_510 : i32 to index
      %swap3A_637 = arith.constant 64 : index
      %swap3A_638 = tpu.vector_load %arg12[%swap3A_636, %swap3A_637] {strides = array<i32>} : memref<112x128xf32, #tpu.memory_space<vmem>>, vector<16xf32>,
      tpu.vector_store %arg12[%swap3A_636, %swap3A_637], %add3A_635 {strides = array<i32>} : memref<112x128xf32, #tpu.memory_space<vmem>>, vector<16xf32>,
      %get3A_639 = arith.constant 0 : i32
      %get3A_640 = arith.constant 0 : i32
      %get3A_641 = tpu.memref_slice %arg9[%scan3A_280, %get3A_639, %get3A_640] : memref<2x112x128xf32, #tpu.memory_space<vmem>> -> memref<1x112x128xf32, #tpu.memory_space<vmem>>
      %get3A_642 = tpu.memref_squeeze %get3A_641 : memref<1x112x128xf32, #tpu.memory_space<vmem>> -> memref<112x128xf32, #tpu.memory_space<vmem>>
      %get3A_643 = arith.index_cast %add3A_510 : i32 to index
      %get3A_644 = arith.constant 80 : index
      %get3A_645 = tpu.vector_load %get3A_642[%get3A_643, %get3A_644] {strides = array<i32>} : memref<112x128xf32, #tpu.memory_space<vmem>>, vector<16xf32>,
      %get3A_646 = arith.constant 0 : i32
      %get3A_647 = arith.constant 0 : i32
      %get3A_648 = tpu.memref_slice %arg10[%scan3A_281, %get3A_646, %get3A_647] : memref<2x112x128xf32, #tpu.memory_space<vmem>> -> memref<1x112x128xf32, #tpu.memory_space<vmem>>
      %get3A_649 = tpu.memref_squeeze %get3A_648 : memref<1x112x128xf32, #tpu.memory_space<vmem>> -> memref<112x128xf32, #tpu.memory_space<vmem>>
      %get3A_650 = arith.index_cast %add3A_510 : i32 to index
      %get3A_651 = arith.constant 80 : index
      %get3A_652 = tpu.vector_load %get3A_649[%get3A_650, %get3A_651] {strides = array<i32>} : memref<112x128xf32, #tpu.memory_space<vmem>>, vector<16xf32>,
      %mul3A_653 = arith.mulf %get3A_645, %get3A_652 : vector<16xf32>
      %get3A_654 = arith.constant 0 : i32
      %get3A_655 = arith.constant 0 : i32
      %get3A_656 = tpu.memref_slice %arg11[%scan3A_282, %get3A_654, %get3A_655] : memref<2x112x128xf32, #tpu.memory_space<vmem>> -> memref<1x112x128xf32, #tpu.memory_space<vmem>>
      %get3A_657 = tpu.memref_squeeze %get3A_656 : memref<1x112x128xf32, #tpu.memory_space<vmem>> -> memref<112x128xf32, #tpu.memory_space<vmem>>
      %get3A_658 = arith.index_cast %add3A_510 : i32 to index
      %get3A_659 = arith.constant 80 : index
      %get3A_660 = tpu.vector_load %get3A_657[%get3A_658, %get3A_659] {strides = array<i32>} : memref<112x128xf32, #tpu.memory_space<vmem>>, vector<16xf32>,
      %add3A_661 = arith.addf %mul3A_653, %get3A_660 : vector<16xf32>
      %swap3A_662 = arith.index_cast %add3A_510 : i32 to index
      %swap3A_663 = arith.constant 80 : index
      %swap3A_664 = tpu.vector_load %arg12[%swap3A_662, %swap3A_663] {strides = array<i32>} : memref<112x128xf32, #tpu.memory_space<vmem>>, vector<16xf32>,
      tpu.vector_store %arg12[%swap3A_662, %swap3A_663], %add3A_661 {strides = array<i32>} : memref<112x128xf32, #tpu.memory_space<vmem>>, vector<16xf32>,
      %get3A_665 = arith.constant 0 : i32
      %get3A_666 = arith.constant 0 : i32
      %get3A_667 = tpu.memref_slice %arg9[%scan3A_280, %get3A_665, %get3A_666] : memref<2x112x128xf32, #tpu.memory_space<vmem>> -> memref<1x112x128xf32, #tpu.memory_space<vmem>>
      %get3A_668 = tpu.memref_squeeze %get3A_667 : memref<1x112x128xf32, #tpu.memory_space<vmem>> -> memref<112x128xf32, #tpu.memory_space<vmem>>
      %get3A_669 = arith.index_cast %add3A_510 : i32 to index
      %get3A_670 = arith.constant 96 : index
      %get3A_671 = tpu.vector_load %get3A_668[%get3A_669, %get3A_670] {strides = array<i32>} : memref<112x128xf32, #tpu.memory_space<vmem>>, vector<16xf32>,
      %get3A_672 = arith.constant 0 : i32
      %get3A_673 = arith.constant 0 : i32
      %get3A_674 = tpu.memref_slice %arg10[%scan3A_281, %get3A_672, %get3A_673] : memref<2x112x128xf32, #tpu.memory_space<vmem>> -> memref<1x112x128xf32, #tpu.memory_space<vmem>>
      %get3A_675 = tpu.memref_squeeze %get3A_674 : memref<1x112x128xf32, #tpu.memory_space<vmem>> -> memref<112x128xf32, #tpu.memory_space<vmem>>
      %get3A_676 = arith.index_cast %add3A_510 : i32 to index
      %get3A_677 = arith.constant 96 : index
      %get3A_678 = tpu.vector_load %get3A_675[%get3A_676, %get3A_677] {strides = array<i32>} : memref<112x128xf32, #tpu.memory_space<vmem>>, vector<16xf32>,
      %mul3A_679 = arith.mulf %get3A_671, %get3A_678 : vector<16xf32>
      %get3A_680 = arith.constant 0 : i32
      %get3A_681 = arith.constant 0 : i32
      %get3A_682 = tpu.memref_slice %arg11[%scan3A_282, %get3A_680, %get3A_681] : memref<2x112x128xf32, #tpu.memory_space<vmem>> -> memref<1x112x128xf32, #tpu.memory_space<vmem>>
      %get3A_683 = tpu.memref_squeeze %get3A_682 : memref<1x112x128xf32, #tpu.memory_space<vmem>> -> memref<112x128xf32, #tpu.memory_space<vmem>>
      %get3A_684 = arith.index_cast %add3A_510 : i32 to index
      %get3A_685 = arith.constant 96 : index
      %get3A_686 = tpu.vector_load %get3A_683[%get3A_684, %get3A_685] {strides = array<i32>} : memref<112x128xf32, #tpu.memory_space<vmem>>, vector<16xf32>,
      %add3A_687 = arith.addf %mul3A_679, %get3A_686 : vector<16xf32>
      %swap3A_688 = arith.index_cast %add3A_510 : i32 to index
      %swap3A_689 = arith.constant 96 : index
      %swap3A_690 = tpu.vector_load %arg12[%swap3A_688, %swap3A_689] {strides = array<i32>} : memref<112x128xf32, #tpu.memory_space<vmem>>, vector<16xf32>,
      tpu.vector_store %arg12[%swap3A_688, %swap3A_689], %add3A_687 {strides = array<i32>} : memref<112x128xf32, #tpu.memory_space<vmem>>, vector<16xf32>,
      %get3A_691 = arith.constant 0 : i32
      %get3A_692 = arith.constant 0 : i32
      %get3A_693 = tpu.memref_slice %arg9[%scan3A_280, %get3A_691, %get3A_692] : memref<2x112x128xf32, #tpu.memory_space<vmem>> -> memref<1x112x128xf32, #tpu.memory_space<vmem>>
      %get3A_694 = tpu.memref_squeeze %get3A_693 : memref<1x112x128xf32, #tpu.memory_space<vmem>> -> memref<112x128xf32, #tpu.memory_space<vmem>>
      %get3A_695 = arith.index_cast %add3A_510 : i32 to index
      %get3A_696 = arith.constant 112 : index
      %get3A_697 = tpu.vector_load %get3A_694[%get3A_695, %get3A_696] {strides = array<i32>} : memref<112x128xf32, #tpu.memory_space<vmem>>, vector<16xf32>,
      %get3A_698 = arith.constant 0 : i32
      %get3A_699 = arith.constant 0 : i32
      %get3A_700 = tpu.memref_slice %arg10[%scan3A_281, %get3A_698, %get3A_699] : memref<2x112x128xf32, #tpu.memory_space<vmem>> -> memref<1x112x128xf32, #tpu.memory_space<vmem>>
      %get3A_701 = tpu.memref_squeeze %get3A_700 : memref<1x112x128xf32, #tpu.memory_space<vmem>> -> memref<112x128xf32, #tpu.memory_space<vmem>>
      %get3A_702 = arith.index_cast %add3A_510 : i32 to index
      %get3A_703 = arith.constant 112 : index
      %get3A_704 = tpu.vector_load %get3A_701[%get3A_702, %get3A_703] {strides = array<i32>} : memref<112x128xf32, #tpu.memory_space<vmem>>, vector<16xf32>,
      %mul3A_705 = arith.mulf %get3A_697, %get3A_704 : vector<16xf32>
      %get3A_706 = arith.constant 0 : i32
      %get3A_707 = arith.constant 0 : i32
      %get3A_708 = tpu.memref_slice %arg11[%scan3A_282, %get3A_706, %get3A_707] : memref<2x112x128xf32, #tpu.memory_space<vmem>> -> memref<1x112x128xf32, #tpu.memory_space<vmem>>
      %get3A_709 = tpu.memref_squeeze %get3A_708 : memref<1x112x128xf32, #tpu.memory_space<vmem>> -> memref<112x128xf32, #tpu.memory_space<vmem>>
      %get3A_710 = arith.index_cast %add3A_510 : i32 to index
      %get3A_711 = arith.constant 112 : index
      %get3A_712 = tpu.vector_load %get3A_709[%get3A_710, %get3A_711] {strides = array<i32>} : memref<112x128xf32, #tpu.memory_space<vmem>>, vector<16xf32>,
      %add3A_713 = arith.addf %mul3A_705, %get3A_712 : vector<16xf32>
      %swap3A_714 = arith.index_cast %add3A_510 : i32 to index
      %swap3A_715 = arith.constant 112 : index
      %swap3A_716 = tpu.vector_load %arg12[%swap3A_714, %swap3A_715] {strides = array<i32>} : memref<112x128xf32, #tpu.memory_space<vmem>>, vector<16xf32>,
      tpu.vector_store %arg12[%swap3A_714, %swap3A_715], %add3A_713 {strides = array<i32>} : memref<112x128xf32, #tpu.memory_space<vmem>>, vector<16xf32>,
    }
    %scan3A_287 = arith.constant 112 : i32
    %add3A_288 = arith.constant 112 : i32
    %add3A_289 = arith.addi %mul3A_2, %add3A_288 : i32
    %dma_start3A_290 = arith.constant 0 : i32
    %dma_start3A_291 = tpu.memref_slice %arg6[%add3A_289, %dma_start3A_290] : memref<200704x128xf32, #tpu.memory_space<hbm>> -> memref<112x128xf32, #tpu.memory_space<hbm>>
    %dma_start3A_292 = arith.constant 0 : i32
    %dma_start3A_293 = tpu.memref_slice %arg6[%add3A_289, %dma_start3A_292] : memref<200704x128xf32, #tpu.memory_space<hbm>> -> memref<112x128xf32, #tpu.memory_space<hbm>>
    tpu.enqueue_dma source(%arg12 : memref<112x128xf32, #tpu.memory_space<vmem>>) target(%dma_start3A_293 : memref<112x128xf32, #tpu.memory_space<hbm>>) target_semaphore(%arg14 : memref<!tpu.dma_semaphore, #tpu.memory_space<semaphore_mem>>)
    %add3A_294 = arith.constant 336 : i32
    %add3A_295 = arith.addi %mul3A_2, %add3A_294 : i32
    %dma_start3A_296 = arith.constant 1 : i32
    %dma_start3A_297 = arith.constant 1 : i32
    %dma_start3A_298 = arith.constant 0 : i32
    %dma_start3A_299 = arith.constant 0 : i32
    %dma_start3A_300 = arith.constant 0 : i32
    %dma_start3A_301 = tpu.memref_slice %arg11[%dma_start3A_296, %dma_start3A_299, %dma_start3A_300] : memref<2x112x128xf32, #tpu.memory_space<vmem>> -> memref<1x112x128xf32, #tpu.memory_space<vmem>>
    %dma_start3A_302 = tpu.memref_squeeze %dma_start3A_301 : memref<1x112x128xf32, #tpu.memory_space<vmem>> -> memref<112x128xf32, #tpu.memory_space<vmem>>
    %dma_start3A_303 = arith.constant 336 : i32
    %dma_start3A_304 = tpu.memref_slice %arg8[%dma_start3A_303] : memref<6272xi32, #tpu.memory_space<vmem>> -> memref<112xi32, #tpu.memory_space<vmem>>
    %dma_start3A_305 = arith.constant 0 : i32
    %dma_start3A_306 = arith.constant 0 : i32
    %dma_start3A_307 = tpu.memref_slice %arg2[%dma_start3A_305, %dma_start3A_306] : memref<50176x128xf32, #tpu.memory_space<hbm>> -> memref<50176x128xf32, #tpu.memory_space<hbm>>
    %dma_start3A_308 = tpu.memref_slice %arg13[%dma_start3A_297, %dma_start3A_298] : memref<2x3x!tpu.dma_semaphore, #tpu.memory_space<semaphore_mem>> -> memref<1x1x!tpu.dma_semaphore, #tpu.memory_space<semaphore_mem>>
    %dma_start3A_309 = tpu.memref_squeeze %dma_start3A_308 : memref<1x1x!tpu.dma_semaphore, #tpu.memory_space<semaphore_mem>> -> memref<!tpu.dma_semaphore, #tpu.memory_space<semaphore_mem>>
    tpu.enqueue_indirect_dma source(%dma_start3A_307 : memref<50176x128xf32, #tpu.memory_space<hbm>>) target(%dma_start3A_302 : memref<112x128xf32, #tpu.memory_space<vmem>>) offsets(%dma_start3A_304 : memref<112xi32, #tpu.memory_space<vmem>>) semaphore(%dma_start3A_309 : memref<!tpu.dma_semaphore, #tpu.memory_space<semaphore_mem>>)
    %dma_start3A_310 = arith.constant 1 : i32
    %dma_start3A_311 = arith.constant 1 : i32
    %dma_start3A_312 = arith.constant 1 : i32
    %dma_start3A_313 = arith.constant 0 : i32
    %dma_start3A_314 = arith.constant 0 : i32
    %dma_start3A_315 = tpu.memref_slice %arg10[%dma_start3A_310, %dma_start3A_313, %dma_start3A_314] : memref<2x112x128xf32, #tpu.memory_space<vmem>> -> memref<1x112x128xf32, #tpu.memory_space<vmem>>
    %dma_start3A_316 = tpu.memref_squeeze %dma_start3A_315 : memref<1x112x128xf32, #tpu.memory_space<vmem>> -> memref<112x128xf32, #tpu.memory_space<vmem>>
    %dma_start3A_317 = arith.constant 336 : i32
    %dma_start3A_318 = tpu.memref_slice %arg8[%dma_start3A_317] : memref<6272xi32, #tpu.memory_space<vmem>> -> memref<112xi32, #tpu.memory_space<vmem>>
    %dma_start3A_319 = arith.constant 0 : i32
    %dma_start3A_320 = arith.constant 0 : i32
    %dma_start3A_321 = tpu.memref_slice %arg3[%dma_start3A_319, %dma_start3A_320] : memref<50176x128xf32, #tpu.memory_space<hbm>> -> memref<50176x128xf32, #tpu.memory_space<hbm>>
    %dma_start3A_322 = tpu.memref_slice %arg13[%dma_start3A_311, %dma_start3A_312] : memref<2x3x!tpu.dma_semaphore, #tpu.memory_space<semaphore_mem>> -> memref<1x1x!tpu.dma_semaphore, #tpu.memory_space<semaphore_mem>>
    %dma_start3A_323 = tpu.memref_squeeze %dma_start3A_322 : memref<1x1x!tpu.dma_semaphore, #tpu.memory_space<semaphore_mem>> -> memref<!tpu.dma_semaphore, #tpu.memory_space<semaphore_mem>>
    tpu.enqueue_indirect_dma source(%dma_start3A_321 : memref<50176x128xf32, #tpu.memory_space<hbm>>) target(%dma_start3A_316 : memref<112x128xf32, #tpu.memory_space<vmem>>) offsets(%dma_start3A_318 : memref<112xi32, #tpu.memory_space<vmem>>) semaphore(%dma_start3A_323 : memref<!tpu.dma_semaphore, #tpu.memory_space<semaphore_mem>>)
    %dma_start3A_324 = arith.constant 1 : i32
    %dma_start3A_325 = arith.constant 1 : i32
    %dma_start3A_326 = arith.constant 2 : i32
    %dma_start3A_327 = arith.constant 0 : i32
    %dma_start3A_328 = arith.constant 0 : i32
    %dma_start3A_329 = tpu.memref_slice %arg9[%dma_start3A_324, %dma_start3A_327, %dma_start3A_328] : memref<2x112x128xf32, #tpu.memory_space<vmem>> -> memref<1x112x128xf32, #tpu.memory_space<vmem>>
    %dma_start3A_330 = tpu.memref_squeeze %dma_start3A_329 : memref<1x112x128xf32, #tpu.memory_space<vmem>> -> memref<112x128xf32, #tpu.memory_space<vmem>>
    %dma_start3A_331 = arith.constant 0 : i32
    %dma_start3A_332 = tpu.memref_slice %arg4[%add3A_295, %dma_start3A_331] : memref<200704x128xf32, #tpu.memory_space<hbm>> -> memref<112x128xf32, #tpu.memory_space<hbm>>
    %dma_start3A_333 = tpu.memref_slice %arg13[%dma_start3A_325, %dma_start3A_326] : memref<2x3x!tpu.dma_semaphore, #tpu.memory_space<semaphore_mem>> -> memref<1x1x!tpu.dma_semaphore, #tpu.memory_space<semaphore_mem>>
    %dma_start3A_334 = tpu.memref_squeeze %dma_start3A_333 : memref<1x1x!tpu.dma_semaphore, #tpu.memory_space<semaphore_mem>> -> memref<!tpu.dma_semaphore, #tpu.memory_space<semaphore_mem>>
    %dma_start3A_335 = arith.constant 0 : i32
    %dma_start3A_336 = arith.constant 0 : i32
    %dma_start3A_337 = tpu.memref_slice %arg9[%dma_start3A_324, %dma_start3A_335, %dma_start3A_336] : memref<2x112x128xf32, #tpu.memory_space<vmem>> -> memref<1x112x128xf32, #tpu.memory_space<vmem>>
    %dma_start3A_338 = tpu.memref_squeeze %dma_start3A_337 : memref<1x112x128xf32, #tpu.memory_space<vmem>> -> memref<112x128xf32, #tpu.memory_space<vmem>>
    %dma_start3A_339 = arith.constant 0 : i32
    %dma_start3A_340 = tpu.memref_slice %arg4[%add3A_295, %dma_start3A_339] : memref<200704x128xf32, #tpu.memory_space<hbm>> -> memref<112x128xf32, #tpu.memory_space<hbm>>
    tpu.enqueue_dma source(%dma_start3A_340 : memref<112x128xf32, #tpu.memory_space<hbm>>) target(%dma_start3A_338 : memref<112x128xf32, #tpu.memory_space<vmem>>) target_semaphore(%dma_start3A_334 : memref<!tpu.dma_semaphore, #tpu.memory_space<semaphore_mem>>)
    %scan3A_341 = arith.constant 0 : i32
    %scan3A_342 = arith.constant 26 : i32
    %scan3A_343 = arith.addi %scan3A_341, %scan3A_342 : i32
    %scan3A_344 = arith.constant 1 : i32
    scf.for %scan3A_506 = %scan3A_341 to %scan3A_343 step %scan3A_344  : i32 {
      %mul3A_507 = arith.constant 2 : i32
      %mul3A_508 = arith.muli %scan3A_506, %mul3A_507 : i32
      %add3A_509 = arith.constant 2 : i32
      %add3A_510 = arith.addi %add3A_509, %mul3A_508 : i32
      %dma_wait3A_511 = arith.constant 0 : i32
      %dma_wait3A_512 = arith.constant 0 : i32
      %dma_wait3A_513 = arith.constant 0 : i32
      %dma_wait3A_514 = arith.constant 0 : i32
      %dma_wait3A_515 = arith.constant 0 : i32
      %dma_wait3A_516 = tpu.memref_slice %arg11[%dma_wait3A_511, %dma_wait3A_514, %dma_wait3A_515] : memref<2x112x128xf32, #tpu.memory_space<vmem>> -> memref<1x112x128xf32, #tpu.memory_space<vmem>>
      %dma_wait3A_517 = tpu.memref_squeeze %dma_wait3A_516 : memref<1x112x128xf32, #tpu.memory_space<vmem>> -> memref<112x128xf32, #tpu.memory_space<vmem>>
      %dma_wait3A_518 = arith.constant 0 : i32
      %dma_wait3A_519 = arith.constant 0 : i32
      %dma_wait3A_520 = tpu.memref_slice %arg2[%dma_wait3A_518, %dma_wait3A_519] : memref<50176x128xf32, #tpu.memory_space<hbm>> -> memref<112x128xf32, #tpu.memory_space<hbm>>
      %dma_wait3A_521 = tpu.memref_slice %arg13[%dma_wait3A_512, %dma_wait3A_513] : memref<2x3x!tpu.dma_semaphore, #tpu.memory_space<semaphore_mem>> -> memref<1x1x!tpu.dma_semaphore, #tpu.memory_space<semaphore_mem>>
      %dma_wait3A_522 = tpu.memref_squeeze %dma_wait3A_521 : memref<1x1x!tpu.dma_semaphore, #tpu.memory_space<semaphore_mem>> -> memref<!tpu.dma_semaphore, #tpu.memory_space<semaphore_mem>>
      %dma_wait3A_523 = arith.constant 0 : i32
      %dma_wait3A_524 = arith.constant 0 : i32
      %dma_wait3A_525 = tpu.memref_slice %arg11[%dma_wait3A_511, %dma_wait3A_523, %dma_wait3A_524] : memref<2x112x128xf32, #tpu.memory_space<vmem>> -> memref<1x112x128xf32, #tpu.memory_space<vmem>>
      %dma_wait3A_526 = tpu.memref_squeeze %dma_wait3A_525 : memref<1x112x128xf32, #tpu.memory_space<vmem>> -> memref<112x128xf32, #tpu.memory_space<vmem>>
      %dma_wait3A_527 = arith.constant 0 : i32
      %dma_wait3A_528 = arith.constant 0 : i32
      %dma_wait3A_529 = tpu.memref_slice %arg2[%dma_wait3A_527, %dma_wait3A_528] : memref<50176x128xf32, #tpu.memory_space<hbm>> -> memref<112x128xf32, #tpu.memory_space<hbm>>
      tpu.wait_dma2 semaphore(%dma_wait3A_522 : memref<!tpu.dma_semaphore, #tpu.memory_space<semaphore_mem>>) src(%dma_wait3A_529 : memref<112x128xf32, #tpu.memory_space<hbm>>) dst(%dma_wait3A_526 : memref<112x128xf32, #tpu.memory_space<vmem>>)
      %dma_wait3A_530 = arith.constant 0 : i32
      %dma_wait3A_531 = arith.constant 0 : i32
      %dma_wait3A_532 = arith.constant 1 : i32
      %dma_wait3A_533 = arith.constant 0 : i32
      %dma_wait3A_534 = arith.constant 0 : i32
      %dma_wait3A_535 = tpu.memref_slice %arg10[%dma_wait3A_530, %dma_wait3A_533, %dma_wait3A_534] : memref<2x112x128xf32, #tpu.memory_space<vmem>> -> memref<1x112x128xf32, #tpu.memory_space<vmem>>
      %dma_wait3A_536 = tpu.memref_squeeze %dma_wait3A_535 : memref<1x112x128xf32, #tpu.memory_space<vmem>> -> memref<112x128xf32, #tpu.memory_space<vmem>>
      %dma_wait3A_537 = arith.constant 0 : i32
      %dma_wait3A_538 = arith.constant 0 : i32
      %dma_wait3A_539 = tpu.memref_slice %arg3[%dma_wait3A_537, %dma_wait3A_538] : memref<50176x128xf32, #tpu.memory_space<hbm>> -> memref<112x128xf32, #tpu.memory_space<hbm>>
      %dma_wait3A_540 = tpu.memref_slice %arg13[%dma_wait3A_531, %dma_wait3A_532] : memref<2x3x!tpu.dma_semaphore, #tpu.memory_space<semaphore_mem>> -> memref<1x1x!tpu.dma_semaphore, #tpu.memory_space<semaphore_mem>>
      %dma_wait3A_541 = tpu.memref_squeeze %dma_wait3A_540 : memref<1x1x!tpu.dma_semaphore, #tpu.memory_space<semaphore_mem>> -> memref<!tpu.dma_semaphore, #tpu.memory_space<semaphore_mem>>
      %dma_wait3A_542 = arith.constant 0 : i32
      %dma_wait3A_543 = arith.constant 0 : i32
      %dma_wait3A_544 = tpu.memref_slice %arg10[%dma_wait3A_530, %dma_wait3A_542, %dma_wait3A_543] : memref<2x112x128xf32, #tpu.memory_space<vmem>> -> memref<1x112x128xf32, #tpu.memory_space<vmem>>
      %dma_wait3A_545 = tpu.memref_squeeze %dma_wait3A_544 : memref<1x112x128xf32, #tpu.memory_space<vmem>> -> memref<112x128xf32, #tpu.memory_space<vmem>>
      %dma_wait3A_546 = arith.constant 0 : i32
      %dma_wait3A_547 = arith.constant 0 : i32
      %dma_wait3A_548 = tpu.memref_slice %arg3[%dma_wait3A_546, %dma_wait3A_547] : memref<50176x128xf32, #tpu.memory_space<hbm>> -> memref<112x128xf32, #tpu.memory_space<hbm>>
      tpu.wait_dma2 semaphore(%dma_wait3A_541 : memref<!tpu.dma_semaphore, #tpu.memory_space<semaphore_mem>>) src(%dma_wait3A_548 : memref<112x128xf32, #tpu.memory_space<hbm>>) dst(%dma_wait3A_545 : memref<112x128xf32, #tpu.memory_space<vmem>>)
      %dma_wait3A_549 = arith.constant 0 : i32
      %dma_wait3A_550 = arith.constant 0 : i32
      %dma_wait3A_551 = arith.constant 2 : i32
      %dma_wait3A_552 = arith.constant 0 : i32
      %dma_wait3A_553 = arith.constant 0 : i32
      %dma_wait3A_554 = tpu.memref_slice %arg9[%dma_wait3A_549, %dma_wait3A_552, %dma_wait3A_553] : memref<2x112x128xf32, #tpu.memory_space<vmem>> -> memref<1x112x128xf32, #tpu.memory_space<vmem>>
      %dma_wait3A_555 = tpu.memref_squeeze %dma_wait3A_554 : memref<1x112x128xf32, #tpu.memory_space<vmem>> -> memref<112x128xf32, #tpu.memory_space<vmem>>
      %dma_wait3A_556 = arith.constant 0 : i32
      %dma_wait3A_557 = arith.constant 0 : i32
      %dma_wait3A_558 = tpu.memref_slice %arg4[%dma_wait3A_556, %dma_wait3A_557] : memref<200704x128xf32, #tpu.memory_space<hbm>> -> memref<112x128xf32, #tpu.memory_space<hbm>>
      %dma_wait3A_559 = tpu.memref_slice %arg13[%dma_wait3A_550, %dma_wait3A_551] : memref<2x3x!tpu.dma_semaphore, #tpu.memory_space<semaphore_mem>> -> memref<1x1x!tpu.dma_semaphore, #tpu.memory_space<semaphore_mem>>
      %dma_wait3A_560 = tpu.memref_squeeze %dma_wait3A_559 : memref<1x1x!tpu.dma_semaphore, #tpu.memory_space<semaphore_mem>> -> memref<!tpu.dma_semaphore, #tpu.memory_space<semaphore_mem>>
      %dma_wait3A_561 = arith.constant 0 : i32
      %dma_wait3A_562 = arith.constant 0 : i32
      %dma_wait3A_563 = tpu.memref_slice %arg9[%dma_wait3A_549, %dma_wait3A_561, %dma_wait3A_562] : memref<2x112x128xf32, #tpu.memory_space<vmem>> -> memref<1x112x128xf32, #tpu.memory_space<vmem>>
      %dma_wait3A_564 = tpu.memref_squeeze %dma_wait3A_563 : memref<1x112x128xf32, #tpu.memory_space<vmem>> -> memref<112x128xf32, #tpu.memory_space<vmem>>
      %dma_wait3A_565 = arith.constant 0 : i32
      %dma_wait3A_566 = arith.constant 0 : i32
      %dma_wait3A_567 = tpu.memref_slice %arg4[%dma_wait3A_565, %dma_wait3A_566] : memref<200704x128xf32, #tpu.memory_space<hbm>> -> memref<112x128xf32, #tpu.memory_space<hbm>>
      tpu.wait_dma2 semaphore(%dma_wait3A_560 : memref<!tpu.dma_semaphore, #tpu.memory_space<semaphore_mem>>) src(%dma_wait3A_567 : memref<112x128xf32, #tpu.memory_space<hbm>>) dst(%dma_wait3A_564 : memref<112x128xf32, #tpu.memory_space<vmem>>)
      %dma_wait3A_568 = arith.constant 0 : i32
      %dma_wait3A_569 = arith.constant 0 : i32
      %dma_wait3A_570 = tpu.memref_slice %arg6[%dma_wait3A_568, %dma_wait3A_569] : memref<200704x128xf32, #tpu.memory_space<hbm>> -> memref<112x128xf32, #tpu.memory_space<hbm>>
      %dma_wait3A_571 = arith.constant 0 : i32
      %dma_wait3A_572 = arith.constant 0 : i32
      %dma_wait3A_573 = tpu.memref_slice %arg6[%dma_wait3A_571, %dma_wait3A_572] : memref<200704x128xf32, #tpu.memory_space<hbm>> -> memref<112x128xf32, #tpu.memory_space<hbm>>
      tpu.wait_dma2 semaphore(%arg14 : memref<!tpu.dma_semaphore, #tpu.memory_space<semaphore_mem>>) src(%arg12 : memref<112x128xf32, #tpu.memory_space<vmem>>) dst(%dma_wait3A_573 : memref<112x128xf32, #tpu.memory_space<hbm>>)
      %scan3A_574 = arith.constant 0 : i32
      %scan3A_575 = arith.constant 0 : i32
      %scan3A_576 = arith.constant 0 : i32
      %scan3A_577 = arith.constant 0 : i32
      %scan3A_578 = arith.constant 112 : i32
      %scan3A_579 = arith.addi %scan3A_577, %scan3A_578 : i32
      %scan3A_580 = arith.constant 1 : i32
      scf.for %scan3A_769 = %scan3A_577 to %scan3A_579 step %scan3A_580  : i32 {
        %mul3A_770 = arith.constant 1 : i32
        %mul3A_771 = arith.muli %scan3A_769, %mul3A_770 : i32
        %add3A_772 = arith.constant 0 : i32
        %add3A_773 = arith.addi %add3A_772, %mul3A_771 : i32
        %get3A = arith.constant 0 : i32
        %get3A_774 = arith.constant 0 : i32
        %get3A_775 = tpu.memref_slice %arg9[%scan3A_574, %get3A, %get3A_774] : memref<2x112x128xf32, #tpu.memory_space<vmem>> -> memref<1x112x128xf32, #tpu.memory_space<vmem>>
        %get3A_776 = tpu.memref_squeeze %get3A_775 : memref<1x112x128xf32, #tpu.memory_space<vmem>> -> memref<112x128xf32, #tpu.memory_space<vmem>>
        %get3A_777 = arith.index_cast %add3A_773 : i32 to index
        %get3A_778 = arith.constant 0 : index
        %get3A_779 = tpu.vector_load %get3A_776[%get3A_777, %get3A_778] {strides = array<i32>} : memref<112x128xf32, #tpu.memory_space<vmem>>, vector<16xf32>,
        %get3A_780 = arith.constant 0 : i32
        %get3A_781 = arith.constant 0 : i32
        %get3A_782 = tpu.memref_slice %arg10[%scan3A_575, %get3A_780, %get3A_781] : memref<2x112x128xf32, #tpu.memory_space<vmem>> -> memref<1x112x128xf32, #tpu.memory_space<vmem>>
        %get3A_783 = tpu.memref_squeeze %get3A_782 : memref<1x112x128xf32, #tpu.memory_space<vmem>> -> memref<112x128xf32, #tpu.memory_space<vmem>>
        %get3A_784 = arith.index_cast %add3A_773 : i32 to index
        %get3A_785 = arith.constant 0 : index
        %get3A_786 = tpu.vector_load %get3A_783[%get3A_784, %get3A_785] {strides = array<i32>} : memref<112x128xf32, #tpu.memory_space<vmem>>, vector<16xf32>,
        %mul3A_787 = arith.mulf %get3A_779, %get3A_786 : vector<16xf32>
        %get3A_788 = arith.constant 0 : i32
        %get3A_789 = arith.constant 0 : i32
        %get3A_790 = tpu.memref_slice %arg11[%scan3A_576, %get3A_788, %get3A_789] : memref<2x112x128xf32, #tpu.memory_space<vmem>> -> memref<1x112x128xf32, #tpu.memory_space<vmem>>
        %get3A_791 = tpu.memref_squeeze %get3A_790 : memref<1x112x128xf32, #tpu.memory_space<vmem>> -> memref<112x128xf32, #tpu.memory_space<vmem>>
        %get3A_792 = arith.index_cast %add3A_773 : i32 to index
        %get3A_793 = arith.constant 0 : index
        %get3A_794 = tpu.vector_load %get3A_791[%get3A_792, %get3A_793] {strides = array<i32>} : memref<112x128xf32, #tpu.memory_space<vmem>>, vector<16xf32>,
        %add3A_795 = arith.addf %mul3A_787, %get3A_794 : vector<16xf32>
        %swap3A = arith.index_cast %add3A_773 : i32 to index
        %swap3A_796 = arith.constant 0 : index
        %swap3A_797 = tpu.vector_load %arg12[%swap3A, %swap3A_796] {strides = array<i32>} : memref<112x128xf32, #tpu.memory_space<vmem>>, vector<16xf32>,
        tpu.vector_store %arg12[%swap3A, %swap3A_796], %add3A_795 {strides = array<i32>} : memref<112x128xf32, #tpu.memory_space<vmem>>, vector<16xf32>,
        %get3A_798 = arith.constant 0 : i32
        %get3A_799 = arith.constant 0 : i32
        %get3A_800 = tpu.memref_slice %arg9[%scan3A_574, %get3A_798, %get3A_799] : memref<2x112x128xf32, #tpu.memory_space<vmem>> -> memref<1x112x128xf32, #tpu.memory_space<vmem>>
        %get3A_801 = tpu.memref_squeeze %get3A_800 : memref<1x112x128xf32, #tpu.memory_space<vmem>> -> memref<112x128xf32, #tpu.memory_space<vmem>>
        %get3A_802 = arith.index_cast %add3A_773 : i32 to index
        %get3A_803 = arith.constant 16 : index
        %get3A_804 = tpu.vector_load %get3A_801[%get3A_802, %get3A_803] {strides = array<i32>} : memref<112x128xf32, #tpu.memory_space<vmem>>, vector<16xf32>,
        %get3A_805 = arith.constant 0 : i32
        %get3A_806 = arith.constant 0 : i32
        %get3A_807 = tpu.memref_slice %arg10[%scan3A_575, %get3A_805, %get3A_806] : memref<2x112x128xf32, #tpu.memory_space<vmem>> -> memref<1x112x128xf32, #tpu.memory_space<vmem>>
        %get3A_808 = tpu.memref_squeeze %get3A_807 : memref<1x112x128xf32, #tpu.memory_space<vmem>> -> memref<112x128xf32, #tpu.memory_space<vmem>>
        %get3A_809 = arith.index_cast %add3A_773 : i32 to index
        %get3A_810 = arith.constant 16 : index
        %get3A_811 = tpu.vector_load %get3A_808[%get3A_809, %get3A_810] {strides = array<i32>} : memref<112x128xf32, #tpu.memory_space<vmem>>, vector<16xf32>,
        %mul3A_812 = arith.mulf %get3A_804, %get3A_811 : vector<16xf32>
        %get3A_813 = arith.constant 0 : i32
        %get3A_814 = arith.constant 0 : i32
        %get3A_815 = tpu.memref_slice %arg11[%scan3A_576, %get3A_813, %get3A_814] : memref<2x112x128xf32, #tpu.memory_space<vmem>> -> memref<1x112x128xf32, #tpu.memory_space<vmem>>
        %get3A_816 = tpu.memref_squeeze %get3A_815 : memref<1x112x128xf32, #tpu.memory_space<vmem>> -> memref<112x128xf32, #tpu.memory_space<vmem>>
        %get3A_817 = arith.index_cast %add3A_773 : i32 to index
        %get3A_818 = arith.constant 16 : index
        %get3A_819 = tpu.vector_load %get3A_816[%get3A_817, %get3A_818] {strides = array<i32>} : memref<112x128xf32, #tpu.memory_space<vmem>>, vector<16xf32>,
        %add3A_820 = arith.addf %mul3A_812, %get3A_819 : vector<16xf32>
        %swap3A_821 = arith.index_cast %add3A_773 : i32 to index
        %swap3A_822 = arith.constant 16 : index
        %swap3A_823 = tpu.vector_load %arg12[%swap3A_821, %swap3A_822] {strides = array<i32>} : memref<112x128xf32, #tpu.memory_space<vmem>>, vector<16xf32>,
        tpu.vector_store %arg12[%swap3A_821, %swap3A_822], %add3A_820 {strides = array<i32>} : memref<112x128xf32, #tpu.memory_space<vmem>>, vector<16xf32>,
        %get3A_824 = arith.constant 0 : i32
        %get3A_825 = arith.constant 0 : i32
        %get3A_826 = tpu.memref_slice %arg9[%scan3A_574, %get3A_824, %get3A_825] : memref<2x112x128xf32, #tpu.memory_space<vmem>> -> memref<1x112x128xf32, #tpu.memory_space<vmem>>
        %get3A_827 = tpu.memref_squeeze %get3A_826 : memref<1x112x128xf32, #tpu.memory_space<vmem>> -> memref<112x128xf32, #tpu.memory_space<vmem>>
        %get3A_828 = arith.index_cast %add3A_773 : i32 to index
        %get3A_829 = arith.constant 32 : index
        %get3A_830 = tpu.vector_load %get3A_827[%get3A_828, %get3A_829] {strides = array<i32>} : memref<112x128xf32, #tpu.memory_space<vmem>>, vector<16xf32>,
        %get3A_831 = arith.constant 0 : i32
        %get3A_832 = arith.constant 0 : i32
        %get3A_833 = tpu.memref_slice %arg10[%scan3A_575, %get3A_831, %get3A_832] : memref<2x112x128xf32, #tpu.memory_space<vmem>> -> memref<1x112x128xf32, #tpu.memory_space<vmem>>
        %get3A_834 = tpu.memref_squeeze %get3A_833 : memref<1x112x128xf32, #tpu.memory_space<vmem>> -> memref<112x128xf32, #tpu.memory_space<vmem>>
        %get3A_835 = arith.index_cast %add3A_773 : i32 to index
        %get3A_836 = arith.constant 32 : index
        %get3A_837 = tpu.vector_load %get3A_834[%get3A_835, %get3A_836] {strides = array<i32>} : memref<112x128xf32, #tpu.memory_space<vmem>>, vector<16xf32>,
        %mul3A_838 = arith.mulf %get3A_830, %get3A_837 : vector<16xf32>
        %get3A_839 = arith.constant 0 : i32
        %get3A_840 = arith.constant 0 : i32
        %get3A_841 = tpu.memref_slice %arg11[%scan3A_576, %get3A_839, %get3A_840] : memref<2x112x128xf32, #tpu.memory_space<vmem>> -> memref<1x112x128xf32, #tpu.memory_space<vmem>>
        %get3A_842 = tpu.memref_squeeze %get3A_841 : memref<1x112x128xf32, #tpu.memory_space<vmem>> -> memref<112x128xf32, #tpu.memory_space<vmem>>
        %get3A_843 = arith.index_cast %add3A_773 : i32 to index
        %get3A_844 = arith.constant 32 : index
        %get3A_845 = tpu.vector_load %get3A_842[%get3A_843, %get3A_844] {strides = array<i32>} : memref<112x128xf32, #tpu.memory_space<vmem>>, vector<16xf32>,
        %add3A_846 = arith.addf %mul3A_838, %get3A_845 : vector<16xf32>
        %swap3A_847 = arith.index_cast %add3A_773 : i32 to index
        %swap3A_848 = arith.constant 32 : index
        %swap3A_849 = tpu.vector_load %arg12[%swap3A_847, %swap3A_848] {strides = array<i32>} : memref<112x128xf32, #tpu.memory_space<vmem>>, vector<16xf32>,
        tpu.vector_store %arg12[%swap3A_847, %swap3A_848], %add3A_846 {strides = array<i32>} : memref<112x128xf32, #tpu.memory_space<vmem>>, vector<16xf32>,
        %get3A_850 = arith.constant 0 : i32
        %get3A_851 = arith.constant 0 : i32
        %get3A_852 = tpu.memref_slice %arg9[%scan3A_574, %get3A_850, %get3A_851] : memref<2x112x128xf32, #tpu.memory_space<vmem>> -> memref<1x112x128xf32, #tpu.memory_space<vmem>>
        %get3A_853 = tpu.memref_squeeze %get3A_852 : memref<1x112x128xf32, #tpu.memory_space<vmem>> -> memref<112x128xf32, #tpu.memory_space<vmem>>
        %get3A_854 = arith.index_cast %add3A_773 : i32 to index
        %get3A_855 = arith.constant 48 : index
        %get3A_856 = tpu.vector_load %get3A_853[%get3A_854, %get3A_855] {strides = array<i32>} : memref<112x128xf32, #tpu.memory_space<vmem>>, vector<16xf32>,
        %get3A_857 = arith.constant 0 : i32
        %get3A_858 = arith.constant 0 : i32
        %get3A_859 = tpu.memref_slice %arg10[%scan3A_575, %get3A_857, %get3A_858] : memref<2x112x128xf32, #tpu.memory_space<vmem>> -> memref<1x112x128xf32, #tpu.memory_space<vmem>>
        %get3A_860 = tpu.memref_squeeze %get3A_859 : memref<1x112x128xf32, #tpu.memory_space<vmem>> -> memref<112x128xf32, #tpu.memory_space<vmem>>
        %get3A_861 = arith.index_cast %add3A_773 : i32 to index
        %get3A_862 = arith.constant 48 : index
        %get3A_863 = tpu.vector_load %get3A_860[%get3A_861, %get3A_862] {strides = array<i32>} : memref<112x128xf32, #tpu.memory_space<vmem>>, vector<16xf32>,
        %mul3A_864 = arith.mulf %get3A_856, %get3A_863 : vector<16xf32>
        %get3A_865 = arith.constant 0 : i32
        %get3A_866 = arith.constant 0 : i32
        %get3A_867 = tpu.memref_slice %arg11[%scan3A_576, %get3A_865, %get3A_866] : memref<2x112x128xf32, #tpu.memory_space<vmem>> -> memref<1x112x128xf32, #tpu.memory_space<vmem>>
        %get3A_868 = tpu.memref_squeeze %get3A_867 : memref<1x112x128xf32, #tpu.memory_space<vmem>> -> memref<112x128xf32, #tpu.memory_space<vmem>>
        %get3A_869 = arith.index_cast %add3A_773 : i32 to index
        %get3A_870 = arith.constant 48 : index
        %get3A_871 = tpu.vector_load %get3A_868[%get3A_869, %get3A_870] {strides = array<i32>} : memref<112x128xf32, #tpu.memory_space<vmem>>, vector<16xf32>,
        %add3A_872 = arith.addf %mul3A_864, %get3A_871 : vector<16xf32>
        %swap3A_873 = arith.index_cast %add3A_773 : i32 to index
        %swap3A_874 = arith.constant 48 : index
        %swap3A_875 = tpu.vector_load %arg12[%swap3A_873, %swap3A_874] {strides = array<i32>} : memref<112x128xf32, #tpu.memory_space<vmem>>, vector<16xf32>,
        tpu.vector_store %arg12[%swap3A_873, %swap3A_874], %add3A_872 {strides = array<i32>} : memref<112x128xf32, #tpu.memory_space<vmem>>, vector<16xf32>,
        %get3A_876 = arith.constant 0 : i32
        %get3A_877 = arith.constant 0 : i32
        %get3A_878 = tpu.memref_slice %arg9[%scan3A_574, %get3A_876, %get3A_877] : memref<2x112x128xf32, #tpu.memory_space<vmem>> -> memref<1x112x128xf32, #tpu.memory_space<vmem>>
        %get3A_879 = tpu.memref_squeeze %get3A_878 : memref<1x112x128xf32, #tpu.memory_space<vmem>> -> memref<112x128xf32, #tpu.memory_space<vmem>>
        %get3A_880 = arith.index_cast %add3A_773 : i32 to index
        %get3A_881 = arith.constant 64 : index
        %get3A_882 = tpu.vector_load %get3A_879[%get3A_880, %get3A_881] {strides = array<i32>} : memref<112x128xf32, #tpu.memory_space<vmem>>, vector<16xf32>,
        %get3A_883 = arith.constant 0 : i32
        %get3A_884 = arith.constant 0 : i32
        %get3A_885 = tpu.memref_slice %arg10[%scan3A_575, %get3A_883, %get3A_884] : memref<2x112x128xf32, #tpu.memory_space<vmem>> -> memref<1x112x128xf32, #tpu.memory_space<vmem>>
        %get3A_886 = tpu.memref_squeeze %get3A_885 : memref<1x112x128xf32, #tpu.memory_space<vmem>> -> memref<112x128xf32, #tpu.memory_space<vmem>>
        %get3A_887 = arith.index_cast %add3A_773 : i32 to index
        %get3A_888 = arith.constant 64 : index
        %get3A_889 = tpu.vector_load %get3A_886[%get3A_887, %get3A_888] {strides = array<i32>} : memref<112x128xf32, #tpu.memory_space<vmem>>, vector<16xf32>,
        %mul3A_890 = arith.mulf %get3A_882, %get3A_889 : vector<16xf32>
        %get3A_891 = arith.constant 0 : i32
        %get3A_892 = arith.constant 0 : i32
        %get3A_893 = tpu.memref_slice %arg11[%scan3A_576, %get3A_891, %get3A_892] : memref<2x112x128xf32, #tpu.memory_space<vmem>> -> memref<1x112x128xf32, #tpu.memory_space<vmem>>
        %get3A_894 = tpu.memref_squeeze %get3A_893 : memref<1x112x128xf32, #tpu.memory_space<vmem>> -> memref<112x128xf32, #tpu.memory_space<vmem>>
        %get3A_895 = arith.index_cast %add3A_773 : i32 to index
        %get3A_896 = arith.constant 64 : index
        %get3A_897 = tpu.vector_load %get3A_894[%get3A_895, %get3A_896] {strides = array<i32>} : memref<112x128xf32, #tpu.memory_space<vmem>>, vector<16xf32>,
        %add3A_898 = arith.addf %mul3A_890, %get3A_897 : vector<16xf32>
        %swap3A_899 = arith.index_cast %add3A_773 : i32 to index
        %swap3A_900 = arith.constant 64 : index
        %swap3A_901 = tpu.vector_load %arg12[%swap3A_899, %swap3A_900] {strides = array<i32>} : memref<112x128xf32, #tpu.memory_space<vmem>>, vector<16xf32>,
        tpu.vector_store %arg12[%swap3A_899, %swap3A_900], %add3A_898 {strides = array<i32>} : memref<112x128xf32, #tpu.memory_space<vmem>>, vector<16xf32>,
        %get3A_902 = arith.constant 0 : i32
        %get3A_903 = arith.constant 0 : i32
        %get3A_904 = tpu.memref_slice %arg9[%scan3A_574, %get3A_902, %get3A_903] : memref<2x112x128xf32, #tpu.memory_space<vmem>> -> memref<1x112x128xf32, #tpu.memory_space<vmem>>
        %get3A_905 = tpu.memref_squeeze %get3A_904 : memref<1x112x128xf32, #tpu.memory_space<vmem>> -> memref<112x128xf32, #tpu.memory_space<vmem>>
        %get3A_906 = arith.index_cast %add3A_773 : i32 to index
        %get3A_907 = arith.constant 80 : index
        %get3A_908 = tpu.vector_load %get3A_905[%get3A_906, %get3A_907] {strides = array<i32>} : memref<112x128xf32, #tpu.memory_space<vmem>>, vector<16xf32>,
        %get3A_909 = arith.constant 0 : i32
        %get3A_910 = arith.constant 0 : i32
        %get3A_911 = tpu.memref_slice %arg10[%scan3A_575, %get3A_909, %get3A_910] : memref<2x112x128xf32, #tpu.memory_space<vmem>> -> memref<1x112x128xf32, #tpu.memory_space<vmem>>
        %get3A_912 = tpu.memref_squeeze %get3A_911 : memref<1x112x128xf32, #tpu.memory_space<vmem>> -> memref<112x128xf32, #tpu.memory_space<vmem>>
        %get3A_913 = arith.index_cast %add3A_773 : i32 to index
        %get3A_914 = arith.constant 80 : index
        %get3A_915 = tpu.vector_load %get3A_912[%get3A_913, %get3A_914] {strides = array<i32>} : memref<112x128xf32, #tpu.memory_space<vmem>>, vector<16xf32>,
        %mul3A_916 = arith.mulf %get3A_908, %get3A_915 : vector<16xf32>
        %get3A_917 = arith.constant 0 : i32
        %get3A_918 = arith.constant 0 : i32
        %get3A_919 = tpu.memref_slice %arg11[%scan3A_576, %get3A_917, %get3A_918] : memref<2x112x128xf32, #tpu.memory_space<vmem>> -> memref<1x112x128xf32, #tpu.memory_space<vmem>>
        %get3A_920 = tpu.memref_squeeze %get3A_919 : memref<1x112x128xf32, #tpu.memory_space<vmem>> -> memref<112x128xf32, #tpu.memory_space<vmem>>
        %get3A_921 = arith.index_cast %add3A_773 : i32 to index
        %get3A_922 = arith.constant 80 : index
        %get3A_923 = tpu.vector_load %get3A_920[%get3A_921, %get3A_922] {strides = array<i32>} : memref<112x128xf32, #tpu.memory_space<vmem>>, vector<16xf32>,
        %add3A_924 = arith.addf %mul3A_916, %get3A_923 : vector<16xf32>
        %swap3A_925 = arith.index_cast %add3A_773 : i32 to index
        %swap3A_926 = arith.constant 80 : index
        %swap3A_927 = tpu.vector_load %arg12[%swap3A_925, %swap3A_926] {strides = array<i32>} : memref<112x128xf32, #tpu.memory_space<vmem>>, vector<16xf32>,
        tpu.vector_store %arg12[%swap3A_925, %swap3A_926], %add3A_924 {strides = array<i32>} : memref<112x128xf32, #tpu.memory_space<vmem>>, vector<16xf32>,
        %get3A_928 = arith.constant 0 : i32
        %get3A_929 = arith.constant 0 : i32
        %get3A_930 = tpu.memref_slice %arg9[%scan3A_574, %get3A_928, %get3A_929] : memref<2x112x128xf32, #tpu.memory_space<vmem>> -> memref<1x112x128xf32, #tpu.memory_space<vmem>>
        %get3A_931 = tpu.memref_squeeze %get3A_930 : memref<1x112x128xf32, #tpu.memory_space<vmem>> -> memref<112x128xf32, #tpu.memory_space<vmem>>
        %get3A_932 = arith.index_cast %add3A_773 : i32 to index
        %get3A_933 = arith.constant 96 : index
        %get3A_934 = tpu.vector_load %get3A_931[%get3A_932, %get3A_933] {strides = array<i32>} : memref<112x128xf32, #tpu.memory_space<vmem>>, vector<16xf32>,
        %get3A_935 = arith.constant 0 : i32
        %get3A_936 = arith.constant 0 : i32
        %get3A_937 = tpu.memref_slice %arg10[%scan3A_575, %get3A_935, %get3A_936] : memref<2x112x128xf32, #tpu.memory_space<vmem>> -> memref<1x112x128xf32, #tpu.memory_space<vmem>>
        %get3A_938 = tpu.memref_squeeze %get3A_937 : memref<1x112x128xf32, #tpu.memory_space<vmem>> -> memref<112x128xf32, #tpu.memory_space<vmem>>
        %get3A_939 = arith.index_cast %add3A_773 : i32 to index
        %get3A_940 = arith.constant 96 : index
        %get3A_941 = tpu.vector_load %get3A_938[%get3A_939, %get3A_940] {strides = array<i32>} : memref<112x128xf32, #tpu.memory_space<vmem>>, vector<16xf32>,
        %mul3A_942 = arith.mulf %get3A_934, %get3A_941 : vector<16xf32>
        %get3A_943 = arith.constant 0 : i32
        %get3A_944 = arith.constant 0 : i32
        %get3A_945 = tpu.memref_slice %arg11[%scan3A_576, %get3A_943, %get3A_944] : memref<2x112x128xf32, #tpu.memory_space<vmem>> -> memref<1x112x128xf32, #tpu.memory_space<vmem>>
        %get3A_946 = tpu.memref_squeeze %get3A_945 : memref<1x112x128xf32, #tpu.memory_space<vmem>> -> memref<112x128xf32, #tpu.memory_space<vmem>>
        %get3A_947 = arith.index_cast %add3A_773 : i32 to index
        %get3A_948 = arith.constant 96 : index
        %get3A_949 = tpu.vector_load %get3A_946[%get3A_947, %get3A_948] {strides = array<i32>} : memref<112x128xf32, #tpu.memory_space<vmem>>, vector<16xf32>,
        %add3A_950 = arith.addf %mul3A_942, %get3A_949 : vector<16xf32>
        %swap3A_951 = arith.index_cast %add3A_773 : i32 to index
        %swap3A_952 = arith.constant 96 : index
        %swap3A_953 = tpu.vector_load %arg12[%swap3A_951, %swap3A_952] {strides = array<i32>} : memref<112x128xf32, #tpu.memory_space<vmem>>, vector<16xf32>,
        tpu.vector_store %arg12[%swap3A_951, %swap3A_952], %add3A_950 {strides = array<i32>} : memref<112x128xf32, #tpu.memory_space<vmem>>, vector<16xf32>,
        %get3A_954 = arith.constant 0 : i32
        %get3A_955 = arith.constant 0 : i32
        %get3A_956 = tpu.memref_slice %arg9[%scan3A_574, %get3A_954, %get3A_955] : memref<2x112x128xf32, #tpu.memory_space<vmem>> -> memref<1x112x128xf32, #tpu.memory_space<vmem>>
        %get3A_957 = tpu.memref_squeeze %get3A_956 : memref<1x112x128xf32, #tpu.memory_space<vmem>> -> memref<112x128xf32, #tpu.memory_space<vmem>>
        %get3A_958 = arith.index_cast %add3A_773 : i32 to index
        %get3A_959 = arith.constant 112 : index
        %get3A_960 = tpu.vector_load %get3A_957[%get3A_958, %get3A_959] {strides = array<i32>} : memref<112x128xf32, #tpu.memory_space<vmem>>, vector<16xf32>,
        %get3A_961 = arith.constant 0 : i32
        %get3A_962 = arith.constant 0 : i32
        %get3A_963 = tpu.memref_slice %arg10[%scan3A_575, %get3A_961, %get3A_962] : memref<2x112x128xf32, #tpu.memory_space<vmem>> -> memref<1x112x128xf32, #tpu.memory_space<vmem>>
        %get3A_964 = tpu.memref_squeeze %get3A_963 : memref<1x112x128xf32, #tpu.memory_space<vmem>> -> memref<112x128xf32, #tpu.memory_space<vmem>>
        %get3A_965 = arith.index_cast %add3A_773 : i32 to index
        %get3A_966 = arith.constant 112 : index
        %get3A_967 = tpu.vector_load %get3A_964[%get3A_965, %get3A_966] {strides = array<i32>} : memref<112x128xf32, #tpu.memory_space<vmem>>, vector<16xf32>,
        %mul3A_968 = arith.mulf %get3A_960, %get3A_967 : vector<16xf32>
        %get3A_969 = arith.constant 0 : i32
        %get3A_970 = arith.constant 0 : i32
        %get3A_971 = tpu.memref_slice %arg11[%scan3A_576, %get3A_969, %get3A_970] : memref<2x112x128xf32, #tpu.memory_space<vmem>> -> memref<1x112x128xf32, #tpu.memory_space<vmem>>
        %get3A_972 = tpu.memref_squeeze %get3A_971 : memref<1x112x128xf32, #tpu.memory_space<vmem>> -> memref<112x128xf32, #tpu.memory_space<vmem>>
        %get3A_973 = arith.index_cast %add3A_773 : i32 to index
        %get3A_974 = arith.constant 112 : index
        %get3A_975 = tpu.vector_load %get3A_972[%get3A_973, %get3A_974] {strides = array<i32>} : memref<112x128xf32, #tpu.memory_space<vmem>>, vector<16xf32>,
        %add3A_976 = arith.addf %mul3A_968, %get3A_975 : vector<16xf32>
        %swap3A_977 = arith.index_cast %add3A_773 : i32 to index
        %swap3A_978 = arith.constant 112 : index
        %swap3A_979 = tpu.vector_load %arg12[%swap3A_977, %swap3A_978] {strides = array<i32>} : memref<112x128xf32, #tpu.memory_space<vmem>>, vector<16xf32>,
        tpu.vector_store %arg12[%swap3A_977, %swap3A_978], %add3A_976 {strides = array<i32>} : memref<112x128xf32, #tpu.memory_space<vmem>>, vector<16xf32>,
      }
      %scan3A_581 = arith.constant 112 : i32
      %mul3A_582 = arith.constant 112 : i32
      %mul3A_583 = arith.muli %add3A_510, %mul3A_582 : i32
      %add3A_584 = arith.addi %mul3A_2, %mul3A_583 : i32
      %dma_start3A_585 = arith.constant 0 : i32
      %dma_start3A_586 = tpu.memref_slice %arg6[%add3A_584, %dma_start3A_585] : memref<200704x128xf32, #tpu.memory_space<hbm>> -> memref<112x128xf32, #tpu.memory_space<hbm>>
      %dma_start3A_587 = arith.constant 0 : i32
      %dma_start3A_588 = tpu.memref_slice %arg6[%add3A_584, %dma_start3A_587] : memref<200704x128xf32, #tpu.memory_space<hbm>> -> memref<112x128xf32, #tpu.memory_space<hbm>>
      tpu.enqueue_dma source(%arg12 : memref<112x128xf32, #tpu.memory_space<vmem>>) target(%dma_start3A_588 : memref<112x128xf32, #tpu.memory_space<hbm>>) target_semaphore(%arg14 : memref<!tpu.dma_semaphore, #tpu.memory_space<semaphore_mem>>)
      %add3A_589 = arith.constant 2 : i32
      %add3A_590 = arith.addi %add3A_510, %add3A_589 : i32
      %mul3A_591 = arith.constant 112 : i32
      %mul3A_592 = arith.muli %add3A_590, %mul3A_591 : i32
      %mul3A_593 = arith.constant 112 : i32
      %mul3A_594 = arith.muli %add3A_590, %mul3A_593 : i32
      %add3A_595 = arith.addi %mul3A_2, %mul3A_594 : i32
      %dma_start3A_596 = arith.constant 0 : i32
      %dma_start3A_597 = arith.constant 0 : i32
      %dma_start3A_598 = arith.constant 0 : i32
      %dma_start3A_599 = arith.constant 0 : i32
      %dma_start3A_600 = arith.constant 0 : i32
      %dma_start3A_601 = tpu.memref_slice %arg11[%dma_start3A_596, %dma_start3A_599, %dma_start3A_600] : memref<2x112x128xf32, #tpu.memory_space<vmem>> -> memref<1x112x128xf32, #tpu.memory_space<vmem>>
      %dma_start3A_602 = tpu.memref_squeeze %dma_start3A_601 : memref<1x112x128xf32, #tpu.memory_space<vmem>> -> memref<112x128xf32, #tpu.memory_space<vmem>>
      %dma_start3A_603 = tpu.memref_slice %arg8[%mul3A_592] : memref<6272xi32, #tpu.memory_space<vmem>> -> memref<112xi32, #tpu.memory_space<vmem>>
      %dma_start3A_604 = arith.constant 0 : i32
      %dma_start3A_605 = arith.constant 0 : i32
      %dma_start3A_606 = tpu.memref_slice %arg2[%dma_start3A_604, %dma_start3A_605] : memref<50176x128xf32, #tpu.memory_space<hbm>> -> memref<50176x128xf32, #tpu.memory_space<hbm>>
      %dma_start3A_607 = tpu.memref_slice %arg13[%dma_start3A_597, %dma_start3A_598] : memref<2x3x!tpu.dma_semaphore, #tpu.memory_space<semaphore_mem>> -> memref<1x1x!tpu.dma_semaphore, #tpu.memory_space<semaphore_mem>>
      %dma_start3A_608 = tpu.memref_squeeze %dma_start3A_607 : memref<1x1x!tpu.dma_semaphore, #tpu.memory_space<semaphore_mem>> -> memref<!tpu.dma_semaphore, #tpu.memory_space<semaphore_mem>>
      tpu.enqueue_indirect_dma source(%dma_start3A_606 : memref<50176x128xf32, #tpu.memory_space<hbm>>) target(%dma_start3A_602 : memref<112x128xf32, #tpu.memory_space<vmem>>) offsets(%dma_start3A_603 : memref<112xi32, #tpu.memory_space<vmem>>) semaphore(%dma_start3A_608 : memref<!tpu.dma_semaphore, #tpu.memory_space<semaphore_mem>>)
      %dma_start3A_609 = arith.constant 0 : i32
      %dma_start3A_610 = arith.constant 0 : i32
      %dma_start3A_611 = arith.constant 1 : i32
      %dma_start3A_612 = arith.constant 0 : i32
      %dma_start3A_613 = arith.constant 0 : i32
      %dma_start3A_614 = tpu.memref_slice %arg10[%dma_start3A_609, %dma_start3A_612, %dma_start3A_613] : memref<2x112x128xf32, #tpu.memory_space<vmem>> -> memref<1x112x128xf32, #tpu.memory_space<vmem>>
      %dma_start3A_615 = tpu.memref_squeeze %dma_start3A_614 : memref<1x112x128xf32, #tpu.memory_space<vmem>> -> memref<112x128xf32, #tpu.memory_space<vmem>>
      %dma_start3A_616 = tpu.memref_slice %arg8[%mul3A_592] : memref<6272xi32, #tpu.memory_space<vmem>> -> memref<112xi32, #tpu.memory_space<vmem>>
      %dma_start3A_617 = arith.constant 0 : i32
      %dma_start3A_618 = arith.constant 0 : i32
      %dma_start3A_619 = tpu.memref_slice %arg3[%dma_start3A_617, %dma_start3A_618] : memref<50176x128xf32, #tpu.memory_space<hbm>> -> memref<50176x128xf32, #tpu.memory_space<hbm>>
      %dma_start3A_620 = tpu.memref_slice %arg13[%dma_start3A_610, %dma_start3A_611] : memref<2x3x!tpu.dma_semaphore, #tpu.memory_space<semaphore_mem>> -> memref<1x1x!tpu.dma_semaphore, #tpu.memory_space<semaphore_mem>>
      %dma_start3A_621 = tpu.memref_squeeze %dma_start3A_620 : memref<1x1x!tpu.dma_semaphore, #tpu.memory_space<semaphore_mem>> -> memref<!tpu.dma_semaphore, #tpu.memory_space<semaphore_mem>>
      tpu.enqueue_indirect_dma source(%dma_start3A_619 : memref<50176x128xf32, #tpu.memory_space<hbm>>) target(%dma_start3A_615 : memref<112x128xf32, #tpu.memory_space<vmem>>) offsets(%dma_start3A_616 : memref<112xi32, #tpu.memory_space<vmem>>) semaphore(%dma_start3A_621 : memref<!tpu.dma_semaphore, #tpu.memory_space<semaphore_mem>>)
      %dma_start3A_622 = arith.constant 0 : i32
      %dma_start3A_623 = arith.constant 0 : i32
      %dma_start3A_624 = arith.constant 2 : i32
      %dma_start3A_625 = arith.constant 0 : i32
      %dma_start3A_626 = arith.constant 0 : i32
      %dma_start3A_627 = tpu.memref_slice %arg9[%dma_start3A_622, %dma_start3A_625, %dma_start3A_626] : memref<2x112x128xf32, #tpu.memory_space<vmem>> -> memref<1x112x128xf32, #tpu.memory_space<vmem>>
      %dma_start3A_628 = tpu.memref_squeeze %dma_start3A_627 : memref<1x112x128xf32, #tpu.memory_space<vmem>> -> memref<112x128xf32, #tpu.memory_space<vmem>>
      %dma_start3A_629 = arith.constant 0 : i32
      %dma_start3A_630 = tpu.memref_slice %arg4[%add3A_595, %dma_start3A_629] : memref<200704x128xf32, #tpu.memory_space<hbm>> -> memref<112x128xf32, #tpu.memory_space<hbm>>
      %dma_start3A_631 = tpu.memref_slice %arg13[%dma_start3A_623, %dma_start3A_624] : memref<2x3x!tpu.dma_semaphore, #tpu.memory_space<semaphore_mem>> -> memref<1x1x!tpu.dma_semaphore, #tpu.memory_space<semaphore_mem>>
      %dma_start3A_632 = tpu.memref_squeeze %dma_start3A_631 : memref<1x1x!tpu.dma_semaphore, #tpu.memory_space<semaphore_mem>> -> memref<!tpu.dma_semaphore, #tpu.memory_space<semaphore_mem>>
      %dma_start3A_633 = arith.constant 0 : i32
      %dma_start3A_634 = arith.constant 0 : i32
      %dma_start3A_635 = tpu.memref_slice %arg9[%dma_start3A_622, %dma_start3A_633, %dma_start3A_634] : memref<2x112x128xf32, #tpu.memory_space<vmem>> -> memref<1x112x128xf32, #tpu.memory_space<vmem>>
      %dma_start3A_636 = tpu.memref_squeeze %dma_start3A_635 : memref<1x112x128xf32, #tpu.memory_space<vmem>> -> memref<112x128xf32, #tpu.memory_space<vmem>>
      %dma_start3A_637 = arith.constant 0 : i32
      %dma_start3A_638 = tpu.memref_slice %arg4[%add3A_595, %dma_start3A_637] : memref<200704x128xf32, #tpu.memory_space<hbm>> -> memref<112x128xf32, #tpu.memory_space<hbm>>
      tpu.enqueue_dma source(%dma_start3A_638 : memref<112x128xf32, #tpu.memory_space<hbm>>) target(%dma_start3A_636 : memref<112x128xf32, #tpu.memory_space<vmem>>) target_semaphore(%dma_start3A_632 : memref<!tpu.dma_semaphore, #tpu.memory_space<semaphore_mem>>)
      %add3A_639 = arith.constant 1 : i32
      %add3A_640 = arith.addi %add3A_510, %add3A_639 : i32
      %dma_wait3A_641 = arith.constant 1 : i32
      %dma_wait3A_642 = arith.constant 1 : i32
      %dma_wait3A_643 = arith.constant 0 : i32
      %dma_wait3A_644 = arith.constant 0 : i32
      %dma_wait3A_645 = arith.constant 0 : i32
      %dma_wait3A_646 = tpu.memref_slice %arg11[%dma_wait3A_641, %dma_wait3A_644, %dma_wait3A_645] : memref<2x112x128xf32, #tpu.memory_space<vmem>> -> memref<1x112x128xf32, #tpu.memory_space<vmem>>
      %dma_wait3A_647 = tpu.memref_squeeze %dma_wait3A_646 : memref<1x112x128xf32, #tpu.memory_space<vmem>> -> memref<112x128xf32, #tpu.memory_space<vmem>>
      %dma_wait3A_648 = arith.constant 0 : i32
      %dma_wait3A_649 = arith.constant 0 : i32
      %dma_wait3A_650 = tpu.memref_slice %arg2[%dma_wait3A_648, %dma_wait3A_649] : memref<50176x128xf32, #tpu.memory_space<hbm>> -> memref<112x128xf32, #tpu.memory_space<hbm>>
      %dma_wait3A_651 = tpu.memref_slice %arg13[%dma_wait3A_642, %dma_wait3A_643] : memref<2x3x!tpu.dma_semaphore, #tpu.memory_space<semaphore_mem>> -> memref<1x1x!tpu.dma_semaphore, #tpu.memory_space<semaphore_mem>>
      %dma_wait3A_652 = tpu.memref_squeeze %dma_wait3A_651 : memref<1x1x!tpu.dma_semaphore, #tpu.memory_space<semaphore_mem>> -> memref<!tpu.dma_semaphore, #tpu.memory_space<semaphore_mem>>
      %dma_wait3A_653 = arith.constant 0 : i32
      %dma_wait3A_654 = arith.constant 0 : i32
      %dma_wait3A_655 = tpu.memref_slice %arg11[%dma_wait3A_641, %dma_wait3A_653, %dma_wait3A_654] : memref<2x112x128xf32, #tpu.memory_space<vmem>> -> memref<1x112x128xf32, #tpu.memory_space<vmem>>
      %dma_wait3A_656 = tpu.memref_squeeze %dma_wait3A_655 : memref<1x112x128xf32, #tpu.memory_space<vmem>> -> memref<112x128xf32, #tpu.memory_space<vmem>>
      %dma_wait3A_657 = arith.constant 0 : i32
      %dma_wait3A_658 = arith.constant 0 : i32
      %dma_wait3A_659 = tpu.memref_slice %arg2[%dma_wait3A_657, %dma_wait3A_658] : memref<50176x128xf32, #tpu.memory_space<hbm>> -> memref<112x128xf32, #tpu.memory_space<hbm>>
      tpu.wait_dma2 semaphore(%dma_wait3A_652 : memref<!tpu.dma_semaphore, #tpu.memory_space<semaphore_mem>>) src(%dma_wait3A_659 : memref<112x128xf32, #tpu.memory_space<hbm>>) dst(%dma_wait3A_656 : memref<112x128xf32, #tpu.memory_space<vmem>>)
      %dma_wait3A_660 = arith.constant 1 : i32
      %dma_wait3A_661 = arith.constant 1 : i32
      %dma_wait3A_662 = arith.constant 1 : i32
      %dma_wait3A_663 = arith.constant 0 : i32
      %dma_wait3A_664 = arith.constant 0 : i32
      %dma_wait3A_665 = tpu.memref_slice %arg10[%dma_wait3A_660, %dma_wait3A_663, %dma_wait3A_664] : memref<2x112x128xf32, #tpu.memory_space<vmem>> -> memref<1x112x128xf32, #tpu.memory_space<vmem>>
      %dma_wait3A_666 = tpu.memref_squeeze %dma_wait3A_665 : memref<1x112x128xf32, #tpu.memory_space<vmem>> -> memref<112x128xf32, #tpu.memory_space<vmem>>
      %dma_wait3A_667 = arith.constant 0 : i32
      %dma_wait3A_668 = arith.constant 0 : i32
      %dma_wait3A_669 = tpu.memref_slice %arg3[%dma_wait3A_667, %dma_wait3A_668] : memref<50176x128xf32, #tpu.memory_space<hbm>> -> memref<112x128xf32, #tpu.memory_space<hbm>>
      %dma_wait3A_670 = tpu.memref_slice %arg13[%dma_wait3A_661, %dma_wait3A_662] : memref<2x3x!tpu.dma_semaphore, #tpu.memory_space<semaphore_mem>> -> memref<1x1x!tpu.dma_semaphore, #tpu.memory_space<semaphore_mem>>
      %dma_wait3A_671 = tpu.memref_squeeze %dma_wait3A_670 : memref<1x1x!tpu.dma_semaphore, #tpu.memory_space<semaphore_mem>> -> memref<!tpu.dma_semaphore, #tpu.memory_space<semaphore_mem>>
      %dma_wait3A_672 = arith.constant 0 : i32
      %dma_wait3A_673 = arith.constant 0 : i32
      %dma_wait3A_674 = tpu.memref_slice %arg10[%dma_wait3A_660, %dma_wait3A_672, %dma_wait3A_673] : memref<2x112x128xf32, #tpu.memory_space<vmem>> -> memref<1x112x128xf32, #tpu.memory_space<vmem>>
      %dma_wait3A_675 = tpu.memref_squeeze %dma_wait3A_674 : memref<1x112x128xf32, #tpu.memory_space<vmem>> -> memref<112x128xf32, #tpu.memory_space<vmem>>
      %dma_wait3A_676 = arith.constant 0 : i32
      %dma_wait3A_677 = arith.constant 0 : i32
      %dma_wait3A_678 = tpu.memref_slice %arg3[%dma_wait3A_676, %dma_wait3A_677] : memref<50176x128xf32, #tpu.memory_space<hbm>> -> memref<112x128xf32, #tpu.memory_space<hbm>>
      tpu.wait_dma2 semaphore(%dma_wait3A_671 : memref<!tpu.dma_semaphore, #tpu.memory_space<semaphore_mem>>) src(%dma_wait3A_678 : memref<112x128xf32, #tpu.memory_space<hbm>>) dst(%dma_wait3A_675 : memref<112x128xf32, #tpu.memory_space<vmem>>)
      %dma_wait3A_679 = arith.constant 1 : i32
      %dma_wait3A_680 = arith.constant 1 : i32
      %dma_wait3A_681 = arith.constant 2 : i32
      %dma_wait3A_682 = arith.constant 0 : i32
      %dma_wait3A_683 = arith.constant 0 : i32
      %dma_wait3A_684 = tpu.memref_slice %arg9[%dma_wait3A_679, %dma_wait3A_682, %dma_wait3A_683] : memref<2x112x128xf32, #tpu.memory_space<vmem>> -> memref<1x112x128xf32, #tpu.memory_space<vmem>>
      %dma_wait3A_685 = tpu.memref_squeeze %dma_wait3A_684 : memref<1x112x128xf32, #tpu.memory_space<vmem>> -> memref<112x128xf32, #tpu.memory_space<vmem>>
      %dma_wait3A_686 = arith.constant 0 : i32
      %dma_wait3A_687 = arith.constant 0 : i32
      %dma_wait3A_688 = tpu.memref_slice %arg4[%dma_wait3A_686, %dma_wait3A_687] : memref<200704x128xf32, #tpu.memory_space<hbm>> -> memref<112x128xf32, #tpu.memory_space<hbm>>
      %dma_wait3A_689 = tpu.memref_slice %arg13[%dma_wait3A_680, %dma_wait3A_681] : memref<2x3x!tpu.dma_semaphore, #tpu.memory_space<semaphore_mem>> -> memref<1x1x!tpu.dma_semaphore, #tpu.memory_space<semaphore_mem>>
      %dma_wait3A_690 = tpu.memref_squeeze %dma_wait3A_689 : memref<1x1x!tpu.dma_semaphore, #tpu.memory_space<semaphore_mem>> -> memref<!tpu.dma_semaphore, #tpu.memory_space<semaphore_mem>>
      %dma_wait3A_691 = arith.constant 0 : i32
      %dma_wait3A_692 = arith.constant 0 : i32
      %dma_wait3A_693 = tpu.memref_slice %arg9[%dma_wait3A_679, %dma_wait3A_691, %dma_wait3A_692] : memref<2x112x128xf32, #tpu.memory_space<vmem>> -> memref<1x112x128xf32, #tpu.memory_space<vmem>>
      %dma_wait3A_694 = tpu.memref_squeeze %dma_wait3A_693 : memref<1x112x128xf32, #tpu.memory_space<vmem>> -> memref<112x128xf32, #tpu.memory_space<vmem>>
      %dma_wait3A_695 = arith.constant 0 : i32
      %dma_wait3A_696 = arith.constant 0 : i32
      %dma_wait3A_697 = tpu.memref_slice %arg4[%dma_wait3A_695, %dma_wait3A_696] : memref<200704x128xf32, #tpu.memory_space<hbm>> -> memref<112x128xf32, #tpu.memory_space<hbm>>
      tpu.wait_dma2 semaphore(%dma_wait3A_690 : memref<!tpu.dma_semaphore, #tpu.memory_space<semaphore_mem>>) src(%dma_wait3A_697 : memref<112x128xf32, #tpu.memory_space<hbm>>) dst(%dma_wait3A_694 : memref<112x128xf32, #tpu.memory_space<vmem>>)
      %dma_wait3A_698 = arith.constant 0 : i32
      %dma_wait3A_699 = arith.constant 0 : i32
      %dma_wait3A_700 = tpu.memref_slice %arg6[%dma_wait3A_698, %dma_wait3A_699] : memref<200704x128xf32, #tpu.memory_space<hbm>> -> memref<112x128xf32, #tpu.memory_space<hbm>>
      %dma_wait3A_701 = arith.constant 0 : i32
      %dma_wait3A_702 = arith.constant 0 : i32
      %dma_wait3A_703 = tpu.memref_slice %arg6[%dma_wait3A_701, %dma_wait3A_702] : memref<200704x128xf32, #tpu.memory_space<hbm>> -> memref<112x128xf32, #tpu.memory_space<hbm>>
      tpu.wait_dma2 semaphore(%arg14 : memref<!tpu.dma_semaphore, #tpu.memory_space<semaphore_mem>>) src(%arg12 : memref<112x128xf32, #tpu.memory_space<vmem>>) dst(%dma_wait3A_703 : memref<112x128xf32, #tpu.memory_space<hbm>>)
      %scan3A_704 = arith.constant 1 : i32
      %scan3A_705 = arith.constant 1 : i32
      %scan3A_706 = arith.constant 1 : i32
      %scan3A_707 = arith.constant 0 : i32
      %scan3A_708 = arith.constant 112 : i32
      %scan3A_709 = arith.addi %scan3A_707, %scan3A_708 : i32
      %scan3A_710 = arith.constant 1 : i32
      scf.for %scan3A_769 = %scan3A_707 to %scan3A_709 step %scan3A_710  : i32 {
        %mul3A_770 = arith.constant 1 : i32
        %mul3A_771 = arith.muli %scan3A_769, %mul3A_770 : i32
        %add3A_772 = arith.constant 0 : i32
        %add3A_773 = arith.addi %add3A_772, %mul3A_771 : i32
        %get3A = arith.constant 0 : i32
        %get3A_774 = arith.constant 0 : i32
        %get3A_775 = tpu.memref_slice %arg9[%scan3A_704, %get3A, %get3A_774] : memref<2x112x128xf32, #tpu.memory_space<vmem>> -> memref<1x112x128xf32, #tpu.memory_space<vmem>>
        %get3A_776 = tpu.memref_squeeze %get3A_775 : memref<1x112x128xf32, #tpu.memory_space<vmem>> -> memref<112x128xf32, #tpu.memory_space<vmem>>
        %get3A_777 = arith.index_cast %add3A_773 : i32 to index
        %get3A_778 = arith.constant 0 : index
        %get3A_779 = tpu.vector_load %get3A_776[%get3A_777, %get3A_778] {strides = array<i32>} : memref<112x128xf32, #tpu.memory_space<vmem>>, vector<16xf32>,
        %get3A_780 = arith.constant 0 : i32
        %get3A_781 = arith.constant 0 : i32
        %get3A_782 = tpu.memref_slice %arg10[%scan3A_705, %get3A_780, %get3A_781] : memref<2x112x128xf32, #tpu.memory_space<vmem>> -> memref<1x112x128xf32, #tpu.memory_space<vmem>>
        %get3A_783 = tpu.memref_squeeze %get3A_782 : memref<1x112x128xf32, #tpu.memory_space<vmem>> -> memref<112x128xf32, #tpu.memory_space<vmem>>
        %get3A_784 = arith.index_cast %add3A_773 : i32 to index
        %get3A_785 = arith.constant 0 : index
        %get3A_786 = tpu.vector_load %get3A_783[%get3A_784, %get3A_785] {strides = array<i32>} : memref<112x128xf32, #tpu.memory_space<vmem>>, vector<16xf32>,
        %mul3A_787 = arith.mulf %get3A_779, %get3A_786 : vector<16xf32>
        %get3A_788 = arith.constant 0 : i32
        %get3A_789 = arith.constant 0 : i32
        %get3A_790 = tpu.memref_slice %arg11[%scan3A_706, %get3A_788, %get3A_789] : memref<2x112x128xf32, #tpu.memory_space<vmem>> -> memref<1x112x128xf32, #tpu.memory_space<vmem>>
        %get3A_791 = tpu.memref_squeeze %get3A_790 : memref<1x112x128xf32, #tpu.memory_space<vmem>> -> memref<112x128xf32, #tpu.memory_space<vmem>>
        %get3A_792 = arith.index_cast %add3A_773 : i32 to index
        %get3A_793 = arith.constant 0 : index
        %get3A_794 = tpu.vector_load %get3A_791[%get3A_792, %get3A_793] {strides = array<i32>} : memref<112x128xf32, #tpu.memory_space<vmem>>, vector<16xf32>,
        %add3A_795 = arith.addf %mul3A_787, %get3A_794 : vector<16xf32>
        %swap3A = arith.index_cast %add3A_773 : i32 to index
        %swap3A_796 = arith.constant 0 : index
        %swap3A_797 = tpu.vector_load %arg12[%swap3A, %swap3A_796] {strides = array<i32>} : memref<112x128xf32, #tpu.memory_space<vmem>>, vector<16xf32>,
        tpu.vector_store %arg12[%swap3A, %swap3A_796], %add3A_795 {strides = array<i32>} : memref<112x128xf32, #tpu.memory_space<vmem>>, vector<16xf32>,
        %get3A_798 = arith.constant 0 : i32
        %get3A_799 = arith.constant 0 : i32
        %get3A_800 = tpu.memref_slice %arg9[%scan3A_704, %get3A_798, %get3A_799] : memref<2x112x128xf32, #tpu.memory_space<vmem>> -> memref<1x112x128xf32, #tpu.memory_space<vmem>>
        %get3A_801 = tpu.memref_squeeze %get3A_800 : memref<1x112x128xf32, #tpu.memory_space<vmem>> -> memref<112x128xf32, #tpu.memory_space<vmem>>
        %get3A_802 = arith.index_cast %add3A_773 : i32 to index
        %get3A_803 = arith.constant 16 : index
        %get3A_804 = tpu.vector_load %get3A_801[%get3A_802, %get3A_803] {strides = array<i32>} : memref<112x128xf32, #tpu.memory_space<vmem>>, vector<16xf32>,
        %get3A_805 = arith.constant 0 : i32
        %get3A_806 = arith.constant 0 : i32
        %get3A_807 = tpu.memref_slice %arg10[%scan3A_705, %get3A_805, %get3A_806] : memref<2x112x128xf32, #tpu.memory_space<vmem>> -> memref<1x112x128xf32, #tpu.memory_space<vmem>>
        %get3A_808 = tpu.memref_squeeze %get3A_807 : memref<1x112x128xf32, #tpu.memory_space<vmem>> -> memref<112x128xf32, #tpu.memory_space<vmem>>
        %get3A_809 = arith.index_cast %add3A_773 : i32 to index
        %get3A_810 = arith.constant 16 : index
        %get3A_811 = tpu.vector_load %get3A_808[%get3A_809, %get3A_810] {strides = array<i32>} : memref<112x128xf32, #tpu.memory_space<vmem>>, vector<16xf32>,
        %mul3A_812 = arith.mulf %get3A_804, %get3A_811 : vector<16xf32>
        %get3A_813 = arith.constant 0 : i32
        %get3A_814 = arith.constant 0 : i32
        %get3A_815 = tpu.memref_slice %arg11[%scan3A_706, %get3A_813, %get3A_814] : memref<2x112x128xf32, #tpu.memory_space<vmem>> -> memref<1x112x128xf32, #tpu.memory_space<vmem>>
        %get3A_816 = tpu.memref_squeeze %get3A_815 : memref<1x112x128xf32, #tpu.memory_space<vmem>> -> memref<112x128xf32, #tpu.memory_space<vmem>>
        %get3A_817 = arith.index_cast %add3A_773 : i32 to index
        %get3A_818 = arith.constant 16 : index
        %get3A_819 = tpu.vector_load %get3A_816[%get3A_817, %get3A_818] {strides = array<i32>} : memref<112x128xf32, #tpu.memory_space<vmem>>, vector<16xf32>,
        %add3A_820 = arith.addf %mul3A_812, %get3A_819 : vector<16xf32>
        %swap3A_821 = arith.index_cast %add3A_773 : i32 to index
        %swap3A_822 = arith.constant 16 : index
        %swap3A_823 = tpu.vector_load %arg12[%swap3A_821, %swap3A_822] {strides = array<i32>} : memref<112x128xf32, #tpu.memory_space<vmem>>, vector<16xf32>,
        tpu.vector_store %arg12[%swap3A_821, %swap3A_822], %add3A_820 {strides = array<i32>} : memref<112x128xf32, #tpu.memory_space<vmem>>, vector<16xf32>,
        %get3A_824 = arith.constant 0 : i32
        %get3A_825 = arith.constant 0 : i32
        %get3A_826 = tpu.memref_slice %arg9[%scan3A_704, %get3A_824, %get3A_825] : memref<2x112x128xf32, #tpu.memory_space<vmem>> -> memref<1x112x128xf32, #tpu.memory_space<vmem>>
        %get3A_827 = tpu.memref_squeeze %get3A_826 : memref<1x112x128xf32, #tpu.memory_space<vmem>> -> memref<112x128xf32, #tpu.memory_space<vmem>>
        %get3A_828 = arith.index_cast %add3A_773 : i32 to index
        %get3A_829 = arith.constant 32 : index
        %get3A_830 = tpu.vector_load %get3A_827[%get3A_828, %get3A_829] {strides = array<i32>} : memref<112x128xf32, #tpu.memory_space<vmem>>, vector<16xf32>,
        %get3A_831 = arith.constant 0 : i32
        %get3A_832 = arith.constant 0 : i32
        %get3A_833 = tpu.memref_slice %arg10[%scan3A_705, %get3A_831, %get3A_832] : memref<2x112x128xf32, #tpu.memory_space<vmem>> -> memref<1x112x128xf32, #tpu.memory_space<vmem>>
        %get3A_834 = tpu.memref_squeeze %get3A_833 : memref<1x112x128xf32, #tpu.memory_space<vmem>> -> memref<112x128xf32, #tpu.memory_space<vmem>>
        %get3A_835 = arith.index_cast %add3A_773 : i32 to index
        %get3A_836 = arith.constant 32 : index
        %get3A_837 = tpu.vector_load %get3A_834[%get3A_835, %get3A_836] {strides = array<i32>} : memref<112x128xf32, #tpu.memory_space<vmem>>, vector<16xf32>,
        %mul3A_838 = arith.mulf %get3A_830, %get3A_837 : vector<16xf32>
        %get3A_839 = arith.constant 0 : i32
        %get3A_840 = arith.constant 0 : i32
        %get3A_841 = tpu.memref_slice %arg11[%scan3A_706, %get3A_839, %get3A_840] : memref<2x112x128xf32, #tpu.memory_space<vmem>> -> memref<1x112x128xf32, #tpu.memory_space<vmem>>
        %get3A_842 = tpu.memref_squeeze %get3A_841 : memref<1x112x128xf32, #tpu.memory_space<vmem>> -> memref<112x128xf32, #tpu.memory_space<vmem>>
        %get3A_843 = arith.index_cast %add3A_773 : i32 to index
        %get3A_844 = arith.constant 32 : index
        %get3A_845 = tpu.vector_load %get3A_842[%get3A_843, %get3A_844] {strides = array<i32>} : memref<112x128xf32, #tpu.memory_space<vmem>>, vector<16xf32>,
        %add3A_846 = arith.addf %mul3A_838, %get3A_845 : vector<16xf32>
        %swap3A_847 = arith.index_cast %add3A_773 : i32 to index
        %swap3A_848 = arith.constant 32 : index
        %swap3A_849 = tpu.vector_load %arg12[%swap3A_847, %swap3A_848] {strides = array<i32>} : memref<112x128xf32, #tpu.memory_space<vmem>>, vector<16xf32>,
        tpu.vector_store %arg12[%swap3A_847, %swap3A_848], %add3A_846 {strides = array<i32>} : memref<112x128xf32, #tpu.memory_space<vmem>>, vector<16xf32>,
        %get3A_850 = arith.constant 0 : i32
        %get3A_851 = arith.constant 0 : i32
        %get3A_852 = tpu.memref_slice %arg9[%scan3A_704, %get3A_850, %get3A_851] : memref<2x112x128xf32, #tpu.memory_space<vmem>> -> memref<1x112x128xf32, #tpu.memory_space<vmem>>
        %get3A_853 = tpu.memref_squeeze %get3A_852 : memref<1x112x128xf32, #tpu.memory_space<vmem>> -> memref<112x128xf32, #tpu.memory_space<vmem>>
        %get3A_854 = arith.index_cast %add3A_773 : i32 to index
        %get3A_855 = arith.constant 48 : index
        %get3A_856 = tpu.vector_load %get3A_853[%get3A_854, %get3A_855] {strides = array<i32>} : memref<112x128xf32, #tpu.memory_space<vmem>>, vector<16xf32>,
        %get3A_857 = arith.constant 0 : i32
        %get3A_858 = arith.constant 0 : i32
        %get3A_859 = tpu.memref_slice %arg10[%scan3A_705, %get3A_857, %get3A_858] : memref<2x112x128xf32, #tpu.memory_space<vmem>> -> memref<1x112x128xf32, #tpu.memory_space<vmem>>
        %get3A_860 = tpu.memref_squeeze %get3A_859 : memref<1x112x128xf32, #tpu.memory_space<vmem>> -> memref<112x128xf32, #tpu.memory_space<vmem>>
        %get3A_861 = arith.index_cast %add3A_773 : i32 to index
        %get3A_862 = arith.constant 48 : index
        %get3A_863 = tpu.vector_load %get3A_860[%get3A_861, %get3A_862] {strides = array<i32>} : memref<112x128xf32, #tpu.memory_space<vmem>>, vector<16xf32>,
        %mul3A_864 = arith.mulf %get3A_856, %get3A_863 : vector<16xf32>
        %get3A_865 = arith.constant 0 : i32
        %get3A_866 = arith.constant 0 : i32
        %get3A_867 = tpu.memref_slice %arg11[%scan3A_706, %get3A_865, %get3A_866] : memref<2x112x128xf32, #tpu.memory_space<vmem>> -> memref<1x112x128xf32, #tpu.memory_space<vmem>>
        %get3A_868 = tpu.memref_squeeze %get3A_867 : memref<1x112x128xf32, #tpu.memory_space<vmem>> -> memref<112x128xf32, #tpu.memory_space<vmem>>
        %get3A_869 = arith.index_cast %add3A_773 : i32 to index
        %get3A_870 = arith.constant 48 : index
        %get3A_871 = tpu.vector_load %get3A_868[%get3A_869, %get3A_870] {strides = array<i32>} : memref<112x128xf32, #tpu.memory_space<vmem>>, vector<16xf32>,
        %add3A_872 = arith.addf %mul3A_864, %get3A_871 : vector<16xf32>
        %swap3A_873 = arith.index_cast %add3A_773 : i32 to index
        %swap3A_874 = arith.constant 48 : index
        %swap3A_875 = tpu.vector_load %arg12[%swap3A_873, %swap3A_874] {strides = array<i32>} : memref<112x128xf32, #tpu.memory_space<vmem>>, vector<16xf32>,
        tpu.vector_store %arg12[%swap3A_873, %swap3A_874], %add3A_872 {strides = array<i32>} : memref<112x128xf32, #tpu.memory_space<vmem>>, vector<16xf32>,
        %get3A_876 = arith.constant 0 : i32
        %get3A_877 = arith.constant 0 : i32
        %get3A_878 = tpu.memref_slice %arg9[%scan3A_704, %get3A_876, %get3A_877] : memref<2x112x128xf32, #tpu.memory_space<vmem>> -> memref<1x112x128xf32, #tpu.memory_space<vmem>>
        %get3A_879 = tpu.memref_squeeze %get3A_878 : memref<1x112x128xf32, #tpu.memory_space<vmem>> -> memref<112x128xf32, #tpu.memory_space<vmem>>
        %get3A_880 = arith.index_cast %add3A_773 : i32 to index
        %get3A_881 = arith.constant 64 : index
        %get3A_882 = tpu.vector_load %get3A_879[%get3A_880, %get3A_881] {strides = array<i32>} : memref<112x128xf32, #tpu.memory_space<vmem>>, vector<16xf32>,
        %get3A_883 = arith.constant 0 : i32
        %get3A_884 = arith.constant 0 : i32
        %get3A_885 = tpu.memref_slice %arg10[%scan3A_705, %get3A_883, %get3A_884] : memref<2x112x128xf32, #tpu.memory_space<vmem>> -> memref<1x112x128xf32, #tpu.memory_space<vmem>>
        %get3A_886 = tpu.memref_squeeze %get3A_885 : memref<1x112x128xf32, #tpu.memory_space<vmem>> -> memref<112x128xf32, #tpu.memory_space<vmem>>
        %get3A_887 = arith.index_cast %add3A_773 : i32 to index
        %get3A_888 = arith.constant 64 : index
        %get3A_889 = tpu.vector_load %get3A_886[%get3A_887, %get3A_888] {strides = array<i32>} : memref<112x128xf32, #tpu.memory_space<vmem>>, vector<16xf32>,
        %mul3A_890 = arith.mulf %get3A_882, %get3A_889 : vector<16xf32>
        %get3A_891 = arith.constant 0 : i32
        %get3A_892 = arith.constant 0 : i32
        %get3A_893 = tpu.memref_slice %arg11[%scan3A_706, %get3A_891, %get3A_892] : memref<2x112x128xf32, #tpu.memory_space<vmem>> -> memref<1x112x128xf32, #tpu.memory_space<vmem>>
        %get3A_894 = tpu.memref_squeeze %get3A_893 : memref<1x112x128xf32, #tpu.memory_space<vmem>> -> memref<112x128xf32, #tpu.memory_space<vmem>>
        %get3A_895 = arith.index_cast %add3A_773 : i32 to index
        %get3A_896 = arith.constant 64 : index
        %get3A_897 = tpu.vector_load %get3A_894[%get3A_895, %get3A_896] {strides = array<i32>} : memref<112x128xf32, #tpu.memory_space<vmem>>, vector<16xf32>,
        %add3A_898 = arith.addf %mul3A_890, %get3A_897 : vector<16xf32>
        %swap3A_899 = arith.index_cast %add3A_773 : i32 to index
        %swap3A_900 = arith.constant 64 : index
        %swap3A_901 = tpu.vector_load %arg12[%swap3A_899, %swap3A_900] {strides = array<i32>} : memref<112x128xf32, #tpu.memory_space<vmem>>, vector<16xf32>,
        tpu.vector_store %arg12[%swap3A_899, %swap3A_900], %add3A_898 {strides = array<i32>} : memref<112x128xf32, #tpu.memory_space<vmem>>, vector<16xf32>,
        %get3A_902 = arith.constant 0 : i32
        %get3A_903 = arith.constant 0 : i32
        %get3A_904 = tpu.memref_slice %arg9[%scan3A_704, %get3A_902, %get3A_903] : memref<2x112x128xf32, #tpu.memory_space<vmem>> -> memref<1x112x128xf32, #tpu.memory_space<vmem>>
        %get3A_905 = tpu.memref_squeeze %get3A_904 : memref<1x112x128xf32, #tpu.memory_space<vmem>> -> memref<112x128xf32, #tpu.memory_space<vmem>>
        %get3A_906 = arith.index_cast %add3A_773 : i32 to index
        %get3A_907 = arith.constant 80 : index
        %get3A_908 = tpu.vector_load %get3A_905[%get3A_906, %get3A_907] {strides = array<i32>} : memref<112x128xf32, #tpu.memory_space<vmem>>, vector<16xf32>,
        %get3A_909 = arith.constant 0 : i32
        %get3A_910 = arith.constant 0 : i32
        %get3A_911 = tpu.memref_slice %arg10[%scan3A_705, %get3A_909, %get3A_910] : memref<2x112x128xf32, #tpu.memory_space<vmem>> -> memref<1x112x128xf32, #tpu.memory_space<vmem>>
        %get3A_912 = tpu.memref_squeeze %get3A_911 : memref<1x112x128xf32, #tpu.memory_space<vmem>> -> memref<112x128xf32, #tpu.memory_space<vmem>>
        %get3A_913 = arith.index_cast %add3A_773 : i32 to index
        %get3A_914 = arith.constant 80 : index
        %get3A_915 = tpu.vector_load %get3A_912[%get3A_913, %get3A_914] {strides = array<i32>} : memref<112x128xf32, #tpu.memory_space<vmem>>, vector<16xf32>,
        %mul3A_916 = arith.mulf %get3A_908, %get3A_915 : vector<16xf32>
        %get3A_917 = arith.constant 0 : i32
        %get3A_918 = arith.constant 0 : i32
        %get3A_919 = tpu.memref_slice %arg11[%scan3A_706, %get3A_917, %get3A_918] : memref<2x112x128xf32, #tpu.memory_space<vmem>> -> memref<1x112x128xf32, #tpu.memory_space<vmem>>
        %get3A_920 = tpu.memref_squeeze %get3A_919 : memref<1x112x128xf32, #tpu.memory_space<vmem>> -> memref<112x128xf32, #tpu.memory_space<vmem>>
        %get3A_921 = arith.index_cast %add3A_773 : i32 to index
        %get3A_922 = arith.constant 80 : index
        %get3A_923 = tpu.vector_load %get3A_920[%get3A_921, %get3A_922] {strides = array<i32>} : memref<112x128xf32, #tpu.memory_space<vmem>>, vector<16xf32>,
        %add3A_924 = arith.addf %mul3A_916, %get3A_923 : vector<16xf32>
        %swap3A_925 = arith.index_cast %add3A_773 : i32 to index
        %swap3A_926 = arith.constant 80 : index
        %swap3A_927 = tpu.vector_load %arg12[%swap3A_925, %swap3A_926] {strides = array<i32>} : memref<112x128xf32, #tpu.memory_space<vmem>>, vector<16xf32>,
        tpu.vector_store %arg12[%swap3A_925, %swap3A_926], %add3A_924 {strides = array<i32>} : memref<112x128xf32, #tpu.memory_space<vmem>>, vector<16xf32>,
        %get3A_928 = arith.constant 0 : i32
        %get3A_929 = arith.constant 0 : i32
        %get3A_930 = tpu.memref_slice %arg9[%scan3A_704, %get3A_928, %get3A_929] : memref<2x112x128xf32, #tpu.memory_space<vmem>> -> memref<1x112x128xf32, #tpu.memory_space<vmem>>
        %get3A_931 = tpu.memref_squeeze %get3A_930 : memref<1x112x128xf32, #tpu.memory_space<vmem>> -> memref<112x128xf32, #tpu.memory_space<vmem>>
        %get3A_932 = arith.index_cast %add3A_773 : i32 to index
        %get3A_933 = arith.constant 96 : index
        %get3A_934 = tpu.vector_load %get3A_931[%get3A_932, %get3A_933] {strides = array<i32>} : memref<112x128xf32, #tpu.memory_space<vmem>>, vector<16xf32>,
        %get3A_935 = arith.constant 0 : i32
        %get3A_936 = arith.constant 0 : i32
        %get3A_937 = tpu.memref_slice %arg10[%scan3A_705, %get3A_935, %get3A_936] : memref<2x112x128xf32, #tpu.memory_space<vmem>> -> memref<1x112x128xf32, #tpu.memory_space<vmem>>
        %get3A_938 = tpu.memref_squeeze %get3A_937 : memref<1x112x128xf32, #tpu.memory_space<vmem>> -> memref<112x128xf32, #tpu.memory_space<vmem>>
        %get3A_939 = arith.index_cast %add3A_773 : i32 to index
        %get3A_940 = arith.constant 96 : index
        %get3A_941 = tpu.vector_load %get3A_938[%get3A_939, %get3A_940] {strides = array<i32>} : memref<112x128xf32, #tpu.memory_space<vmem>>, vector<16xf32>,
        %mul3A_942 = arith.mulf %get3A_934, %get3A_941 : vector<16xf32>
        %get3A_943 = arith.constant 0 : i32
        %get3A_944 = arith.constant 0 : i32
        %get3A_945 = tpu.memref_slice %arg11[%scan3A_706, %get3A_943, %get3A_944] : memref<2x112x128xf32, #tpu.memory_space<vmem>> -> memref<1x112x128xf32, #tpu.memory_space<vmem>>
        %get3A_946 = tpu.memref_squeeze %get3A_945 : memref<1x112x128xf32, #tpu.memory_space<vmem>> -> memref<112x128xf32, #tpu.memory_space<vmem>>
        %get3A_947 = arith.index_cast %add3A_773 : i32 to index
        %get3A_948 = arith.constant 96 : index
        %get3A_949 = tpu.vector_load %get3A_946[%get3A_947, %get3A_948] {strides = array<i32>} : memref<112x128xf32, #tpu.memory_space<vmem>>, vector<16xf32>,
        %add3A_950 = arith.addf %mul3A_942, %get3A_949 : vector<16xf32>
        %swap3A_951 = arith.index_cast %add3A_773 : i32 to index
        %swap3A_952 = arith.constant 96 : index
        %swap3A_953 = tpu.vector_load %arg12[%swap3A_951, %swap3A_952] {strides = array<i32>} : memref<112x128xf32, #tpu.memory_space<vmem>>, vector<16xf32>,
        tpu.vector_store %arg12[%swap3A_951, %swap3A_952], %add3A_950 {strides = array<i32>} : memref<112x128xf32, #tpu.memory_space<vmem>>, vector<16xf32>,
        %get3A_954 = arith.constant 0 : i32
        %get3A_955 = arith.constant 0 : i32
        %get3A_956 = tpu.memref_slice %arg9[%scan3A_704, %get3A_954, %get3A_955] : memref<2x112x128xf32, #tpu.memory_space<vmem>> -> memref<1x112x128xf32, #tpu.memory_space<vmem>>
        %get3A_957 = tpu.memref_squeeze %get3A_956 : memref<1x112x128xf32, #tpu.memory_space<vmem>> -> memref<112x128xf32, #tpu.memory_space<vmem>>
        %get3A_958 = arith.index_cast %add3A_773 : i32 to index
        %get3A_959 = arith.constant 112 : index
        %get3A_960 = tpu.vector_load %get3A_957[%get3A_958, %get3A_959] {strides = array<i32>} : memref<112x128xf32, #tpu.memory_space<vmem>>, vector<16xf32>,
        %get3A_961 = arith.constant 0 : i32
        %get3A_962 = arith.constant 0 : i32
        %get3A_963 = tpu.memref_slice %arg10[%scan3A_705, %get3A_961, %get3A_962] : memref<2x112x128xf32, #tpu.memory_space<vmem>> -> memref<1x112x128xf32, #tpu.memory_space<vmem>>
        %get3A_964 = tpu.memref_squeeze %get3A_963 : memref<1x112x128xf32, #tpu.memory_space<vmem>> -> memref<112x128xf32, #tpu.memory_space<vmem>>
        %get3A_965 = arith.index_cast %add3A_773 : i32 to index
        %get3A_966 = arith.constant 112 : index
        %get3A_967 = tpu.vector_load %get3A_964[%get3A_965, %get3A_966] {strides = array<i32>} : memref<112x128xf32, #tpu.memory_space<vmem>>, vector<16xf32>,
        %mul3A_968 = arith.mulf %get3A_960, %get3A_967 : vector<16xf32>
        %get3A_969 = arith.constant 0 : i32
        %get3A_970 = arith.constant 0 : i32
        %get3A_971 = tpu.memref_slice %arg11[%scan3A_706, %get3A_969, %get3A_970] : memref<2x112x128xf32, #tpu.memory_space<vmem>> -> memref<1x112x128xf32, #tpu.memory_space<vmem>>
        %get3A_972 = tpu.memref_squeeze %get3A_971 : memref<1x112x128xf32, #tpu.memory_space<vmem>> -> memref<112x128xf32, #tpu.memory_space<vmem>>
        %get3A_973 = arith.index_cast %add3A_773 : i32 to index
        %get3A_974 = arith.constant 112 : index
        %get3A_975 = tpu.vector_load %get3A_972[%get3A_973, %get3A_974] {strides = array<i32>} : memref<112x128xf32, #tpu.memory_space<vmem>>, vector<16xf32>,
        %add3A_976 = arith.addf %mul3A_968, %get3A_975 : vector<16xf32>
        %swap3A_977 = arith.index_cast %add3A_773 : i32 to index
        %swap3A_978 = arith.constant 112 : index
        %swap3A_979 = tpu.vector_load %arg12[%swap3A_977, %swap3A_978] {strides = array<i32>} : memref<112x128xf32, #tpu.memory_space<vmem>>, vector<16xf32>,
        tpu.vector_store %arg12[%swap3A_977, %swap3A_978], %add3A_976 {strides = array<i32>} : memref<112x128xf32, #tpu.memory_space<vmem>>, vector<16xf32>,
      }
      %scan3A_711 = arith.constant 112 : i32
      %mul3A_712 = arith.constant 112 : i32
      %mul3A_713 = arith.muli %add3A_640, %mul3A_712 : i32
      %add3A_714 = arith.addi %mul3A_2, %mul3A_713 : i32
      %dma_start3A_715 = arith.constant 0 : i32
      %dma_start3A_716 = tpu.memref_slice %arg6[%add3A_714, %dma_start3A_715] : memref<200704x128xf32, #tpu.memory_space<hbm>> -> memref<112x128xf32, #tpu.memory_space<hbm>>
      %dma_start3A_717 = arith.constant 0 : i32
      %dma_start3A_718 = tpu.memref_slice %arg6[%add3A_714, %dma_start3A_717] : memref<200704x128xf32, #tpu.memory_space<hbm>> -> memref<112x128xf32, #tpu.memory_space<hbm>>
      tpu.enqueue_dma source(%arg12 : memref<112x128xf32, #tpu.memory_space<vmem>>) target(%dma_start3A_718 : memref<112x128xf32, #tpu.memory_space<hbm>>) target_semaphore(%arg14 : memref<!tpu.dma_semaphore, #tpu.memory_space<semaphore_mem>>)
      %add3A_719 = arith.constant 2 : i32
      %add3A_720 = arith.addi %add3A_640, %add3A_719 : i32
      %mul3A_721 = arith.constant 112 : i32
      %mul3A_722 = arith.muli %add3A_720, %mul3A_721 : i32
      %mul3A_723 = arith.constant 112 : i32
      %mul3A_724 = arith.muli %add3A_720, %mul3A_723 : i32
      %add3A_725 = arith.addi %mul3A_2, %mul3A_724 : i32
      %dma_start3A_726 = arith.constant 1 : i32
      %dma_start3A_727 = arith.constant 1 : i32
      %dma_start3A_728 = arith.constant 0 : i32
      %dma_start3A_729 = arith.constant 0 : i32
      %dma_start3A_730 = arith.constant 0 : i32
      %dma_start3A_731 = tpu.memref_slice %arg11[%dma_start3A_726, %dma_start3A_729, %dma_start3A_730] : memref<2x112x128xf32, #tpu.memory_space<vmem>> -> memref<1x112x128xf32, #tpu.memory_space<vmem>>
      %dma_start3A_732 = tpu.memref_squeeze %dma_start3A_731 : memref<1x112x128xf32, #tpu.memory_space<vmem>> -> memref<112x128xf32, #tpu.memory_space<vmem>>
      %dma_start3A_733 = tpu.memref_slice %arg8[%mul3A_722] : memref<6272xi32, #tpu.memory_space<vmem>> -> memref<112xi32, #tpu.memory_space<vmem>>
      %dma_start3A_734 = arith.constant 0 : i32
      %dma_start3A_735 = arith.constant 0 : i32
      %dma_start3A_736 = tpu.memref_slice %arg2[%dma_start3A_734, %dma_start3A_735] : memref<50176x128xf32, #tpu.memory_space<hbm>> -> memref<50176x128xf32, #tpu.memory_space<hbm>>
      %dma_start3A_737 = tpu.memref_slice %arg13[%dma_start3A_727, %dma_start3A_728] : memref<2x3x!tpu.dma_semaphore, #tpu.memory_space<semaphore_mem>> -> memref<1x1x!tpu.dma_semaphore, #tpu.memory_space<semaphore_mem>>
      %dma_start3A_738 = tpu.memref_squeeze %dma_start3A_737 : memref<1x1x!tpu.dma_semaphore, #tpu.memory_space<semaphore_mem>> -> memref<!tpu.dma_semaphore, #tpu.memory_space<semaphore_mem>>
      tpu.enqueue_indirect_dma source(%dma_start3A_736 : memref<50176x128xf32, #tpu.memory_space<hbm>>) target(%dma_start3A_732 : memref<112x128xf32, #tpu.memory_space<vmem>>) offsets(%dma_start3A_733 : memref<112xi32, #tpu.memory_space<vmem>>) semaphore(%dma_start3A_738 : memref<!tpu.dma_semaphore, #tpu.memory_space<semaphore_mem>>)
      %dma_start3A_739 = arith.constant 1 : i32
      %dma_start3A_740 = arith.constant 1 : i32
      %dma_start3A_741 = arith.constant 1 : i32
      %dma_start3A_742 = arith.constant 0 : i32
      %dma_start3A_743 = arith.constant 0 : i32
      %dma_start3A_744 = tpu.memref_slice %arg10[%dma_start3A_739, %dma_start3A_742, %dma_start3A_743] : memref<2x112x128xf32, #tpu.memory_space<vmem>> -> memref<1x112x128xf32, #tpu.memory_space<vmem>>
      %dma_start3A_745 = tpu.memref_squeeze %dma_start3A_744 : memref<1x112x128xf32, #tpu.memory_space<vmem>> -> memref<112x128xf32, #tpu.memory_space<vmem>>
      %dma_start3A_746 = tpu.memref_slice %arg8[%mul3A_722] : memref<6272xi32, #tpu.memory_space<vmem>> -> memref<112xi32, #tpu.memory_space<vmem>>
      %dma_start3A_747 = arith.constant 0 : i32
      %dma_start3A_748 = arith.constant 0 : i32
      %dma_start3A_749 = tpu.memref_slice %arg3[%dma_start3A_747, %dma_start3A_748] : memref<50176x128xf32, #tpu.memory_space<hbm>> -> memref<50176x128xf32, #tpu.memory_space<hbm>>
      %dma_start3A_750 = tpu.memref_slice %arg13[%dma_start3A_740, %dma_start3A_741] : memref<2x3x!tpu.dma_semaphore, #tpu.memory_space<semaphore_mem>> -> memref<1x1x!tpu.dma_semaphore, #tpu.memory_space<semaphore_mem>>
      %dma_start3A_751 = tpu.memref_squeeze %dma_start3A_750 : memref<1x1x!tpu.dma_semaphore, #tpu.memory_space<semaphore_mem>> -> memref<!tpu.dma_semaphore, #tpu.memory_space<semaphore_mem>>
      tpu.enqueue_indirect_dma source(%dma_start3A_749 : memref<50176x128xf32, #tpu.memory_space<hbm>>) target(%dma_start3A_745 : memref<112x128xf32, #tpu.memory_space<vmem>>) offsets(%dma_start3A_746 : memref<112xi32, #tpu.memory_space<vmem>>) semaphore(%dma_start3A_751 : memref<!tpu.dma_semaphore, #tpu.memory_space<semaphore_mem>>)
      %dma_start3A_752 = arith.constant 1 : i32
      %dma_start3A_753 = arith.constant 1 : i32
      %dma_start3A_754 = arith.constant 2 : i32
      %dma_start3A_755 = arith.constant 0 : i32
      %dma_start3A_756 = arith.constant 0 : i32
      %dma_start3A_757 = tpu.memref_slice %arg9[%dma_start3A_752, %dma_start3A_755, %dma_start3A_756] : memref<2x112x128xf32, #tpu.memory_space<vmem>> -> memref<1x112x128xf32, #tpu.memory_space<vmem>>
      %dma_start3A_758 = tpu.memref_squeeze %dma_start3A_757 : memref<1x112x128xf32, #tpu.memory_space<vmem>> -> memref<112x128xf32, #tpu.memory_space<vmem>>
      %dma_start3A_759 = arith.constant 0 : i32
      %dma_start3A_760 = tpu.memref_slice %arg4[%add3A_725, %dma_start3A_759] : memref<200704x128xf32, #tpu.memory_space<hbm>> -> memref<112x128xf32, #tpu.memory_space<hbm>>
      %dma_start3A_761 = tpu.memref_slice %arg13[%dma_start3A_753, %dma_start3A_754] : memref<2x3x!tpu.dma_semaphore, #tpu.memory_space<semaphore_mem>> -> memref<1x1x!tpu.dma_semaphore, #tpu.memory_space<semaphore_mem>>
      %dma_start3A_762 = tpu.memref_squeeze %dma_start3A_761 : memref<1x1x!tpu.dma_semaphore, #tpu.memory_space<semaphore_mem>> -> memref<!tpu.dma_semaphore, #tpu.memory_space<semaphore_mem>>
      %dma_start3A_763 = arith.constant 0 : i32
      %dma_start3A_764 = arith.constant 0 : i32
      %dma_start3A_765 = tpu.memref_slice %arg9[%dma_start3A_752, %dma_start3A_763, %dma_start3A_764] : memref<2x112x128xf32, #tpu.memory_space<vmem>> -> memref<1x112x128xf32, #tpu.memory_space<vmem>>
      %dma_start3A_766 = tpu.memref_squeeze %dma_start3A_765 : memref<1x112x128xf32, #tpu.memory_space<vmem>> -> memref<112x128xf32, #tpu.memory_space<vmem>>
      %dma_start3A_767 = arith.constant 0 : i32
      %dma_start3A_768 = tpu.memref_slice %arg4[%add3A_725, %dma_start3A_767] : memref<200704x128xf32, #tpu.memory_space<hbm>> -> memref<112x128xf32, #tpu.memory_space<hbm>>
      tpu.enqueue_dma source(%dma_start3A_768 : memref<112x128xf32, #tpu.memory_space<hbm>>) target(%dma_start3A_766 : memref<112x128xf32, #tpu.memory_space<vmem>>) target_semaphore(%dma_start3A_762 : memref<!tpu.dma_semaphore, #tpu.memory_space<semaphore_mem>>)
    }
    %scan3A_345 = arith.constant 26 : i32
    %dma_wait3A_346 = arith.constant 0 : i32
    %dma_wait3A_347 = arith.constant 0 : i32
    %dma_wait3A_348 = arith.constant 0 : i32
    %dma_wait3A_349 = arith.constant 0 : i32
    %dma_wait3A_350 = arith.constant 0 : i32
    %dma_wait3A_351 = tpu.memref_slice %arg11[%dma_wait3A_346, %dma_wait3A_349, %dma_wait3A_350] : memref<2x112x128xf32, #tpu.memory_space<vmem>> -> memref<1x112x128xf32, #tpu.memory_space<vmem>>
    %dma_wait3A_352 = tpu.memref_squeeze %dma_wait3A_351 : memref<1x112x128xf32, #tpu.memory_space<vmem>> -> memref<112x128xf32, #tpu.memory_space<vmem>>
    %dma_wait3A_353 = arith.constant 0 : i32
    %dma_wait3A_354 = arith.constant 0 : i32
    %dma_wait3A_355 = tpu.memref_slice %arg2[%dma_wait3A_353, %dma_wait3A_354] : memref<50176x128xf32, #tpu.memory_space<hbm>> -> memref<112x128xf32, #tpu.memory_space<hbm>>
    %dma_wait3A_356 = tpu.memref_slice %arg13[%dma_wait3A_347, %dma_wait3A_348] : memref<2x3x!tpu.dma_semaphore, #tpu.memory_space<semaphore_mem>> -> memref<1x1x!tpu.dma_semaphore, #tpu.memory_space<semaphore_mem>>
    %dma_wait3A_357 = tpu.memref_squeeze %dma_wait3A_356 : memref<1x1x!tpu.dma_semaphore, #tpu.memory_space<semaphore_mem>> -> memref<!tpu.dma_semaphore, #tpu.memory_space<semaphore_mem>>
    %dma_wait3A_358 = arith.constant 0 : i32
    %dma_wait3A_359 = arith.constant 0 : i32
    %dma_wait3A_360 = tpu.memref_slice %arg11[%dma_wait3A_346, %dma_wait3A_358, %dma_wait3A_359] : memref<2x112x128xf32, #tpu.memory_space<vmem>> -> memref<1x112x128xf32, #tpu.memory_space<vmem>>
    %dma_wait3A_361 = tpu.memref_squeeze %dma_wait3A_360 : memref<1x112x128xf32, #tpu.memory_space<vmem>> -> memref<112x128xf32, #tpu.memory_space<vmem>>
    %dma_wait3A_362 = arith.constant 0 : i32
    %dma_wait3A_363 = arith.constant 0 : i32
    %dma_wait3A_364 = tpu.memref_slice %arg2[%dma_wait3A_362, %dma_wait3A_363] : memref<50176x128xf32, #tpu.memory_space<hbm>> -> memref<112x128xf32, #tpu.memory_space<hbm>>
    tpu.wait_dma2 semaphore(%dma_wait3A_357 : memref<!tpu.dma_semaphore, #tpu.memory_space<semaphore_mem>>) src(%dma_wait3A_364 : memref<112x128xf32, #tpu.memory_space<hbm>>) dst(%dma_wait3A_361 : memref<112x128xf32, #tpu.memory_space<vmem>>)
    %dma_wait3A_365 = arith.constant 0 : i32
    %dma_wait3A_366 = arith.constant 0 : i32
    %dma_wait3A_367 = arith.constant 1 : i32
    %dma_wait3A_368 = arith.constant 0 : i32
    %dma_wait3A_369 = arith.constant 0 : i32
    %dma_wait3A_370 = tpu.memref_slice %arg10[%dma_wait3A_365, %dma_wait3A_368, %dma_wait3A_369] : memref<2x112x128xf32, #tpu.memory_space<vmem>> -> memref<1x112x128xf32, #tpu.memory_space<vmem>>
    %dma_wait3A_371 = tpu.memref_squeeze %dma_wait3A_370 : memref<1x112x128xf32, #tpu.memory_space<vmem>> -> memref<112x128xf32, #tpu.memory_space<vmem>>
    %dma_wait3A_372 = arith.constant 0 : i32
    %dma_wait3A_373 = arith.constant 0 : i32
    %dma_wait3A_374 = tpu.memref_slice %arg3[%dma_wait3A_372, %dma_wait3A_373] : memref<50176x128xf32, #tpu.memory_space<hbm>> -> memref<112x128xf32, #tpu.memory_space<hbm>>
    %dma_wait3A_375 = tpu.memref_slice %arg13[%dma_wait3A_366, %dma_wait3A_367] : memref<2x3x!tpu.dma_semaphore, #tpu.memory_space<semaphore_mem>> -> memref<1x1x!tpu.dma_semaphore, #tpu.memory_space<semaphore_mem>>
    %dma_wait3A_376 = tpu.memref_squeeze %dma_wait3A_375 : memref<1x1x!tpu.dma_semaphore, #tpu.memory_space<semaphore_mem>> -> memref<!tpu.dma_semaphore, #tpu.memory_space<semaphore_mem>>
    %dma_wait3A_377 = arith.constant 0 : i32
    %dma_wait3A_378 = arith.constant 0 : i32
    %dma_wait3A_379 = tpu.memref_slice %arg10[%dma_wait3A_365, %dma_wait3A_377, %dma_wait3A_378] : memref<2x112x128xf32, #tpu.memory_space<vmem>> -> memref<1x112x128xf32, #tpu.memory_space<vmem>>
    %dma_wait3A_380 = tpu.memref_squeeze %dma_wait3A_379 : memref<1x112x128xf32, #tpu.memory_space<vmem>> -> memref<112x128xf32, #tpu.memory_space<vmem>>
    %dma_wait3A_381 = arith.constant 0 : i32
    %dma_wait3A_382 = arith.constant 0 : i32
    %dma_wait3A_383 = tpu.memref_slice %arg3[%dma_wait3A_381, %dma_wait3A_382] : memref<50176x128xf32, #tpu.memory_space<hbm>> -> memref<112x128xf32, #tpu.memory_space<hbm>>
    tpu.wait_dma2 semaphore(%dma_wait3A_376 : memref<!tpu.dma_semaphore, #tpu.memory_space<semaphore_mem>>) src(%dma_wait3A_383 : memref<112x128xf32, #tpu.memory_space<hbm>>) dst(%dma_wait3A_380 : memref<112x128xf32, #tpu.memory_space<vmem>>)
    %dma_wait3A_384 = arith.constant 0 : i32
    %dma_wait3A_385 = arith.constant 0 : i32
    %dma_wait3A_386 = arith.constant 2 : i32
    %dma_wait3A_387 = arith.constant 0 : i32
    %dma_wait3A_388 = arith.constant 0 : i32
    %dma_wait3A_389 = tpu.memref_slice %arg9[%dma_wait3A_384, %dma_wait3A_387, %dma_wait3A_388] : memref<2x112x128xf32, #tpu.memory_space<vmem>> -> memref<1x112x128xf32, #tpu.memory_space<vmem>>
    %dma_wait3A_390 = tpu.memref_squeeze %dma_wait3A_389 : memref<1x112x128xf32, #tpu.memory_space<vmem>> -> memref<112x128xf32, #tpu.memory_space<vmem>>
    %dma_wait3A_391 = arith.constant 0 : i32
    %dma_wait3A_392 = arith.constant 0 : i32
    %dma_wait3A_393 = tpu.memref_slice %arg4[%dma_wait3A_391, %dma_wait3A_392] : memref<200704x128xf32, #tpu.memory_space<hbm>> -> memref<112x128xf32, #tpu.memory_space<hbm>>
    %dma_wait3A_394 = tpu.memref_slice %arg13[%dma_wait3A_385, %dma_wait3A_386] : memref<2x3x!tpu.dma_semaphore, #tpu.memory_space<semaphore_mem>> -> memref<1x1x!tpu.dma_semaphore, #tpu.memory_space<semaphore_mem>>
    %dma_wait3A_395 = tpu.memref_squeeze %dma_wait3A_394 : memref<1x1x!tpu.dma_semaphore, #tpu.memory_space<semaphore_mem>> -> memref<!tpu.dma_semaphore, #tpu.memory_space<semaphore_mem>>
    %dma_wait3A_396 = arith.constant 0 : i32
    %dma_wait3A_397 = arith.constant 0 : i32
    %dma_wait3A_398 = tpu.memref_slice %arg9[%dma_wait3A_384, %dma_wait3A_396, %dma_wait3A_397] : memref<2x112x128xf32, #tpu.memory_space<vmem>> -> memref<1x112x128xf32, #tpu.memory_space<vmem>>
    %dma_wait3A_399 = tpu.memref_squeeze %dma_wait3A_398 : memref<1x112x128xf32, #tpu.memory_space<vmem>> -> memref<112x128xf32, #tpu.memory_space<vmem>>
    %dma_wait3A_400 = arith.constant 0 : i32
    %dma_wait3A_401 = arith.constant 0 : i32
    %dma_wait3A_402 = tpu.memref_slice %arg4[%dma_wait3A_400, %dma_wait3A_401] : memref<200704x128xf32, #tpu.memory_space<hbm>> -> memref<112x128xf32, #tpu.memory_space<hbm>>
    tpu.wait_dma2 semaphore(%dma_wait3A_395 : memref<!tpu.dma_semaphore, #tpu.memory_space<semaphore_mem>>) src(%dma_wait3A_402 : memref<112x128xf32, #tpu.memory_space<hbm>>) dst(%dma_wait3A_399 : memref<112x128xf32, #tpu.memory_space<vmem>>)
    %dma_wait3A_403 = arith.constant 0 : i32
    %dma_wait3A_404 = arith.constant 0 : i32
    %dma_wait3A_405 = tpu.memref_slice %arg6[%dma_wait3A_403, %dma_wait3A_404] : memref<200704x128xf32, #tpu.memory_space<hbm>> -> memref<112x128xf32, #tpu.memory_space<hbm>>
    %dma_wait3A_406 = arith.constant 0 : i32
    %dma_wait3A_407 = arith.constant 0 : i32
    %dma_wait3A_408 = tpu.memref_slice %arg6[%dma_wait3A_406, %dma_wait3A_407] : memref<200704x128xf32, #tpu.memory_space<hbm>> -> memref<112x128xf32, #tpu.memory_space<hbm>>
    tpu.wait_dma2 semaphore(%arg14 : memref<!tpu.dma_semaphore, #tpu.memory_space<semaphore_mem>>) src(%arg12 : memref<112x128xf32, #tpu.memory_space<vmem>>) dst(%dma_wait3A_408 : memref<112x128xf32, #tpu.memory_space<hbm>>)
    %scan3A_409 = arith.constant 0 : i32
    %scan3A_410 = arith.constant 0 : i32
    %scan3A_411 = arith.constant 0 : i32
    %scan3A_412 = arith.constant 0 : i32
    %scan3A_413 = arith.constant 112 : i32
    %scan3A_414 = arith.addi %scan3A_412, %scan3A_413 : i32
    %scan3A_415 = arith.constant 1 : i32
    scf.for %scan3A_506 = %scan3A_412 to %scan3A_414 step %scan3A_415  : i32 {
      %mul3A_507 = arith.constant 1 : i32
      %mul3A_508 = arith.muli %scan3A_506, %mul3A_507 : i32
      %add3A_509 = arith.constant 0 : i32
      %add3A_510 = arith.addi %add3A_509, %mul3A_508 : i32
      %get3A = arith.constant 0 : i32
      %get3A_511 = arith.constant 0 : i32
      %get3A_512 = tpu.memref_slice %arg9[%scan3A_409, %get3A, %get3A_511] : memref<2x112x128xf32, #tpu.memory_space<vmem>> -> memref<1x112x128xf32, #tpu.memory_space<vmem>>
      %get3A_513 = tpu.memref_squeeze %get3A_512 : memref<1x112x128xf32, #tpu.memory_space<vmem>> -> memref<112x128xf32, #tpu.memory_space<vmem>>
      %get3A_514 = arith.index_cast %add3A_510 : i32 to index
      %get3A_515 = arith.constant 0 : index
      %get3A_516 = tpu.vector_load %get3A_513[%get3A_514, %get3A_515] {strides = array<i32>} : memref<112x128xf32, #tpu.memory_space<vmem>>, vector<16xf32>,
      %get3A_517 = arith.constant 0 : i32
      %get3A_518 = arith.constant 0 : i32
      %get3A_519 = tpu.memref_slice %arg10[%scan3A_410, %get3A_517, %get3A_518] : memref<2x112x128xf32, #tpu.memory_space<vmem>> -> memref<1x112x128xf32, #tpu.memory_space<vmem>>
      %get3A_520 = tpu.memref_squeeze %get3A_519 : memref<1x112x128xf32, #tpu.memory_space<vmem>> -> memref<112x128xf32, #tpu.memory_space<vmem>>
      %get3A_521 = arith.index_cast %add3A_510 : i32 to index
      %get3A_522 = arith.constant 0 : index
      %get3A_523 = tpu.vector_load %get3A_520[%get3A_521, %get3A_522] {strides = array<i32>} : memref<112x128xf32, #tpu.memory_space<vmem>>, vector<16xf32>,
      %mul3A_524 = arith.mulf %get3A_516, %get3A_523 : vector<16xf32>
      %get3A_525 = arith.constant 0 : i32
      %get3A_526 = arith.constant 0 : i32
      %get3A_527 = tpu.memref_slice %arg11[%scan3A_411, %get3A_525, %get3A_526] : memref<2x112x128xf32, #tpu.memory_space<vmem>> -> memref<1x112x128xf32, #tpu.memory_space<vmem>>
      %get3A_528 = tpu.memref_squeeze %get3A_527 : memref<1x112x128xf32, #tpu.memory_space<vmem>> -> memref<112x128xf32, #tpu.memory_space<vmem>>
      %get3A_529 = arith.index_cast %add3A_510 : i32 to index
      %get3A_530 = arith.constant 0 : index
      %get3A_531 = tpu.vector_load %get3A_528[%get3A_529, %get3A_530] {strides = array<i32>} : memref<112x128xf32, #tpu.memory_space<vmem>>, vector<16xf32>,
      %add3A_532 = arith.addf %mul3A_524, %get3A_531 : vector<16xf32>
      %swap3A = arith.index_cast %add3A_510 : i32 to index
      %swap3A_533 = arith.constant 0 : index
      %swap3A_534 = tpu.vector_load %arg12[%swap3A, %swap3A_533] {strides = array<i32>} : memref<112x128xf32, #tpu.memory_space<vmem>>, vector<16xf32>,
      tpu.vector_store %arg12[%swap3A, %swap3A_533], %add3A_532 {strides = array<i32>} : memref<112x128xf32, #tpu.memory_space<vmem>>, vector<16xf32>,
      %get3A_535 = arith.constant 0 : i32
      %get3A_536 = arith.constant 0 : i32
      %get3A_537 = tpu.memref_slice %arg9[%scan3A_409, %get3A_535, %get3A_536] : memref<2x112x128xf32, #tpu.memory_space<vmem>> -> memref<1x112x128xf32, #tpu.memory_space<vmem>>
      %get3A_538 = tpu.memref_squeeze %get3A_537 : memref<1x112x128xf32, #tpu.memory_space<vmem>> -> memref<112x128xf32, #tpu.memory_space<vmem>>
      %get3A_539 = arith.index_cast %add3A_510 : i32 to index
      %get3A_540 = arith.constant 16 : index
      %get3A_541 = tpu.vector_load %get3A_538[%get3A_539, %get3A_540] {strides = array<i32>} : memref<112x128xf32, #tpu.memory_space<vmem>>, vector<16xf32>,
      %get3A_542 = arith.constant 0 : i32
      %get3A_543 = arith.constant 0 : i32
      %get3A_544 = tpu.memref_slice %arg10[%scan3A_410, %get3A_542, %get3A_543] : memref<2x112x128xf32, #tpu.memory_space<vmem>> -> memref<1x112x128xf32, #tpu.memory_space<vmem>>
      %get3A_545 = tpu.memref_squeeze %get3A_544 : memref<1x112x128xf32, #tpu.memory_space<vmem>> -> memref<112x128xf32, #tpu.memory_space<vmem>>
      %get3A_546 = arith.index_cast %add3A_510 : i32 to index
      %get3A_547 = arith.constant 16 : index
      %get3A_548 = tpu.vector_load %get3A_545[%get3A_546, %get3A_547] {strides = array<i32>} : memref<112x128xf32, #tpu.memory_space<vmem>>, vector<16xf32>,
      %mul3A_549 = arith.mulf %get3A_541, %get3A_548 : vector<16xf32>
      %get3A_550 = arith.constant 0 : i32
      %get3A_551 = arith.constant 0 : i32
      %get3A_552 = tpu.memref_slice %arg11[%scan3A_411, %get3A_550, %get3A_551] : memref<2x112x128xf32, #tpu.memory_space<vmem>> -> memref<1x112x128xf32, #tpu.memory_space<vmem>>
      %get3A_553 = tpu.memref_squeeze %get3A_552 : memref<1x112x128xf32, #tpu.memory_space<vmem>> -> memref<112x128xf32, #tpu.memory_space<vmem>>
      %get3A_554 = arith.index_cast %add3A_510 : i32 to index
      %get3A_555 = arith.constant 16 : index
      %get3A_556 = tpu.vector_load %get3A_553[%get3A_554, %get3A_555] {strides = array<i32>} : memref<112x128xf32, #tpu.memory_space<vmem>>, vector<16xf32>,
      %add3A_557 = arith.addf %mul3A_549, %get3A_556 : vector<16xf32>
      %swap3A_558 = arith.index_cast %add3A_510 : i32 to index
      %swap3A_559 = arith.constant 16 : index
      %swap3A_560 = tpu.vector_load %arg12[%swap3A_558, %swap3A_559] {strides = array<i32>} : memref<112x128xf32, #tpu.memory_space<vmem>>, vector<16xf32>,
      tpu.vector_store %arg12[%swap3A_558, %swap3A_559], %add3A_557 {strides = array<i32>} : memref<112x128xf32, #tpu.memory_space<vmem>>, vector<16xf32>,
      %get3A_561 = arith.constant 0 : i32
      %get3A_562 = arith.constant 0 : i32
      %get3A_563 = tpu.memref_slice %arg9[%scan3A_409, %get3A_561, %get3A_562] : memref<2x112x128xf32, #tpu.memory_space<vmem>> -> memref<1x112x128xf32, #tpu.memory_space<vmem>>
      %get3A_564 = tpu.memref_squeeze %get3A_563 : memref<1x112x128xf32, #tpu.memory_space<vmem>> -> memref<112x128xf32, #tpu.memory_space<vmem>>
      %get3A_565 = arith.index_cast %add3A_510 : i32 to index
      %get3A_566 = arith.constant 32 : index
      %get3A_567 = tpu.vector_load %get3A_564[%get3A_565, %get3A_566] {strides = array<i32>} : memref<112x128xf32, #tpu.memory_space<vmem>>, vector<16xf32>,
      %get3A_568 = arith.constant 0 : i32
      %get3A_569 = arith.constant 0 : i32
      %get3A_570 = tpu.memref_slice %arg10[%scan3A_410, %get3A_568, %get3A_569] : memref<2x112x128xf32, #tpu.memory_space<vmem>> -> memref<1x112x128xf32, #tpu.memory_space<vmem>>
      %get3A_571 = tpu.memref_squeeze %get3A_570 : memref<1x112x128xf32, #tpu.memory_space<vmem>> -> memref<112x128xf32, #tpu.memory_space<vmem>>
      %get3A_572 = arith.index_cast %add3A_510 : i32 to index
      %get3A_573 = arith.constant 32 : index
      %get3A_574 = tpu.vector_load %get3A_571[%get3A_572, %get3A_573] {strides = array<i32>} : memref<112x128xf32, #tpu.memory_space<vmem>>, vector<16xf32>,
      %mul3A_575 = arith.mulf %get3A_567, %get3A_574 : vector<16xf32>
      %get3A_576 = arith.constant 0 : i32
      %get3A_577 = arith.constant 0 : i32
      %get3A_578 = tpu.memref_slice %arg11[%scan3A_411, %get3A_576, %get3A_577] : memref<2x112x128xf32, #tpu.memory_space<vmem>> -> memref<1x112x128xf32, #tpu.memory_space<vmem>>
      %get3A_579 = tpu.memref_squeeze %get3A_578 : memref<1x112x128xf32, #tpu.memory_space<vmem>> -> memref<112x128xf32, #tpu.memory_space<vmem>>
      %get3A_580 = arith.index_cast %add3A_510 : i32 to index
      %get3A_581 = arith.constant 32 : index
      %get3A_582 = tpu.vector_load %get3A_579[%get3A_580, %get3A_581] {strides = array<i32>} : memref<112x128xf32, #tpu.memory_space<vmem>>, vector<16xf32>,
      %add3A_583 = arith.addf %mul3A_575, %get3A_582 : vector<16xf32>
      %swap3A_584 = arith.index_cast %add3A_510 : i32 to index
      %swap3A_585 = arith.constant 32 : index
      %swap3A_586 = tpu.vector_load %arg12[%swap3A_584, %swap3A_585] {strides = array<i32>} : memref<112x128xf32, #tpu.memory_space<vmem>>, vector<16xf32>,
      tpu.vector_store %arg12[%swap3A_584, %swap3A_585], %add3A_583 {strides = array<i32>} : memref<112x128xf32, #tpu.memory_space<vmem>>, vector<16xf32>,
      %get3A_587 = arith.constant 0 : i32
      %get3A_588 = arith.constant 0 : i32
      %get3A_589 = tpu.memref_slice %arg9[%scan3A_409, %get3A_587, %get3A_588] : memref<2x112x128xf32, #tpu.memory_space<vmem>> -> memref<1x112x128xf32, #tpu.memory_space<vmem>>
      %get3A_590 = tpu.memref_squeeze %get3A_589 : memref<1x112x128xf32, #tpu.memory_space<vmem>> -> memref<112x128xf32, #tpu.memory_space<vmem>>
      %get3A_591 = arith.index_cast %add3A_510 : i32 to index
      %get3A_592 = arith.constant 48 : index
      %get3A_593 = tpu.vector_load %get3A_590[%get3A_591, %get3A_592] {strides = array<i32>} : memref<112x128xf32, #tpu.memory_space<vmem>>, vector<16xf32>,
      %get3A_594 = arith.constant 0 : i32
      %get3A_595 = arith.constant 0 : i32
      %get3A_596 = tpu.memref_slice %arg10[%scan3A_410, %get3A_594, %get3A_595] : memref<2x112x128xf32, #tpu.memory_space<vmem>> -> memref<1x112x128xf32, #tpu.memory_space<vmem>>
      %get3A_597 = tpu.memref_squeeze %get3A_596 : memref<1x112x128xf32, #tpu.memory_space<vmem>> -> memref<112x128xf32, #tpu.memory_space<vmem>>
      %get3A_598 = arith.index_cast %add3A_510 : i32 to index
      %get3A_599 = arith.constant 48 : index
      %get3A_600 = tpu.vector_load %get3A_597[%get3A_598, %get3A_599] {strides = array<i32>} : memref<112x128xf32, #tpu.memory_space<vmem>>, vector<16xf32>,
      %mul3A_601 = arith.mulf %get3A_593, %get3A_600 : vector<16xf32>
      %get3A_602 = arith.constant 0 : i32
      %get3A_603 = arith.constant 0 : i32
      %get3A_604 = tpu.memref_slice %arg11[%scan3A_411, %get3A_602, %get3A_603] : memref<2x112x128xf32, #tpu.memory_space<vmem>> -> memref<1x112x128xf32, #tpu.memory_space<vmem>>
      %get3A_605 = tpu.memref_squeeze %get3A_604 : memref<1x112x128xf32, #tpu.memory_space<vmem>> -> memref<112x128xf32, #tpu.memory_space<vmem>>
      %get3A_606 = arith.index_cast %add3A_510 : i32 to index
      %get3A_607 = arith.constant 48 : index
      %get3A_608 = tpu.vector_load %get3A_605[%get3A_606, %get3A_607] {strides = array<i32>} : memref<112x128xf32, #tpu.memory_space<vmem>>, vector<16xf32>,
      %add3A_609 = arith.addf %mul3A_601, %get3A_608 : vector<16xf32>
      %swap3A_610 = arith.index_cast %add3A_510 : i32 to index
      %swap3A_611 = arith.constant 48 : index
      %swap3A_612 = tpu.vector_load %arg12[%swap3A_610, %swap3A_611] {strides = array<i32>} : memref<112x128xf32, #tpu.memory_space<vmem>>, vector<16xf32>,
      tpu.vector_store %arg12[%swap3A_610, %swap3A_611], %add3A_609 {strides = array<i32>} : memref<112x128xf32, #tpu.memory_space<vmem>>, vector<16xf32>,
      %get3A_613 = arith.constant 0 : i32
      %get3A_614 = arith.constant 0 : i32
      %get3A_615 = tpu.memref_slice %arg9[%scan3A_409, %get3A_613, %get3A_614] : memref<2x112x128xf32, #tpu.memory_space<vmem>> -> memref<1x112x128xf32, #tpu.memory_space<vmem>>
      %get3A_616 = tpu.memref_squeeze %get3A_615 : memref<1x112x128xf32, #tpu.memory_space<vmem>> -> memref<112x128xf32, #tpu.memory_space<vmem>>
      %get3A_617 = arith.index_cast %add3A_510 : i32 to index
      %get3A_618 = arith.constant 64 : index
      %get3A_619 = tpu.vector_load %get3A_616[%get3A_617, %get3A_618] {strides = array<i32>} : memref<112x128xf32, #tpu.memory_space<vmem>>, vector<16xf32>,
      %get3A_620 = arith.constant 0 : i32
      %get3A_621 = arith.constant 0 : i32
      %get3A_622 = tpu.memref_slice %arg10[%scan3A_410, %get3A_620, %get3A_621] : memref<2x112x128xf32, #tpu.memory_space<vmem>> -> memref<1x112x128xf32, #tpu.memory_space<vmem>>
      %get3A_623 = tpu.memref_squeeze %get3A_622 : memref<1x112x128xf32, #tpu.memory_space<vmem>> -> memref<112x128xf32, #tpu.memory_space<vmem>>
      %get3A_624 = arith.index_cast %add3A_510 : i32 to index
      %get3A_625 = arith.constant 64 : index
      %get3A_626 = tpu.vector_load %get3A_623[%get3A_624, %get3A_625] {strides = array<i32>} : memref<112x128xf32, #tpu.memory_space<vmem>>, vector<16xf32>,
      %mul3A_627 = arith.mulf %get3A_619, %get3A_626 : vector<16xf32>
      %get3A_628 = arith.constant 0 : i32
      %get3A_629 = arith.constant 0 : i32
      %get3A_630 = tpu.memref_slice %arg11[%scan3A_411, %get3A_628, %get3A_629] : memref<2x112x128xf32, #tpu.memory_space<vmem>> -> memref<1x112x128xf32, #tpu.memory_space<vmem>>
      %get3A_631 = tpu.memref_squeeze %get3A_630 : memref<1x112x128xf32, #tpu.memory_space<vmem>> -> memref<112x128xf32, #tpu.memory_space<vmem>>
      %get3A_632 = arith.index_cast %add3A_510 : i32 to index
      %get3A_633 = arith.constant 64 : index
      %get3A_634 = tpu.vector_load %get3A_631[%get3A_632, %get3A_633] {strides = array<i32>} : memref<112x128xf32, #tpu.memory_space<vmem>>, vector<16xf32>,
      %add3A_635 = arith.addf %mul3A_627, %get3A_634 : vector<16xf32>
      %swap3A_636 = arith.index_cast %add3A_510 : i32 to index
      %swap3A_637 = arith.constant 64 : index
      %swap3A_638 = tpu.vector_load %arg12[%swap3A_636, %swap3A_637] {strides = array<i32>} : memref<112x128xf32, #tpu.memory_space<vmem>>, vector<16xf32>,
      tpu.vector_store %arg12[%swap3A_636, %swap3A_637], %add3A_635 {strides = array<i32>} : memref<112x128xf32, #tpu.memory_space<vmem>>, vector<16xf32>,
      %get3A_639 = arith.constant 0 : i32
      %get3A_640 = arith.constant 0 : i32
      %get3A_641 = tpu.memref_slice %arg9[%scan3A_409, %get3A_639, %get3A_640] : memref<2x112x128xf32, #tpu.memory_space<vmem>> -> memref<1x112x128xf32, #tpu.memory_space<vmem>>
      %get3A_642 = tpu.memref_squeeze %get3A_641 : memref<1x112x128xf32, #tpu.memory_space<vmem>> -> memref<112x128xf32, #tpu.memory_space<vmem>>
      %get3A_643 = arith.index_cast %add3A_510 : i32 to index
      %get3A_644 = arith.constant 80 : index
      %get3A_645 = tpu.vector_load %get3A_642[%get3A_643, %get3A_644] {strides = array<i32>} : memref<112x128xf32, #tpu.memory_space<vmem>>, vector<16xf32>,
      %get3A_646 = arith.constant 0 : i32
      %get3A_647 = arith.constant 0 : i32
      %get3A_648 = tpu.memref_slice %arg10[%scan3A_410, %get3A_646, %get3A_647] : memref<2x112x128xf32, #tpu.memory_space<vmem>> -> memref<1x112x128xf32, #tpu.memory_space<vmem>>
      %get3A_649 = tpu.memref_squeeze %get3A_648 : memref<1x112x128xf32, #tpu.memory_space<vmem>> -> memref<112x128xf32, #tpu.memory_space<vmem>>
      %get3A_650 = arith.index_cast %add3A_510 : i32 to index
      %get3A_651 = arith.constant 80 : index
      %get3A_652 = tpu.vector_load %get3A_649[%get3A_650, %get3A_651] {strides = array<i32>} : memref<112x128xf32, #tpu.memory_space<vmem>>, vector<16xf32>,
      %mul3A_653 = arith.mulf %get3A_645, %get3A_652 : vector<16xf32>
      %get3A_654 = arith.constant 0 : i32
      %get3A_655 = arith.constant 0 : i32
      %get3A_656 = tpu.memref_slice %arg11[%scan3A_411, %get3A_654, %get3A_655] : memref<2x112x128xf32, #tpu.memory_space<vmem>> -> memref<1x112x128xf32, #tpu.memory_space<vmem>>
      %get3A_657 = tpu.memref_squeeze %get3A_656 : memref<1x112x128xf32, #tpu.memory_space<vmem>> -> memref<112x128xf32, #tpu.memory_space<vmem>>
      %get3A_658 = arith.index_cast %add3A_510 : i32 to index
      %get3A_659 = arith.constant 80 : index
      %get3A_660 = tpu.vector_load %get3A_657[%get3A_658, %get3A_659] {strides = array<i32>} : memref<112x128xf32, #tpu.memory_space<vmem>>, vector<16xf32>,
      %add3A_661 = arith.addf %mul3A_653, %get3A_660 : vector<16xf32>
      %swap3A_662 = arith.index_cast %add3A_510 : i32 to index
      %swap3A_663 = arith.constant 80 : index
      %swap3A_664 = tpu.vector_load %arg12[%swap3A_662, %swap3A_663] {strides = array<i32>} : memref<112x128xf32, #tpu.memory_space<vmem>>, vector<16xf32>,
      tpu.vector_store %arg12[%swap3A_662, %swap3A_663], %add3A_661 {strides = array<i32>} : memref<112x128xf32, #tpu.memory_space<vmem>>, vector<16xf32>,
      %get3A_665 = arith.constant 0 : i32
      %get3A_666 = arith.constant 0 : i32
      %get3A_667 = tpu.memref_slice %arg9[%scan3A_409, %get3A_665, %get3A_666] : memref<2x112x128xf32, #tpu.memory_space<vmem>> -> memref<1x112x128xf32, #tpu.memory_space<vmem>>
      %get3A_668 = tpu.memref_squeeze %get3A_667 : memref<1x112x128xf32, #tpu.memory_space<vmem>> -> memref<112x128xf32, #tpu.memory_space<vmem>>
      %get3A_669 = arith.index_cast %add3A_510 : i32 to index
      %get3A_670 = arith.constant 96 : index
      %get3A_671 = tpu.vector_load %get3A_668[%get3A_669, %get3A_670] {strides = array<i32>} : memref<112x128xf32, #tpu.memory_space<vmem>>, vector<16xf32>,
      %get3A_672 = arith.constant 0 : i32
      %get3A_673 = arith.constant 0 : i32
      %get3A_674 = tpu.memref_slice %arg10[%scan3A_410, %get3A_672, %get3A_673] : memref<2x112x128xf32, #tpu.memory_space<vmem>> -> memref<1x112x128xf32, #tpu.memory_space<vmem>>
      %get3A_675 = tpu.memref_squeeze %get3A_674 : memref<1x112x128xf32, #tpu.memory_space<vmem>> -> memref<112x128xf32, #tpu.memory_space<vmem>>
      %get3A_676 = arith.index_cast %add3A_510 : i32 to index
      %get3A_677 = arith.constant 96 : index
      %get3A_678 = tpu.vector_load %get3A_675[%get3A_676, %get3A_677] {strides = array<i32>} : memref<112x128xf32, #tpu.memory_space<vmem>>, vector<16xf32>,
      %mul3A_679 = arith.mulf %get3A_671, %get3A_678 : vector<16xf32>
      %get3A_680 = arith.constant 0 : i32
      %get3A_681 = arith.constant 0 : i32
      %get3A_682 = tpu.memref_slice %arg11[%scan3A_411, %get3A_680, %get3A_681] : memref<2x112x128xf32, #tpu.memory_space<vmem>> -> memref<1x112x128xf32, #tpu.memory_space<vmem>>
      %get3A_683 = tpu.memref_squeeze %get3A_682 : memref<1x112x128xf32, #tpu.memory_space<vmem>> -> memref<112x128xf32, #tpu.memory_space<vmem>>
      %get3A_684 = arith.index_cast %add3A_510 : i32 to index
      %get3A_685 = arith.constant 96 : index
      %get3A_686 = tpu.vector_load %get3A_683[%get3A_684, %get3A_685] {strides = array<i32>} : memref<112x128xf32, #tpu.memory_space<vmem>>, vector<16xf32>,
      %add3A_687 = arith.addf %mul3A_679, %get3A_686 : vector<16xf32>
      %swap3A_688 = arith.index_cast %add3A_510 : i32 to index
      %swap3A_689 = arith.constant 96 : index
      %swap3A_690 = tpu.vector_load %arg12[%swap3A_688, %swap3A_689] {strides = array<i32>} : memref<112x128xf32, #tpu.memory_space<vmem>>, vector<16xf32>,
      tpu.vector_store %arg12[%swap3A_688, %swap3A_689], %add3A_687 {strides = array<i32>} : memref<112x128xf32, #tpu.memory_space<vmem>>, vector<16xf32>,
      %get3A_691 = arith.constant 0 : i32
      %get3A_692 = arith.constant 0 : i32
      %get3A_693 = tpu.memref_slice %arg9[%scan3A_409, %get3A_691, %get3A_692] : memref<2x112x128xf32, #tpu.memory_space<vmem>> -> memref<1x112x128xf32, #tpu.memory_space<vmem>>
      %get3A_694 = tpu.memref_squeeze %get3A_693 : memref<1x112x128xf32, #tpu.memory_space<vmem>> -> memref<112x128xf32, #tpu.memory_space<vmem>>
      %get3A_695 = arith.index_cast %add3A_510 : i32 to index
      %get3A_696 = arith.constant 112 : index
      %get3A_697 = tpu.vector_load %get3A_694[%get3A_695, %get3A_696] {strides = array<i32>} : memref<112x128xf32, #tpu.memory_space<vmem>>, vector<16xf32>,
      %get3A_698 = arith.constant 0 : i32
      %get3A_699 = arith.constant 0 : i32
      %get3A_700 = tpu.memref_slice %arg10[%scan3A_410, %get3A_698, %get3A_699] : memref<2x112x128xf32, #tpu.memory_space<vmem>> -> memref<1x112x128xf32, #tpu.memory_space<vmem>>
      %get3A_701 = tpu.memref_squeeze %get3A_700 : memref<1x112x128xf32, #tpu.memory_space<vmem>> -> memref<112x128xf32, #tpu.memory_space<vmem>>
      %get3A_702 = arith.index_cast %add3A_510 : i32 to index
      %get3A_703 = arith.constant 112 : index
      %get3A_704 = tpu.vector_load %get3A_701[%get3A_702, %get3A_703] {strides = array<i32>} : memref<112x128xf32, #tpu.memory_space<vmem>>, vector<16xf32>,
      %mul3A_705 = arith.mulf %get3A_697, %get3A_704 : vector<16xf32>
      %get3A_706 = arith.constant 0 : i32
      %get3A_707 = arith.constant 0 : i32
      %get3A_708 = tpu.memref_slice %arg11[%scan3A_411, %get3A_706, %get3A_707] : memref<2x112x128xf32, #tpu.memory_space<vmem>> -> memref<1x112x128xf32, #tpu.memory_space<vmem>>
      %get3A_709 = tpu.memref_squeeze %get3A_708 : memref<1x112x128xf32, #tpu.memory_space<vmem>> -> memref<112x128xf32, #tpu.memory_space<vmem>>
      %get3A_710 = arith.index_cast %add3A_510 : i32 to index
      %get3A_711 = arith.constant 112 : index
      %get3A_712 = tpu.vector_load %get3A_709[%get3A_710, %get3A_711] {strides = array<i32>} : memref<112x128xf32, #tpu.memory_space<vmem>>, vector<16xf32>,
      %add3A_713 = arith.addf %mul3A_705, %get3A_712 : vector<16xf32>
      %swap3A_714 = arith.index_cast %add3A_510 : i32 to index
      %swap3A_715 = arith.constant 112 : index
      %swap3A_716 = tpu.vector_load %arg12[%swap3A_714, %swap3A_715] {strides = array<i32>} : memref<112x128xf32, #tpu.memory_space<vmem>>, vector<16xf32>,
      tpu.vector_store %arg12[%swap3A_714, %swap3A_715], %add3A_713 {strides = array<i32>} : memref<112x128xf32, #tpu.memory_space<vmem>>, vector<16xf32>,
    }
    %scan3A_416 = arith.constant 112 : i32
    %add3A_417 = arith.constant 6048 : i32
    %add3A_418 = arith.addi %mul3A_2, %add3A_417 : i32
    %dma_start3A_419 = arith.constant 0 : i32
    %dma_start3A_420 = tpu.memref_slice %arg6[%add3A_418, %dma_start3A_419] : memref<200704x128xf32, #tpu.memory_space<hbm>> -> memref<112x128xf32, #tpu.memory_space<hbm>>
    %dma_start3A_421 = arith.constant 0 : i32
    %dma_start3A_422 = tpu.memref_slice %arg6[%add3A_418, %dma_start3A_421] : memref<200704x128xf32, #tpu.memory_space<hbm>> -> memref<112x128xf32, #tpu.memory_space<hbm>>
    tpu.enqueue_dma source(%arg12 : memref<112x128xf32, #tpu.memory_space<vmem>>) target(%dma_start3A_422 : memref<112x128xf32, #tpu.memory_space<hbm>>) target_semaphore(%arg14 : memref<!tpu.dma_semaphore, #tpu.memory_space<semaphore_mem>>)
    %dma_wait3A_423 = arith.constant 1 : i32
    %dma_wait3A_424 = arith.constant 1 : i32
    %dma_wait3A_425 = arith.constant 0 : i32
    %dma_wait3A_426 = arith.constant 0 : i32
    %dma_wait3A_427 = arith.constant 0 : i32
    %dma_wait3A_428 = tpu.memref_slice %arg11[%dma_wait3A_423, %dma_wait3A_426, %dma_wait3A_427] : memref<2x112x128xf32, #tpu.memory_space<vmem>> -> memref<1x112x128xf32, #tpu.memory_space<vmem>>
    %dma_wait3A_429 = tpu.memref_squeeze %dma_wait3A_428 : memref<1x112x128xf32, #tpu.memory_space<vmem>> -> memref<112x128xf32, #tpu.memory_space<vmem>>
    %dma_wait3A_430 = arith.constant 0 : i32
    %dma_wait3A_431 = arith.constant 0 : i32
    %dma_wait3A_432 = tpu.memref_slice %arg2[%dma_wait3A_430, %dma_wait3A_431] : memref<50176x128xf32, #tpu.memory_space<hbm>> -> memref<112x128xf32, #tpu.memory_space<hbm>>
    %dma_wait3A_433 = tpu.memref_slice %arg13[%dma_wait3A_424, %dma_wait3A_425] : memref<2x3x!tpu.dma_semaphore, #tpu.memory_space<semaphore_mem>> -> memref<1x1x!tpu.dma_semaphore, #tpu.memory_space<semaphore_mem>>
    %dma_wait3A_434 = tpu.memref_squeeze %dma_wait3A_433 : memref<1x1x!tpu.dma_semaphore, #tpu.memory_space<semaphore_mem>> -> memref<!tpu.dma_semaphore, #tpu.memory_space<semaphore_mem>>
    %dma_wait3A_435 = arith.constant 0 : i32
    %dma_wait3A_436 = arith.constant 0 : i32
    %dma_wait3A_437 = tpu.memref_slice %arg11[%dma_wait3A_423, %dma_wait3A_435, %dma_wait3A_436] : memref<2x112x128xf32, #tpu.memory_space<vmem>> -> memref<1x112x128xf32, #tpu.memory_space<vmem>>
    %dma_wait3A_438 = tpu.memref_squeeze %dma_wait3A_437 : memref<1x112x128xf32, #tpu.memory_space<vmem>> -> memref<112x128xf32, #tpu.memory_space<vmem>>
    %dma_wait3A_439 = arith.constant 0 : i32
    %dma_wait3A_440 = arith.constant 0 : i32
    %dma_wait3A_441 = tpu.memref_slice %arg2[%dma_wait3A_439, %dma_wait3A_440] : memref<50176x128xf32, #tpu.memory_space<hbm>> -> memref<112x128xf32, #tpu.memory_space<hbm>>
    tpu.wait_dma2 semaphore(%dma_wait3A_434 : memref<!tpu.dma_semaphore, #tpu.memory_space<semaphore_mem>>) src(%dma_wait3A_441 : memref<112x128xf32, #tpu.memory_space<hbm>>) dst(%dma_wait3A_438 : memref<112x128xf32, #tpu.memory_space<vmem>>)
    %dma_wait3A_442 = arith.constant 1 : i32
    %dma_wait3A_443 = arith.constant 1 : i32
    %dma_wait3A_444 = arith.constant 1 : i32
    %dma_wait3A_445 = arith.constant 0 : i32
    %dma_wait3A_446 = arith.constant 0 : i32
    %dma_wait3A_447 = tpu.memref_slice %arg10[%dma_wait3A_442, %dma_wait3A_445, %dma_wait3A_446] : memref<2x112x128xf32, #tpu.memory_space<vmem>> -> memref<1x112x128xf32, #tpu.memory_space<vmem>>
    %dma_wait3A_448 = tpu.memref_squeeze %dma_wait3A_447 : memref<1x112x128xf32, #tpu.memory_space<vmem>> -> memref<112x128xf32, #tpu.memory_space<vmem>>
    %dma_wait3A_449 = arith.constant 0 : i32
    %dma_wait3A_450 = arith.constant 0 : i32
    %dma_wait3A_451 = tpu.memref_slice %arg3[%dma_wait3A_449, %dma_wait3A_450] : memref<50176x128xf32, #tpu.memory_space<hbm>> -> memref<112x128xf32, #tpu.memory_space<hbm>>
    %dma_wait3A_452 = tpu.memref_slice %arg13[%dma_wait3A_443, %dma_wait3A_444] : memref<2x3x!tpu.dma_semaphore, #tpu.memory_space<semaphore_mem>> -> memref<1x1x!tpu.dma_semaphore, #tpu.memory_space<semaphore_mem>>
    %dma_wait3A_453 = tpu.memref_squeeze %dma_wait3A_452 : memref<1x1x!tpu.dma_semaphore, #tpu.memory_space<semaphore_mem>> -> memref<!tpu.dma_semaphore, #tpu.memory_space<semaphore_mem>>
    %dma_wait3A_454 = arith.constant 0 : i32
    %dma_wait3A_455 = arith.constant 0 : i32
    %dma_wait3A_456 = tpu.memref_slice %arg10[%dma_wait3A_442, %dma_wait3A_454, %dma_wait3A_455] : memref<2x112x128xf32, #tpu.memory_space<vmem>> -> memref<1x112x128xf32, #tpu.memory_space<vmem>>
    %dma_wait3A_457 = tpu.memref_squeeze %dma_wait3A_456 : memref<1x112x128xf32, #tpu.memory_space<vmem>> -> memref<112x128xf32, #tpu.memory_space<vmem>>
    %dma_wait3A_458 = arith.constant 0 : i32
    %dma_wait3A_459 = arith.constant 0 : i32
    %dma_wait3A_460 = tpu.memref_slice %arg3[%dma_wait3A_458, %dma_wait3A_459] : memref<50176x128xf32, #tpu.memory_space<hbm>> -> memref<112x128xf32, #tpu.memory_space<hbm>>
    tpu.wait_dma2 semaphore(%dma_wait3A_453 : memref<!tpu.dma_semaphore, #tpu.memory_space<semaphore_mem>>) src(%dma_wait3A_460 : memref<112x128xf32, #tpu.memory_space<hbm>>) dst(%dma_wait3A_457 : memref<112x128xf32, #tpu.memory_space<vmem>>)
    %dma_wait3A_461 = arith.constant 1 : i32
    %dma_wait3A_462 = arith.constant 1 : i32
    %dma_wait3A_463 = arith.constant 2 : i32
    %dma_wait3A_464 = arith.constant 0 : i32
    %dma_wait3A_465 = arith.constant 0 : i32
    %dma_wait3A_466 = tpu.memref_slice %arg9[%dma_wait3A_461, %dma_wait3A_464, %dma_wait3A_465] : memref<2x112x128xf32, #tpu.memory_space<vmem>> -> memref<1x112x128xf32, #tpu.memory_space<vmem>>
    %dma_wait3A_467 = tpu.memref_squeeze %dma_wait3A_466 : memref<1x112x128xf32, #tpu.memory_space<vmem>> -> memref<112x128xf32, #tpu.memory_space<vmem>>
    %dma_wait3A_468 = arith.constant 0 : i32
    %dma_wait3A_469 = arith.constant 0 : i32
    %dma_wait3A_470 = tpu.memref_slice %arg4[%dma_wait3A_468, %dma_wait3A_469] : memref<200704x128xf32, #tpu.memory_space<hbm>> -> memref<112x128xf32, #tpu.memory_space<hbm>>
    %dma_wait3A_471 = tpu.memref_slice %arg13[%dma_wait3A_462, %dma_wait3A_463] : memref<2x3x!tpu.dma_semaphore, #tpu.memory_space<semaphore_mem>> -> memref<1x1x!tpu.dma_semaphore, #tpu.memory_space<semaphore_mem>>
    %dma_wait3A_472 = tpu.memref_squeeze %dma_wait3A_471 : memref<1x1x!tpu.dma_semaphore, #tpu.memory_space<semaphore_mem>> -> memref<!tpu.dma_semaphore, #tpu.memory_space<semaphore_mem>>
    %dma_wait3A_473 = arith.constant 0 : i32
    %dma_wait3A_474 = arith.constant 0 : i32
    %dma_wait3A_475 = tpu.memref_slice %arg9[%dma_wait3A_461, %dma_wait3A_473, %dma_wait3A_474] : memref<2x112x128xf32, #tpu.memory_space<vmem>> -> memref<1x112x128xf32, #tpu.memory_space<vmem>>
    %dma_wait3A_476 = tpu.memref_squeeze %dma_wait3A_475 : memref<1x112x128xf32, #tpu.memory_space<vmem>> -> memref<112x128xf32, #tpu.memory_space<vmem>>
    %dma_wait3A_477 = arith.constant 0 : i32
    %dma_wait3A_478 = arith.constant 0 : i32
    %dma_wait3A_479 = tpu.memref_slice %arg4[%dma_wait3A_477, %dma_wait3A_478] : memref<200704x128xf32, #tpu.memory_space<hbm>> -> memref<112x128xf32, #tpu.memory_space<hbm>>
    tpu.wait_dma2 semaphore(%dma_wait3A_472 : memref<!tpu.dma_semaphore, #tpu.memory_space<semaphore_mem>>) src(%dma_wait3A_479 : memref<112x128xf32, #tpu.memory_space<hbm>>) dst(%dma_wait3A_476 : memref<112x128xf32, #tpu.memory_space<vmem>>)
    %dma_wait3A_480 = arith.constant 0 : i32
    %dma_wait3A_481 = arith.constant 0 : i32
    %dma_wait3A_482 = tpu.memref_slice %arg6[%dma_wait3A_480, %dma_wait3A_481] : memref<200704x128xf32, #tpu.memory_space<hbm>> -> memref<112x128xf32, #tpu.memory_space<hbm>>
    %dma_wait3A_483 = arith.constant 0 : i32
    %dma_wait3A_484 = arith.constant 0 : i32
    %dma_wait3A_485 = tpu.memref_slice %arg6[%dma_wait3A_483, %dma_wait3A_484] : memref<200704x128xf32, #tpu.memory_space<hbm>> -> memref<112x128xf32, #tpu.memory_space<hbm>>
    tpu.wait_dma2 semaphore(%arg14 : memref<!tpu.dma_semaphore, #tpu.memory_space<semaphore_mem>>) src(%arg12 : memref<112x128xf32, #tpu.memory_space<vmem>>) dst(%dma_wait3A_485 : memref<112x128xf32, #tpu.memory_space<hbm>>)
    %scan3A_486 = arith.constant 1 : i32
    %scan3A_487 = arith.constant 1 : i32
    %scan3A_488 = arith.constant 1 : i32
    %scan3A_489 = arith.constant 0 : i32
    %scan3A_490 = arith.constant 112 : i32
    %scan3A_491 = arith.addi %scan3A_489, %scan3A_490 : i32
    %scan3A_492 = arith.constant 1 : i32
    scf.for %scan3A_506 = %scan3A_489 to %scan3A_491 step %scan3A_492  : i32 {
      %mul3A_507 = arith.constant 1 : i32
      %mul3A_508 = arith.muli %scan3A_506, %mul3A_507 : i32
      %add3A_509 = arith.constant 0 : i32
      %add3A_510 = arith.addi %add3A_509, %mul3A_508 : i32
      %get3A = arith.constant 0 : i32
      %get3A_511 = arith.constant 0 : i32
      %get3A_512 = tpu.memref_slice %arg9[%scan3A_486, %get3A, %get3A_511] : memref<2x112x128xf32, #tpu.memory_space<vmem>> -> memref<1x112x128xf32, #tpu.memory_space<vmem>>
      %get3A_513 = tpu.memref_squeeze %get3A_512 : memref<1x112x128xf32, #tpu.memory_space<vmem>> -> memref<112x128xf32, #tpu.memory_space<vmem>>
      %get3A_514 = arith.index_cast %add3A_510 : i32 to index
      %get3A_515 = arith.constant 0 : index
      %get3A_516 = tpu.vector_load %get3A_513[%get3A_514, %get3A_515] {strides = array<i32>} : memref<112x128xf32, #tpu.memory_space<vmem>>, vector<16xf32>,
      %get3A_517 = arith.constant 0 : i32
      %get3A_518 = arith.constant 0 : i32
      %get3A_519 = tpu.memref_slice %arg10[%scan3A_487, %get3A_517, %get3A_518] : memref<2x112x128xf32, #tpu.memory_space<vmem>> -> memref<1x112x128xf32, #tpu.memory_space<vmem>>
      %get3A_520 = tpu.memref_squeeze %get3A_519 : memref<1x112x128xf32, #tpu.memory_space<vmem>> -> memref<112x128xf32, #tpu.memory_space<vmem>>
      %get3A_521 = arith.index_cast %add3A_510 : i32 to index
      %get3A_522 = arith.constant 0 : index
      %get3A_523 = tpu.vector_load %get3A_520[%get3A_521, %get3A_522] {strides = array<i32>} : memref<112x128xf32, #tpu.memory_space<vmem>>, vector<16xf32>,
      %mul3A_524 = arith.mulf %get3A_516, %get3A_523 : vector<16xf32>
      %get3A_525 = arith.constant 0 : i32
      %get3A_526 = arith.constant 0 : i32
      %get3A_527 = tpu.memref_slice %arg11[%scan3A_488, %get3A_525, %get3A_526] : memref<2x112x128xf32, #tpu.memory_space<vmem>> -> memref<1x112x128xf32, #tpu.memory_space<vmem>>
      %get3A_528 = tpu.memref_squeeze %get3A_527 : memref<1x112x128xf32, #tpu.memory_space<vmem>> -> memref<112x128xf32, #tpu.memory_space<vmem>>
      %get3A_529 = arith.index_cast %add3A_510 : i32 to index
      %get3A_530 = arith.constant 0 : index
      %get3A_531 = tpu.vector_load %get3A_528[%get3A_529, %get3A_530] {strides = array<i32>} : memref<112x128xf32, #tpu.memory_space<vmem>>, vector<16xf32>,
      %add3A_532 = arith.addf %mul3A_524, %get3A_531 : vector<16xf32>
      %swap3A = arith.index_cast %add3A_510 : i32 to index
      %swap3A_533 = arith.constant 0 : index
      %swap3A_534 = tpu.vector_load %arg12[%swap3A, %swap3A_533] {strides = array<i32>} : memref<112x128xf32, #tpu.memory_space<vmem>>, vector<16xf32>,
      tpu.vector_store %arg12[%swap3A, %swap3A_533], %add3A_532 {strides = array<i32>} : memref<112x128xf32, #tpu.memory_space<vmem>>, vector<16xf32>,
      %get3A_535 = arith.constant 0 : i32
      %get3A_536 = arith.constant 0 : i32
      %get3A_537 = tpu.memref_slice %arg9[%scan3A_486, %get3A_535, %get3A_536] : memref<2x112x128xf32, #tpu.memory_space<vmem>> -> memref<1x112x128xf32, #tpu.memory_space<vmem>>
      %get3A_538 = tpu.memref_squeeze %get3A_537 : memref<1x112x128xf32, #tpu.memory_space<vmem>> -> memref<112x128xf32, #tpu.memory_space<vmem>>
      %get3A_539 = arith.index_cast %add3A_510 : i32 to index
      %get3A_540 = arith.constant 16 : index
      %get3A_541 = tpu.vector_load %get3A_538[%get3A_539, %get3A_540] {strides = array<i32>} : memref<112x128xf32, #tpu.memory_space<vmem>>, vector<16xf32>,
      %get3A_542 = arith.constant 0 : i32
      %get3A_543 = arith.constant 0 : i32
      %get3A_544 = tpu.memref_slice %arg10[%scan3A_487, %get3A_542, %get3A_543] : memref<2x112x128xf32, #tpu.memory_space<vmem>> -> memref<1x112x128xf32, #tpu.memory_space<vmem>>
      %get3A_545 = tpu.memref_squeeze %get3A_544 : memref<1x112x128xf32, #tpu.memory_space<vmem>> -> memref<112x128xf32, #tpu.memory_space<vmem>>
      %get3A_546 = arith.index_cast %add3A_510 : i32 to index
      %get3A_547 = arith.constant 16 : index
      %get3A_548 = tpu.vector_load %get3A_545[%get3A_546, %get3A_547] {strides = array<i32>} : memref<112x128xf32, #tpu.memory_space<vmem>>, vector<16xf32>,
      %mul3A_549 = arith.mulf %get3A_541, %get3A_548 : vector<16xf32>
      %get3A_550 = arith.constant 0 : i32
      %get3A_551 = arith.constant 0 : i32
      %get3A_552 = tpu.memref_slice %arg11[%scan3A_488, %get3A_550, %get3A_551] : memref<2x112x128xf32, #tpu.memory_space<vmem>> -> memref<1x112x128xf32, #tpu.memory_space<vmem>>
      %get3A_553 = tpu.memref_squeeze %get3A_552 : memref<1x112x128xf32, #tpu.memory_space<vmem>> -> memref<112x128xf32, #tpu.memory_space<vmem>>
      %get3A_554 = arith.index_cast %add3A_510 : i32 to index
      %get3A_555 = arith.constant 16 : index
      %get3A_556 = tpu.vector_load %get3A_553[%get3A_554, %get3A_555] {strides = array<i32>} : memref<112x128xf32, #tpu.memory_space<vmem>>, vector<16xf32>,
      %add3A_557 = arith.addf %mul3A_549, %get3A_556 : vector<16xf32>
      %swap3A_558 = arith.index_cast %add3A_510 : i32 to index
      %swap3A_559 = arith.constant 16 : index
      %swap3A_560 = tpu.vector_load %arg12[%swap3A_558, %swap3A_559] {strides = array<i32>} : memref<112x128xf32, #tpu.memory_space<vmem>>, vector<16xf32>,
      tpu.vector_store %arg12[%swap3A_558, %swap3A_559], %add3A_557 {strides = array<i32>} : memref<112x128xf32, #tpu.memory_space<vmem>>, vector<16xf32>,
      %get3A_561 = arith.constant 0 : i32
      %get3A_562 = arith.constant 0 : i32
      %get3A_563 = tpu.memref_slice %arg9[%scan3A_486, %get3A_561, %get3A_562] : memref<2x112x128xf32, #tpu.memory_space<vmem>> -> memref<1x112x128xf32, #tpu.memory_space<vmem>>
      %get3A_564 = tpu.memref_squeeze %get3A_563 : memref<1x112x128xf32, #tpu.memory_space<vmem>> -> memref<112x128xf32, #tpu.memory_space<vmem>>
      %get3A_565 = arith.index_cast %add3A_510 : i32 to index
      %get3A_566 = arith.constant 32 : index
      %get3A_567 = tpu.vector_load %get3A_564[%get3A_565, %get3A_566] {strides = array<i32>} : memref<112x128xf32, #tpu.memory_space<vmem>>, vector<16xf32>,
      %get3A_568 = arith.constant 0 : i32
      %get3A_569 = arith.constant 0 : i32
      %get3A_570 = tpu.memref_slice %arg10[%scan3A_487, %get3A_568, %get3A_569] : memref<2x112x128xf32, #tpu.memory_space<vmem>> -> memref<1x112x128xf32, #tpu.memory_space<vmem>>
      %get3A_571 = tpu.memref_squeeze %get3A_570 : memref<1x112x128xf32, #tpu.memory_space<vmem>> -> memref<112x128xf32, #tpu.memory_space<vmem>>
      %get3A_572 = arith.index_cast %add3A_510 : i32 to index
      %get3A_573 = arith.constant 32 : index
      %get3A_574 = tpu.vector_load %get3A_571[%get3A_572, %get3A_573] {strides = array<i32>} : memref<112x128xf32, #tpu.memory_space<vmem>>, vector<16xf32>,
      %mul3A_575 = arith.mulf %get3A_567, %get3A_574 : vector<16xf32>
      %get3A_576 = arith.constant 0 : i32
      %get3A_577 = arith.constant 0 : i32
      %get3A_578 = tpu.memref_slice %arg11[%scan3A_488, %get3A_576, %get3A_577] : memref<2x112x128xf32, #tpu.memory_space<vmem>> -> memref<1x112x128xf32, #tpu.memory_space<vmem>>
      %get3A_579 = tpu.memref_squeeze %get3A_578 : memref<1x112x128xf32, #tpu.memory_space<vmem>> -> memref<112x128xf32, #tpu.memory_space<vmem>>
      %get3A_580 = arith.index_cast %add3A_510 : i32 to index
      %get3A_581 = arith.constant 32 : index
      %get3A_582 = tpu.vector_load %get3A_579[%get3A_580, %get3A_581] {strides = array<i32>} : memref<112x128xf32, #tpu.memory_space<vmem>>, vector<16xf32>,
      %add3A_583 = arith.addf %mul3A_575, %get3A_582 : vector<16xf32>
      %swap3A_584 = arith.index_cast %add3A_510 : i32 to index
      %swap3A_585 = arith.constant 32 : index
      %swap3A_586 = tpu.vector_load %arg12[%swap3A_584, %swap3A_585] {strides = array<i32>} : memref<112x128xf32, #tpu.memory_space<vmem>>, vector<16xf32>,
      tpu.vector_store %arg12[%swap3A_584, %swap3A_585], %add3A_583 {strides = array<i32>} : memref<112x128xf32, #tpu.memory_space<vmem>>, vector<16xf32>,
      %get3A_587 = arith.constant 0 : i32
      %get3A_588 = arith.constant 0 : i32
      %get3A_589 = tpu.memref_slice %arg9[%scan3A_486, %get3A_587, %get3A_588] : memref<2x112x128xf32, #tpu.memory_space<vmem>> -> memref<1x112x128xf32, #tpu.memory_space<vmem>>
      %get3A_590 = tpu.memref_squeeze %get3A_589 : memref<1x112x128xf32, #tpu.memory_space<vmem>> -> memref<112x128xf32, #tpu.memory_space<vmem>>
      %get3A_591 = arith.index_cast %add3A_510 : i32 to index
      %get3A_592 = arith.constant 48 : index
      %get3A_593 = tpu.vector_load %get3A_590[%get3A_591, %get3A_592] {strides = array<i32>} : memref<112x128xf32, #tpu.memory_space<vmem>>, vector<16xf32>,
      %get3A_594 = arith.constant 0 : i32
      %get3A_595 = arith.constant 0 : i32
      %get3A_596 = tpu.memref_slice %arg10[%scan3A_487, %get3A_594, %get3A_595] : memref<2x112x128xf32, #tpu.memory_space<vmem>> -> memref<1x112x128xf32, #tpu.memory_space<vmem>>
      %get3A_597 = tpu.memref_squeeze %get3A_596 : memref<1x112x128xf32, #tpu.memory_space<vmem>> -> memref<112x128xf32, #tpu.memory_space<vmem>>
      %get3A_598 = arith.index_cast %add3A_510 : i32 to index
      %get3A_599 = arith.constant 48 : index
      %get3A_600 = tpu.vector_load %get3A_597[%get3A_598, %get3A_599] {strides = array<i32>} : memref<112x128xf32, #tpu.memory_space<vmem>>, vector<16xf32>,
      %mul3A_601 = arith.mulf %get3A_593, %get3A_600 : vector<16xf32>
      %get3A_602 = arith.constant 0 : i32
      %get3A_603 = arith.constant 0 : i32
      %get3A_604 = tpu.memref_slice %arg11[%scan3A_488, %get3A_602, %get3A_603] : memref<2x112x128xf32, #tpu.memory_space<vmem>> -> memref<1x112x128xf32, #tpu.memory_space<vmem>>
      %get3A_605 = tpu.memref_squeeze %get3A_604 : memref<1x112x128xf32, #tpu.memory_space<vmem>> -> memref<112x128xf32, #tpu.memory_space<vmem>>
      %get3A_606 = arith.index_cast %add3A_510 : i32 to index
      %get3A_607 = arith.constant 48 : index
      %get3A_608 = tpu.vector_load %get3A_605[%get3A_606, %get3A_607] {strides = array<i32>} : memref<112x128xf32, #tpu.memory_space<vmem>>, vector<16xf32>,
      %add3A_609 = arith.addf %mul3A_601, %get3A_608 : vector<16xf32>
      %swap3A_610 = arith.index_cast %add3A_510 : i32 to index
      %swap3A_611 = arith.constant 48 : index
      %swap3A_612 = tpu.vector_load %arg12[%swap3A_610, %swap3A_611] {strides = array<i32>} : memref<112x128xf32, #tpu.memory_space<vmem>>, vector<16xf32>,
      tpu.vector_store %arg12[%swap3A_610, %swap3A_611], %add3A_609 {strides = array<i32>} : memref<112x128xf32, #tpu.memory_space<vmem>>, vector<16xf32>,
      %get3A_613 = arith.constant 0 : i32
      %get3A_614 = arith.constant 0 : i32
      %get3A_615 = tpu.memref_slice %arg9[%scan3A_486, %get3A_613, %get3A_614] : memref<2x112x128xf32, #tpu.memory_space<vmem>> -> memref<1x112x128xf32, #tpu.memory_space<vmem>>
      %get3A_616 = tpu.memref_squeeze %get3A_615 : memref<1x112x128xf32, #tpu.memory_space<vmem>> -> memref<112x128xf32, #tpu.memory_space<vmem>>
      %get3A_617 = arith.index_cast %add3A_510 : i32 to index
      %get3A_618 = arith.constant 64 : index
      %get3A_619 = tpu.vector_load %get3A_616[%get3A_617, %get3A_618] {strides = array<i32>} : memref<112x128xf32, #tpu.memory_space<vmem>>, vector<16xf32>,
      %get3A_620 = arith.constant 0 : i32
      %get3A_621 = arith.constant 0 : i32
      %get3A_622 = tpu.memref_slice %arg10[%scan3A_487, %get3A_620, %get3A_621] : memref<2x112x128xf32, #tpu.memory_space<vmem>> -> memref<1x112x128xf32, #tpu.memory_space<vmem>>
      %get3A_623 = tpu.memref_squeeze %get3A_622 : memref<1x112x128xf32, #tpu.memory_space<vmem>> -> memref<112x128xf32, #tpu.memory_space<vmem>>
      %get3A_624 = arith.index_cast %add3A_510 : i32 to index
      %get3A_625 = arith.constant 64 : index
      %get3A_626 = tpu.vector_load %get3A_623[%get3A_624, %get3A_625] {strides = array<i32>} : memref<112x128xf32, #tpu.memory_space<vmem>>, vector<16xf32>,
      %mul3A_627 = arith.mulf %get3A_619, %get3A_626 : vector<16xf32>
      %get3A_628 = arith.constant 0 : i32
      %get3A_629 = arith.constant 0 : i32
      %get3A_630 = tpu.memref_slice %arg11[%scan3A_488, %get3A_628, %get3A_629] : memref<2x112x128xf32, #tpu.memory_space<vmem>> -> memref<1x112x128xf32, #tpu.memory_space<vmem>>
      %get3A_631 = tpu.memref_squeeze %get3A_630 : memref<1x112x128xf32, #tpu.memory_space<vmem>> -> memref<112x128xf32, #tpu.memory_space<vmem>>
      %get3A_632 = arith.index_cast %add3A_510 : i32 to index
      %get3A_633 = arith.constant 64 : index
      %get3A_634 = tpu.vector_load %get3A_631[%get3A_632, %get3A_633] {strides = array<i32>} : memref<112x128xf32, #tpu.memory_space<vmem>>, vector<16xf32>,
      %add3A_635 = arith.addf %mul3A_627, %get3A_634 : vector<16xf32>
      %swap3A_636 = arith.index_cast %add3A_510 : i32 to index
      %swap3A_637 = arith.constant 64 : index
      %swap3A_638 = tpu.vector_load %arg12[%swap3A_636, %swap3A_637] {strides = array<i32>} : memref<112x128xf32, #tpu.memory_space<vmem>>, vector<16xf32>,
      tpu.vector_store %arg12[%swap3A_636, %swap3A_637], %add3A_635 {strides = array<i32>} : memref<112x128xf32, #tpu.memory_space<vmem>>, vector<16xf32>,
      %get3A_639 = arith.constant 0 : i32
      %get3A_640 = arith.constant 0 : i32
      %get3A_641 = tpu.memref_slice %arg9[%scan3A_486, %get3A_639, %get3A_640] : memref<2x112x128xf32, #tpu.memory_space<vmem>> -> memref<1x112x128xf32, #tpu.memory_space<vmem>>
      %get3A_642 = tpu.memref_squeeze %get3A_641 : memref<1x112x128xf32, #tpu.memory_space<vmem>> -> memref<112x128xf32, #tpu.memory_space<vmem>>
      %get3A_643 = arith.index_cast %add3A_510 : i32 to index
      %get3A_644 = arith.constant 80 : index
      %get3A_645 = tpu.vector_load %get3A_642[%get3A_643, %get3A_644] {strides = array<i32>} : memref<112x128xf32, #tpu.memory_space<vmem>>, vector<16xf32>,
      %get3A_646 = arith.constant 0 : i32
      %get3A_647 = arith.constant 0 : i32
      %get3A_648 = tpu.memref_slice %arg10[%scan3A_487, %get3A_646, %get3A_647] : memref<2x112x128xf32, #tpu.memory_space<vmem>> -> memref<1x112x128xf32, #tpu.memory_space<vmem>>
      %get3A_649 = tpu.memref_squeeze %get3A_648 : memref<1x112x128xf32, #tpu.memory_space<vmem>> -> memref<112x128xf32, #tpu.memory_space<vmem>>
      %get3A_650 = arith.index_cast %add3A_510 : i32 to index
      %get3A_651 = arith.constant 80 : index
      %get3A_652 = tpu.vector_load %get3A_649[%get3A_650, %get3A_651] {strides = array<i32>} : memref<112x128xf32, #tpu.memory_space<vmem>>, vector<16xf32>,
      %mul3A_653 = arith.mulf %get3A_645, %get3A_652 : vector<16xf32>
      %get3A_654 = arith.constant 0 : i32
      %get3A_655 = arith.constant 0 : i32
      %get3A_656 = tpu.memref_slice %arg11[%scan3A_488, %get3A_654, %get3A_655] : memref<2x112x128xf32, #tpu.memory_space<vmem>> -> memref<1x112x128xf32, #tpu.memory_space<vmem>>
      %get3A_657 = tpu.memref_squeeze %get3A_656 : memref<1x112x128xf32, #tpu.memory_space<vmem>> -> memref<112x128xf32, #tpu.memory_space<vmem>>
      %get3A_658 = arith.index_cast %add3A_510 : i32 to index
      %get3A_659 = arith.constant 80 : index
      %get3A_660 = tpu.vector_load %get3A_657[%get3A_658, %get3A_659] {strides = array<i32>} : memref<112x128xf32, #tpu.memory_space<vmem>>, vector<16xf32>,
      %add3A_661 = arith.addf %mul3A_653, %get3A_660 : vector<16xf32>
      %swap3A_662 = arith.index_cast %add3A_510 : i32 to index
      %swap3A_663 = arith.constant 80 : index
      %swap3A_664 = tpu.vector_load %arg12[%swap3A_662, %swap3A_663] {strides = array<i32>} : memref<112x128xf32, #tpu.memory_space<vmem>>, vector<16xf32>,
      tpu.vector_store %arg12[%swap3A_662, %swap3A_663], %add3A_661 {strides = array<i32>} : memref<112x128xf32, #tpu.memory_space<vmem>>, vector<16xf32>,
      %get3A_665 = arith.constant 0 : i32
      %get3A_666 = arith.constant 0 : i32
      %get3A_667 = tpu.memref_slice %arg9[%scan3A_486, %get3A_665, %get3A_666] : memref<2x112x128xf32, #tpu.memory_space<vmem>> -> memref<1x112x128xf32, #tpu.memory_space<vmem>>
      %get3A_668 = tpu.memref_squeeze %get3A_667 : memref<1x112x128xf32, #tpu.memory_space<vmem>> -> memref<112x128xf32, #tpu.memory_space<vmem>>
      %get3A_669 = arith.index_cast %add3A_510 : i32 to index
      %get3A_670 = arith.constant 96 : index
      %get3A_671 = tpu.vector_load %get3A_668[%get3A_669, %get3A_670] {strides = array<i32>} : memref<112x128xf32, #tpu.memory_space<vmem>>, vector<16xf32>,
      %get3A_672 = arith.constant 0 : i32
      %get3A_673 = arith.constant 0 : i32
      %get3A_674 = tpu.memref_slice %arg10[%scan3A_487, %get3A_672, %get3A_673] : memref<2x112x128xf32, #tpu.memory_space<vmem>> -> memref<1x112x128xf32, #tpu.memory_space<vmem>>
      %get3A_675 = tpu.memref_squeeze %get3A_674 : memref<1x112x128xf32, #tpu.memory_space<vmem>> -> memref<112x128xf32, #tpu.memory_space<vmem>>
      %get3A_676 = arith.index_cast %add3A_510 : i32 to index
      %get3A_677 = arith.constant 96 : index
      %get3A_678 = tpu.vector_load %get3A_675[%get3A_676, %get3A_677] {strides = array<i32>} : memref<112x128xf32, #tpu.memory_space<vmem>>, vector<16xf32>,
      %mul3A_679 = arith.mulf %get3A_671, %get3A_678 : vector<16xf32>
      %get3A_680 = arith.constant 0 : i32
      %get3A_681 = arith.constant 0 : i32
      %get3A_682 = tpu.memref_slice %arg11[%scan3A_488, %get3A_680, %get3A_681] : memref<2x112x128xf32, #tpu.memory_space<vmem>> -> memref<1x112x128xf32, #tpu.memory_space<vmem>>
      %get3A_683 = tpu.memref_squeeze %get3A_682 : memref<1x112x128xf32, #tpu.memory_space<vmem>> -> memref<112x128xf32, #tpu.memory_space<vmem>>
      %get3A_684 = arith.index_cast %add3A_510 : i32 to index
      %get3A_685 = arith.constant 96 : index
      %get3A_686 = tpu.vector_load %get3A_683[%get3A_684, %get3A_685] {strides = array<i32>} : memref<112x128xf32, #tpu.memory_space<vmem>>, vector<16xf32>,
      %add3A_687 = arith.addf %mul3A_679, %get3A_686 : vector<16xf32>
      %swap3A_688 = arith.index_cast %add3A_510 : i32 to index
      %swap3A_689 = arith.constant 96 : index
      %swap3A_690 = tpu.vector_load %arg12[%swap3A_688, %swap3A_689] {strides = array<i32>} : memref<112x128xf32, #tpu.memory_space<vmem>>, vector<16xf32>,
      tpu.vector_store %arg12[%swap3A_688, %swap3A_689], %add3A_687 {strides = array<i32>} : memref<112x128xf32, #tpu.memory_space<vmem>>, vector<16xf32>,
      %get3A_691 = arith.constant 0 : i32
      %get3A_692 = arith.constant 0 : i32
      %get3A_693 = tpu.memref_slice %arg9[%scan3A_486, %get3A_691, %get3A_692] : memref<2x112x128xf32, #tpu.memory_space<vmem>> -> memref<1x112x128xf32, #tpu.memory_space<vmem>>
      %get3A_694 = tpu.memref_squeeze %get3A_693 : memref<1x112x128xf32, #tpu.memory_space<vmem>> -> memref<112x128xf32, #tpu.memory_space<vmem>>
      %get3A_695 = arith.index_cast %add3A_510 : i32 to index
      %get3A_696 = arith.constant 112 : index
      %get3A_697 = tpu.vector_load %get3A_694[%get3A_695, %get3A_696] {strides = array<i32>} : memref<112x128xf32, #tpu.memory_space<vmem>>, vector<16xf32>,
      %get3A_698 = arith.constant 0 : i32
      %get3A_699 = arith.constant 0 : i32
      %get3A_700 = tpu.memref_slice %arg10[%scan3A_487, %get3A_698, %get3A_699] : memref<2x112x128xf32, #tpu.memory_space<vmem>> -> memref<1x112x128xf32, #tpu.memory_space<vmem>>
      %get3A_701 = tpu.memref_squeeze %get3A_700 : memref<1x112x128xf32, #tpu.memory_space<vmem>> -> memref<112x128xf32, #tpu.memory_space<vmem>>
      %get3A_702 = arith.index_cast %add3A_510 : i32 to index
      %get3A_703 = arith.constant 112 : index
      %get3A_704 = tpu.vector_load %get3A_701[%get3A_702, %get3A_703] {strides = array<i32>} : memref<112x128xf32, #tpu.memory_space<vmem>>, vector<16xf32>,
      %mul3A_705 = arith.mulf %get3A_697, %get3A_704 : vector<16xf32>
      %get3A_706 = arith.constant 0 : i32
      %get3A_707 = arith.constant 0 : i32
      %get3A_708 = tpu.memref_slice %arg11[%scan3A_488, %get3A_706, %get3A_707] : memref<2x112x128xf32, #tpu.memory_space<vmem>> -> memref<1x112x128xf32, #tpu.memory_space<vmem>>
      %get3A_709 = tpu.memref_squeeze %get3A_708 : memref<1x112x128xf32, #tpu.memory_space<vmem>> -> memref<112x128xf32, #tpu.memory_space<vmem>>
      %get3A_710 = arith.index_cast %add3A_510 : i32 to index
      %get3A_711 = arith.constant 112 : index
      %get3A_712 = tpu.vector_load %get3A_709[%get3A_710, %get3A_711] {strides = array<i32>} : memref<112x128xf32, #tpu.memory_space<vmem>>, vector<16xf32>,
      %add3A_713 = arith.addf %mul3A_705, %get3A_712 : vector<16xf32>
      %swap3A_714 = arith.index_cast %add3A_510 : i32 to index
      %swap3A_715 = arith.constant 112 : index
      %swap3A_716 = tpu.vector_load %arg12[%swap3A_714, %swap3A_715] {strides = array<i32>} : memref<112x128xf32, #tpu.memory_space<vmem>>, vector<16xf32>,
      tpu.vector_store %arg12[%swap3A_714, %swap3A_715], %add3A_713 {strides = array<i32>} : memref<112x128xf32, #tpu.memory_space<vmem>>, vector<16xf32>,
    }
    %scan3A_493 = arith.constant 112 : i32
    %add3A_494 = arith.constant 6160 : i32
    %add3A_495 = arith.addi %mul3A_2, %add3A_494 : i32
    %dma_start3A_496 = arith.constant 0 : i32
    %dma_start3A_497 = tpu.memref_slice %arg6[%add3A_495, %dma_start3A_496] : memref<200704x128xf32, #tpu.memory_space<hbm>> -> memref<112x128xf32, #tpu.memory_space<hbm>>
    %dma_start3A_498 = arith.constant 0 : i32
    %dma_start3A_499 = tpu.memref_slice %arg6[%add3A_495, %dma_start3A_498] : memref<200704x128xf32, #tpu.memory_space<hbm>> -> memref<112x128xf32, #tpu.memory_space<hbm>>
    tpu.enqueue_dma source(%arg12 : memref<112x128xf32, #tpu.memory_space<vmem>>) target(%dma_start3A_499 : memref<112x128xf32, #tpu.memory_space<hbm>>) target_semaphore(%arg14 : memref<!tpu.dma_semaphore, #tpu.memory_space<semaphore_mem>>)
    %dma_wait3A_500 = arith.constant 0 : i32
    %dma_wait3A_501 = arith.constant 0 : i32
    %dma_wait3A_502 = tpu.memref_slice %arg6[%dma_wait3A_500, %dma_wait3A_501] : memref<200704x128xf32, #tpu.memory_space<hbm>> -> memref<112x128xf32, #tpu.memory_space<hbm>>
    %dma_wait3A_503 = arith.constant 0 : i32
    %dma_wait3A_504 = arith.constant 0 : i32
    %dma_wait3A_505 = tpu.memref_slice %arg6[%dma_wait3A_503, %dma_wait3A_504] : memref<200704x128xf32, #tpu.memory_space<hbm>> -> memref<112x128xf32, #tpu.memory_space<hbm>>
    tpu.wait_dma2 semaphore(%arg14 : memref<!tpu.dma_semaphore, #tpu.memory_space<semaphore_mem>>) src(%arg12 : memref<112x128xf32, #tpu.memory_space<vmem>>) dst(%dma_wait3A_505 : memref<112x128xf32, #tpu.memory_space<hbm>>)
    return
  }
}

</mosaic_0001>

<sc_bundles>
// kernel: kernel.3.cloned.1.call-start
scs
__scs_entry_jumppad:
0x0: {  	(pc) =	sbr.rel $0x88, $3  }
0x1: {  	(tag) =	ssettag $0x0;
	lr =	simm.s32 $0x1  }
0x2: {  	[smem:$0x3F9D] =	sst lr;
	_ =	strace $0xD0000000  }
0x3: {  	_ = 	snop  }
0x4: {  	_ = 	snop  }
0x5: {  	_ = 	snop  }
0x6: {  	_ = 	snop  }
0x7: {  	_ = 	snop  }
__scs_overlays_trampoline_lowered:
0x8: {  	[smem:$0x3FAC] =	sst s0  }
0x9: {  	[smem:$0x3FAD] =	sst s1  }
0xa: {  	[smem:$0x3FAE] =	sst s2  }
0xb: {  	[smem:$0x3FAF] =	sst s3  }
0xc: {  	[smem:$0x3FB0] =	sst s4  }
0xd: {  	[smem:$0x3FB1] =	sst s5  }
0xe: {  	[smem:$0x3FB2] =	sst s6  }
0xf: {  	[smem:$0x3FB3] =	sst s7  }
0x10: {  	[smem:$0x3FB4] =	sst s8  }
0x11: {  	[smem:$0x3FB5] =	sst s9;
	s0 =	simm.s32 @!p0 $0x0  }
0x12: {  	s1 =	sld [smem:$0x3F9B];
	s0 =	simm.s32 @p0 $0x1  }
0x13: {  	[smem:$0x3FB6] =	sst s0;
	s0 =	simm.s32 @!p1 $0x0  }
0x14: {  	s2 =	sld [smem:$0x3F9A];
	s0 =	simm.s32 @p1 $0x1  }
0x15: {  	[smem:$0x3FB7] =	sst s0;
	s0 =	simm.s32 @!p2 $0x0  }
0x16: {  	s3 =	sld [smem:$0x3FDB];
	s0 =	simm.s32 @p2 $0x1  }
0x17: {  	s4 =	simm.s32 $0x1BF5;
	[smem:$0x3FB9] =	sst s0  }
0x18: {  	s0 =	sld [smem:$0x3F9C];
	_ =	swait.ge [sflag:s4], $0x0  }
0x19: {  	s7 =	sld [smem:$0x3F9D]  }
0x1a: {  	s8 =	sadd.s32 $0xFFFFE003, lr  }
0x1b: {  	s9 =	sadd.s32 $0xFFFFFEF7, lr;
	s5 =	simm.s32 $0xFFFFFFFF;
	p2 =	slt.u32 s8, $0xFFFFF086  }
0x1c: {  	p1 =	slt.u32 s9, $0xF7A;
	s5 =	simm.s32 @!p2 $0x0  }
0x1d: {  	s5 =	simm.s32 @p1 $0x1;
	p0 =	seq.s32 s7, s2  }
0x1e: {  	s7 =	smul.u32 @!p0 $0xF7A, s2;
	p2 =	seq.s32 @!p0 s5, $0x0  }
0x1f: {  	s9 =	smul.u32 $0xF7A, s1;
	s8 =	simm.s32 @!p0 $0x1BF5;
	p2 =	por !p2, p0  }
0x20: {  	[sflag:s8] =	ssyncset.s32 @!p0 $0xFFFFF086;
	s6 =	sadd.s32 @!p0 s3, s7;
	s7 =	simm.s32 @!p0 $0x108  }
0x21: {  	s3 =	sadd.s32 s3, s9;
	s6 =	sadd.s32 @!p0 $0x88, s6;
	s7 =	simm.s32 @p2 $0x1082  }
0x22: {  	[simem:s7], [sflag:s8] =	dma.local @!p0 [hbm:s6], $0xF7A  }
0x23: {  	s9 =	sor.u32 $0xD0000000, s2;
	s6 =	simm.s32 $0x108;
	_ =	swait.ge @!p0 [sflag:s8], $0x0  }
0x24: {  	s3 =	sadd.s32 $0x88, s3;
	s6 =	simm.s32 @!p1 $0x1082;
	[sflag:s4] =	ssyncset.s32 $0xFFFFF086  }
0x25: {  	[simem:s6], [sflag:s4] =	dma.local [hbm:s3], $0xF7A  }
0x26: {  	[smem:$0x3F9D] =	sst s1;
	(tag) =	ssettag s2;
	_ =	strace s9  }
0x27: {  	s1 =	sld [smem:$0x3FAD]  }
0x28: {  	s2 =	sld [smem:$0x3FAE]  }
0x29: {  	s4 =	sld [smem:$0x3FB0]  }
0x2a: {  	p0 =	seq.s32 s5, $0x0;
	s5 =	sld [smem:$0x3FB1]  }
0x2b: {  	s6 =	sld [smem:$0x3FB2]  }
0x2c: {  	s7 =	sld [smem:$0x3FB3]  }
0x2d: {  	s3 =	simm.s32 $0x108;
	s8 =	sld [smem:$0x3FB4]  }
0x2e: {  	s3 =	simm.s32 @!p0 $0x1082;
	s9 =	sld [smem:$0x3FB5]  }
0x2f: {  	lr =	sadd.s32 s0, s3;
	s0 =	sld [smem:$0x3FAC]  }
0x30: {  	s3 =	sld [smem:$0x3FAF]  }
0x31: {  	[smem:$0x3FB8] =	sst s10  }
0x32: {  	s10 =	sld [smem:$0x3FB6];
	_ =	sdelay $0x3  }
0x33: {  	p0 =	seq.s32 s10, $0x1;
	s10 =	sld [smem:$0x3FB8];
	_ =	sdelay $0x3  }
0x34: {  	[smem:$0x3FB8] =	sst s10  }
0x35: {  	s10 =	sld [smem:$0x3FB7];
	_ =	sdelay $0x3  }
0x36: {  	p1 =	seq.s32 s10, $0x1;
	s10 =	sld [smem:$0x3FB8];
	_ =	sdelay $0x3  }
0x37: {  	[smem:$0x3FB8] =	sst s10  }
0x38: {  	s10 =	sld [smem:$0x3FB9]  }
0x39: {  	_ = 	snop;
	(pc) =	sbr.ind lr, $3  }
0x3a: {  	_ = 	snop  }
0x3b: {  	_ = 	snop  }
0x3c: {  	p2 =	seq.s32 s10, $0x1;
	s10 =	sld [smem:$0x3FB8]  }
0x3d: {  	_ =	shalt  }
0x3e: {  	_ =	shalt  }
0x3f: {  	_ =	shalt  }
0x40: {  	_ =	shalt  }
0x41: {  	_ =	shalt  }
0x42: {  	_ =	shalt  }
0x43: {  	_ =	shalt  }
0x44: {  	_ =	shalt  }
0x45: {  	_ =	shalt  }
0x46: {  	_ =	shalt  }
0x47: {  	_ =	shalt  }
0x48: {  	_ =	shalt  }
0x49: {  	_ =	shalt  }
0x4a: {  	_ =	shalt  }
0x4b: {  	_ =	shalt  }
0x4c: {  	_ =	shalt  }
0x4d: {  	_ =	shalt  }
0x4e: {  	_ =	shalt  }
0x4f: {  	_ =	shalt  }
0x50: {  	_ =	shalt  }
0x51: {  	_ =	shalt  }
0x52: {  	_ =	shalt  }
0x53: {  	_ =	shalt  }
0x54: {  	_ =	shalt  }
0x55: {  	_ =	shalt  }
0x56: {  	_ =	shalt  }
0x57: {  	_ =	shalt  }
0x58: {  	_ =	shalt  }
0x59: {  	_ =	shalt  }
0x5a: {  	_ =	shalt  }
0x5b: {  	_ =	shalt  }
0x5c: {  	_ =	shalt  }
0x5d: {  	_ =	shalt  }
0x5e: {  	_ =	shalt  }
0x5f: {  	_ =	shalt  }
0x60: {  	_ =	shalt  }
0x61: {  	_ =	shalt  }
0x62: {  	_ =	shalt  }
0x63: {  	_ =	shalt  }
0x64: {  	_ =	shalt  }
0x65: {  	_ =	shalt  }
0x66: {  	_ =	shalt  }
0x67: {  	_ =	shalt  }
0x68: {  	_ =	shalt  }
0x69: {  	_ =	shalt  }
0x6a: {  	_ =	shalt  }
0x6b: {  	_ =	shalt  }
0x6c: {  	_ =	shalt  }
0x6d: {  	_ =	shalt  }
0x6e: {  	_ =	shalt  }
0x6f: {  	_ =	shalt  }
0x70: {  	_ =	shalt  }
0x71: {  	_ =	shalt  }
0x72: {  	_ =	shalt  }
0x73: {  	_ =	shalt  }
0x74: {  	_ =	shalt  }
0x75: {  	_ =	shalt  }
0x76: {  	_ =	shalt  }
0x77: {  	_ =	shalt  }
0x78: {  	_ =	shalt  }
0x79: {  	_ =	shalt  }
0x7a: {  	_ =	shalt  }
0x7b: {  	_ =	shalt  }
0x7c: {  	_ =	shalt  }
0x7d: {  	_ =	shalt  }
0x7e: {  	_ =	shalt  }
0x7f: {  	_ =	shalt  }
0x80: {  	_ =	shalt  }
0x81: {  	_ =	shalt  }
0x82: {  	_ =	shalt  }
0x83: {  	_ =	shalt  }
0x84: {  	_ =	shalt  }
0x85: {  	_ =	shalt  }
0x86: {  	_ =	shalt  }
0x87: {  	_ =	shalt  }
.Lfunc_end0:
.L_simem_size_0:
called_computation_lowered:
.L_overlay_start_0:
0x88: {  	s2 =	sld [smem:$0x3FD9]  }
0x89: {  	s3 =	sld [smem:$0x3FFE];
	_ =	sdelay $0x1  }
0x8a: {  	s1 =	srdreg.scid  }
0x8b: {  	s0 =	sand.u32 $0x1, s1  }
0x8c: {  	s18 =	sshll.u32 s0, $0xA;
	s2 =	sadd.s32 s3, s2  }
0x8d: {  	s2 =	sadd.s32 s2, s18  }
0x8e: {  	[smem:$0x3FC4] =	sst s2  }
0x8f: {  	_ = 	snop  }
0x90: {  	s2 =	sld [smem:$0x3FC9]  }
0x91: {  	s19 =	sld [smem:$0x3FC8]  }
0x92: {  	s4 =	sld [smem:$0x3FC7]  }
0x93: {  	s5 =	sld [smem:$0x3FC6]  }
0x94: {  	s6 =	sld [smem:$0x3FD0];
	(tm) =	ssettm $0x1  }
0x95: {  	s7 =	sld [smem:$0x3FFB];
	_ =	sdelay $0x3  }
0x96: {  	_ =	strace s7  }
0x97: {  	s7 =	sld [smem:$0x3FFC];
	_ =	sdelay $0x3  }
0x98: {  	_ =	strace s7  }
0x99: {  	s7 =	sld [smem:$0x3FFD];
	_ =	sdelay $0x3  }
0x9a: {  	_ =	strace s7  }
0x9b: {  	_ =	strace $0x8FFFFFFF  }
0x9c: {  	s20 =	sld [smem:$0x3FDB];
	_ =	sdelay $0x1  }
0x9d: {  	s8 =	simm.s32 $_scs_section_size  }
0x9e: {  	s9 =	simm.s32 $_size__tile_overlayer_lowered;
	s10 =	simm.s32 $_tile_overlayer_lowered  }
0x9f: {  	s23 =	simm.s32 $0x1BFF;
	s22 =	sshll.u32 s10, $0x1;
	s7 =	sadd.s32 s8, s20  }
0xa0: {  	s11 =	simm.s32 $0x0;
	s21 =	sshll.u32 s9, $0x1;
	s9 =	sadd.s32 s22, s7  }
0xa1: {  	[timem:s11], [sflag:s23] =	dma.local [hbm:s9], s21  }
0xa2: {  	_ =	swait.ge [sflag:s23], s21  }
0xa3: {  	s8 =	ssub.s32 $0x0, s21;
	[sflag:s23] =	ssyncset.done $0x0  }
0xa4: {  	[sflag:s23] =	ssyncadd.s32 s8;
	_ =	sdelay $0x1  }
0xa5: {  	s24 =	simm.s32 $0x1B8B  }
0xa6: {  	_ =	swait.ge [sflag:s24], $0x1  }
0xa7: {  	[sflag:s24] =	ssyncset.done $0x0  }
0xa8: {  	s25 =	simm.s32 $0x1B8E;
	[sflag:s24] =	ssyncadd.s32 $0xFFFFFFFF  }
0xa9: {  	s26 =	simm.s32 $execute0_lowered;
	[smem:$0x3FD2] =	sst s25  }
0xaa: {  	s8 =	sshll.u32 s26, $0x1;
	_ =	strace $0x80000046;
	[dreg:$0x1] =	wrdreg $0xFFFFFFFF  }
0xab: {  	s28 =	simm.s32 $_size_execute0_lowered;
	s7 =	sadd.s32 s7, s8;
	[dreg:$0x0] =	wrdreg $0x0  }
0xac: {  	s8 =	sshll.u32 s28, $0x1;
	[dreg:$0x2] =	wrdreg s7  }
0xad: {  	[dreg:$0x3] =	wrdreg s8  }
0xae: {  	[dreg:$0x4] =	wrdreg $0xC0  }
0xaf: {  	_ =	task [dreg:s11], $0x5FFFF  }
0xb0: {  	[dreg:$0x1] =	wrdreg $0xFFFFFFFF  }
0xb1: {  	[dreg:$0x0] =	wrdreg $0x60  }
0xb2: {  	[dreg:$0x2] =	wrdreg s19  }
0xb3: {  	[dreg:$0x3] =	wrdreg s4  }
0xb4: {  	[dreg:$0x4] =	wrdreg s2  }
0xb5: {  	[dreg:$0x5] =	wrdreg s5  }
0xb6: {  	[dreg:$0x6] =	wrdreg s6  }
0xb7: {  	[dreg:$0x7] =	wrdreg $0x9  }
0xb8: {  	_ =	task.clear_ibuf [dreg:s11], $0x8FFFF;
	_ =	strace $0x90000046  }
0xb9: {  	s29 =	simm.s32 $0x9;
	_ =	strace $0x80000048  }
0xba: {  	_ =	swait.ge [sflag:s29], $0x1  }
0xbb: {  	[sflag:s29] =	ssyncadd.s32 $0xFFFFFFFF  }
0xbc: {  	_ =	strace $0x90000048  }
0xbd: {  	_ =	sfence  }
0xbe: {  	s30 =	sld [smem:$0x0];
	_ =	sdelay $0x2  }
0xbf: {  	s31 =	sshll.u32 s1, $0xD;
	s1 =	sshrl.u32 s1, $0x2  }
0xc0: {  	s3 =	sand.u32 $0x4000, s31;
	s1 =	sadd.s32 s1, s30  }
0xc1: {  	s0 =	sor.u32 s3, s0;
	s1 =	sshll.u32 s1, $0x11  }
0xc2: {  	s0 =	sor.u32 s1, s0  }
0xc3: {  	s0 =	sadd.s32 $0x8F2B, s0  }
0xc4: {  	[sflag:s0] =	ssyncadd.remote.s32 $0x1  }
0xc5: {  	_ =	sfence.sel $0xFFFF  }
0xc6: {  	[dreg:$0x0] =	wrdreg $0xFFFFFFFF;
	(pc) =	sbr.abs _section_cstart, $3  }
0xc7: {  	[dreg:$0x1] =	wrdreg $0xFFFFFFFF  }
0xc8: {  	_ =	task.clear_ibuf [dreg:s11], $0x2FFFF;
	_ =	strace $0x9FFFFFFF  }
0xc9: {  	(tm) =	ssettm $0x7FFFFFFF  }
tec
execute0_lowered:
.L_overlay_start_1:
0x0: {  	(tag) =	ssettag $0x1  }
0x1: {  	s0 =	rddreg [dreg:$0x0]  }
0x2: {  	s2 =	rddreg [dreg:$0x1]  }
0x3: {  	s3 =	rddreg [dreg:$0x2];
	s1 =	srdreg.scid  }
0x4: {  	s11 =	stileid.u32;
	s6 =	rddreg [dreg:$0x4];
	s7 =	simm.s32 $0x0  }
0x5: {  	s29 =	simm.s32 $0x13480;
	s30 =	simm.s32 $0xC480;
	s31 =	simm.s32 $0x5480  }
0x6: {  	s28 =	simm.s32 $0x6;
	s14 =	simm.s32 $0x0;
	s1 =	sand.u32 $0x1, s1  }
0x7: {  	s4 =	sshll.u32 s11, $0x1;
	[smem:$0x7FF] =	sst s7;
	s25 =	smul.u32 $0x3100, s11  }
0x8: {  	s4 =	sor.u32 s1, s4;
	s5 =	ssub.s32 $0x2, s1;
	s1 =	smul.u32 $0x1880, s1  }
0x9: {  	s11 =	simm.s32 $0x5;
	s9 =	smul.u32 $0x18800, s4;
	s8 =	sshrl.u32 s5, $0x1  }
0xa: {  	_ =	strace $0x80000047;
	s10 =	smul.u32 $0xC4000, s4;
	s5 =	ssub.s32 s5, s8  }
0xb: {  	s8 =	smul.u32 $0x1880, s4;
	s20 =	sadd.s32 s1, s25;
	s25 =	simm.s32 $0x8C80  }
0xc: {  	s1 =	simm.s32 $0x2;
	s21 =	sadd.s32 s3, s9;
	s22 =	sor.u32 $0x700, s9  }
0xd: {  	s10 =	sshrl.u32 s10, $0x3;
	s9 =	sadd.s32 s6, s9;
	[dreg:$0x6] =	wrdreg s21  }
0xe: {  	s5 =	smax.u32 s5, $0x1;
	s12 =	sadd.s32 s3, s22;
	[dreg:$0x8] =	wrdreg s9  }
0xf: {  	s23 =	sadd.s32 s3, s10;
	s4 =	sadd.s32 s6, s22;
	[dreg:$0xe] =	wrdreg s5  }
0x10: {  	s26 =	sadd.s32 s6, s10;
	s15 =	sadd.s32 $0xE0, s8;
	[dreg:$0x7] =	wrdreg s12  }
0x11: {  	s16 =	sadd.s32 $0x150, s8;
	s24 =	sadd.s32 $0xE00, s23;
	[dreg:$0xa] =	wrdreg s4  }
0x12: {  	s22 =	simm.s32 $0x70;
	s9 =	sadd.s32 $0x1500, s23;
	[dreg:$0x9] =	wrdreg s24  }
0x13: {  	s5 =	simm.s32 $0x3;
	s10 =	sadd.s32 $0x17A00, s26;
	[dreg:$0xb] =	wrdreg s9  }
0x14: {  	s4 =	simm.s32 $0x1;
	s12 =	simm.s32 $0x7;
	[dreg:$0xc] =	wrdreg s10  }
0x15: {  	s9 =	sadd.s32 $0x18100, s26;
	s24 =	simm.s32 $0xFC80;
	s26 =	simm.s32 $0x1C80  }
0x16: {  	v0 =	vlaneseq.u32;
	s10 =	simm.s32 $0x4;
	[dreg:$0xd] =	wrdreg s9;
	s9 =	simm.s32 $0x16C80  }
.LBB2_1:
0x17: {  	v1 =	vor.u32 s20, v0  }
0x18: {  	s13 =	rddreg [dreg:$0x3];
	s23 =	simm.s32 $0x8;
	v1 =	vand.u32 $0x3FF, v1  }
0x19: {  	[tilespmem:s7], [sflag:$0x8] =	stream.linear.gather [hbm4b:s13+s7], $0x400, $0x38;
	[tilespmem:$0x1A480] =	vst v63  }
0x1a: {  	_ =	swait.ge [sflag:s23], $0x400  }
0x1b: {  	[sflag:s23] =	ssyncset.done $0x0  }
0x1c: {  	[sflag:s23] =	ssyncadd.s32 $0xFFFFFC00  }
0x1d: {  	s17 =	sadd.s32 $0x10, s20;
	s21 =	simm.s32 $0x80;
	v1 =	vld.idx.msk [tilespmem:v1+s7+$0x0], $0xffff  }
0x1e: {  	s19 =	smov.u32 s20;
	s18 =	simm.s32 $0x0;
	s13 =	simm.s32 $0x40;
	v2 =	vor.u32 s17, v0  }
.LBB2_2:
0x1f: {  	p0 =	sne.s32 s21, $0x61C0;
	v2 =	vand.u32 $0x3FF, v2;
	v3 =	vmov s19;
	s19 =	smov.u32 s17  }
0x20: {  	v3 =	vshrl.u32 v3, $0x2  }
0x21: {  	v3 =	vand.u32 $0x1FFFFF00, v3  }
.Ltmp0:
0x22: {  	s23 =	sshra.s32 s18, $0x2;
	s18 =	smov.u32 s13;
	v1 =	vadd.s32 v3, v1;
	(pc) =	sbr.rel @p0 .LBB2_2-.Ltmp0, $4  }
0x23: {  	s13 =	smov.u32 s21;
	[tilespmem:s23+$0x400] =	vst v1  }
0x24: {  	v1 =	vld.idx.msk [tilespmem:v2+s7+$0x0], $0xffff  }
0x25: {  	s17 =	sadd.s32 $0x10, s17  }
0x26: {  	s21 =	sadd.s32 $0x40, s21;
	v2 =	vor.u32 s17, v0  }
0x27: {  	v2 =	vand.u32 $0x3FF, v2;
	v3 =	vmov s19  }
0x28: {  	v3 =	vshrl.u32 v3, $0x2  }
0x29: {  	v3 =	vand.u32 $0x1FFFFF00, v3  }
0x2a: {  	s18 =	sshra.s32 s18, $0x2;
	v1 =	vadd.s32 v3, v1  }
0x2b: {  	[tilespmem:s18+$0x400] =	vst v1  }
0x2c: {  	v1 =	vld.idx.msk [tilespmem:v2+s7+$0x0], $0xffff;
	_ =	sdelay $0x1  }
0x2d: {  	v2 =	vmov s17  }
0x2e: {  	v2 =	vshrl.u32 v2, $0x2  }
0x2f: {  	v2 =	vand.u32 $0x1FFFFF00, v2  }
0x30: {  	s13 =	sshra.s32 s13, $0x2;
	v1 =	vadd.s32 v2, v1  }
0x31: {  	s17 =	simm.s32 $0x400;
	[tilespmem:s13+$0x400] =	vst v1  }
0x32: {  	[tilespmem:s24], [sflag:$0x1] =	stream.indirect.gather [hbm4b:s0+s22], $0x80, s17, s22, $0xb8;
	[tilespmem:$0x1A480] =	vst v63  }
0x33: {  	_ = 	snop  }
0x34: {  	[tilespmem:s25], [sflag:$0x2] =	stream.indirect.gather [hbm4b:s2+s22], $0x80, s17, s22, $0xb8;
	[tilespmem:$0x1A480] =	vst v63  }
0x35: {  	s19 =	rddreg [dreg:$0x6];
	s18 =	simm.s32 $0x0  }
0x36: {  	[tilespmem:s26], [sflag:$0x3] =	stream.linear.gather [hbm4b:s19+s18], $0x3800, $0x38;
	[tilespmem:$0x1A480] =	vst v63  }
0x37: {  	s21 =	simm.s32 $0x470  }
0x38: {  	[tilespmem:s29], [sflag:$0x4] =	stream.indirect.gather [hbm4b:s0+s22], $0x80, s21, s22, $0xb8;
	[tilespmem:$0x1A480] =	vst v63  }
0x39: {  	_ = 	snop  }
0x3a: {  	[tilespmem:s30], [sflag:$0x5] =	stream.indirect.gather [hbm4b:s2+s22], $0x80, s21, s22, $0xb8;
	[tilespmem:$0x1A480] =	vst v63  }
0x3b: {  	s23 =	rddreg [dreg:$0x7]  }
0x3c: {  	[tilespmem:s31], [sflag:$0x6] =	stream.linear.gather [hbm4b:s23+s18], $0x3800, $0x38;
	[tilespmem:$0x1A480] =	vst v63  }
0x3d: {  	_ =	swait.ge [sflag:s4], $0x3800  }
0x3e: {  	[sflag:s4] =	ssyncset.done $0x0  }
0x3f: {  	[sflag:s4] =	ssyncadd.s32 $0xFFFFC800  }
0x40: {  	_ =	swait.ge [sflag:s1], $0x3800  }
0x41: {  	[sflag:s1] =	ssyncset.done $0x0  }
0x42: {  	[sflag:s1] =	ssyncadd.s32 $0xFFFFC800  }
0x43: {  	_ =	swait.ge [sflag:s5], $0x3800  }
0x44: {  	[sflag:s5] =	ssyncset.done $0x0  }
0x45: {  	s17 =	simm.s32 $0x0;
	[sflag:s5] =	ssyncadd.s32 $0xFFFFC800  }
0x46: {  	v1 =	vld [tilespmem:s17+$0x1CF0]  }
0x47: {  	v2 =	vld [tilespmem:s17+$0x8CF0]  }
0x48: {  	v3 =	vld [tilespmem:s17+$0x1C80]  }
0x49: {  	v4 =	vld [tilespmem:s17+$0xFCF0]  }
0x4a: {  	v5 =	vld [tilespmem:s17+$0x8C80]  }
0x4b: {  	v6 =	vld [tilespmem:s17+$0x1C90]  }
0x4c: {  	v8 =	vld [tilespmem:s17+$0x8C90]  }
0x4d: {  	v10 =	vld [tilespmem:s17+$0x8CA0]  }
0x4e: {  	v11 =	vld [tilespmem:s17+$0x8CB0]  }
0x4f: {  	v12 =	vld [tilespmem:s17+$0x1CC0]  }
0x50: {  	v13 =	vld [tilespmem:s17+$0x8CC0]  }
0x51: {  	v14 =	vld [tilespmem:s17+$0x1CD0]  }
0x52: {  	v15 =	vld [tilespmem:s17+$0x8CD0]  }
0x53: {  	v16 =	vld [tilespmem:s17+$0x1CE0]  }
0x54: {  	v17 =	vld [tilespmem:s17+$0x8CE0]  }
0x55: {  	v18 =	vld [tilespmem:s17+$0xFC80];
	v1 =	vmul.f32 v2, v1  }
0x56: {  	v2 =	vld [tilespmem:s17+$0x1CA0]  }
0x57: {  	v1 =	vadd.f32 v4, v1;
	v4 =	vld [tilespmem:s17+$0x1CB0]  }
0x58: {  	v19 =	vld [tilespmem:s17+$0xFC90]  }
0x59: {  	v20 =	vld [tilespmem:s17+$0xFCA0]  }
0x5a: {  	v9 =	vld [tilespmem:s17+$0xFCB0];
	v3 =	vmul.f32 v5, v3  }
0x5b: {  	v7 =	vld [tilespmem:s17+$0xFCC0];
	v21 =	vmul.f32 v8, v6  }
0x5c: {  	v6 =	vld [tilespmem:s17+$0xFCD0];
	[tilespmem:s17+$0x16CF0] =	vst v1;
	v22 =	vmul.f32 v10, v2;
	v1 =	vmul.f32 v11, v4;
	v11 =	vadd.f32 v18, v3  }
0x5d: {  	s13 =	simm.s32 $0x80;
	v8 =	vld [tilespmem:s17+$0xFCE0];
	v5 =	vmul.f32 v13, v12;
	v10 =	vadd.f32 v19, v21  }
0x5e: {  	s18 =	simm.s32 $0x400;
	v2 =	vld [tilespmem:s13+$0x1CF0];
	v3 =	vmul.f32 v15, v14;
	v4 =	vmul.f32 v17, v16;
	[tilespmem:s17+$0x16C80] =	vst v11;
	v11 =	vadd.f32 v20, v22  }
.LBB2_4:
0x5f: {  	p0 =	sne.s32 s18, $0xDE00;
	v12 =	vld [tilespmem:s13+$0x8CF0];
	[tilespmem:s17+$0x16C90] =	vst v10;
	v1 =	vadd.f32 v9, v1  }
0x60: {  	v9 =	vld [tilespmem:s13+$0x1C80];
	[tilespmem:s17+$0x16CA0] =	vst v11;
	v5 =	vadd.f32 v7, v5  }
0x61: {  	v7 =	vld [tilespmem:s13+$0xFCF0];
	[tilespmem:s17+$0x16CB0] =	vst v1;
	v1 =	vadd.f32 v6, v3  }
0x62: {  	v3 =	vld [tilespmem:s13+$0x8C80];
	[tilespmem:s17+$0x16CC0] =	vst v5;
	v4 =	vadd.f32 v8, v4  }
0x63: {  	v5 =	vld [tilespmem:s13+$0x1C90];
	[tilespmem:s17+$0x16CD0] =	vst v1  }
0x64: {  	v1 =	vld [tilespmem:s13+$0x8C90];
	v2 =	vmul.f32 v12, v2;
	[tilespmem:s17+$0x16CE0] =	vst v4;
	s17 =	smov.u32 s13  }
0x65: {  	v4 =	vld [tilespmem:s17+$0x1CA0]  }
0x66: {  	v6 =	vld [tilespmem:s17+$0x8CA0];
	v2 =	vadd.f32 v7, v2  }
0x67: {  	v8 =	vmul.f32 v3, v9;
	v3 =	vld [tilespmem:s17+$0x1CB0]  }
0x68: {  	v7 =	vld [tilespmem:s17+$0x8CB0];
	[tilespmem:s17+$0x16CF0] =	vst v2  }
0x69: {  	v2 =	vmul.f32 v1, v5;
	v5 =	vld [tilespmem:s17+$0x1CC0]  }
0x6a: {  	v9 =	vld [tilespmem:s17+$0x8CC0]  }
0x6b: {  	v11 =	vmul.f32 v6, v4;
	v4 =	vld [tilespmem:s17+$0x1CD0]  }
0x6c: {  	v6 =	vld [tilespmem:s17+$0x8CD0]  }
0x6d: {  	v1 =	vmul.f32 v7, v3;
	v10 =	vld [tilespmem:s17+$0x1CE0]  }
0x6e: {  	v12 =	vld [tilespmem:s17+$0x8CE0]  }
0x6f: {  	v13 =	vld [tilespmem:s17+$0xFC80];
	v5 =	vmul.f32 v9, v5  }
0x70: {  	v14 =	vld [tilespmem:s17+$0xFC90]  }
0x71: {  	v15 =	vld [tilespmem:s17+$0xFCA0];
	v3 =	vmul.f32 v6, v4  }
.Ltmp1:
0x72: {  	v9 =	vld [tilespmem:s17+$0xFCB0];
	(pc) =	sbr.rel @p0 .LBB2_4-.Ltmp1, $4  }
0x73: {  	v7 =	vld [tilespmem:s17+$0xFCC0];
	v4 =	vmul.f32 v12, v10  }
0x74: {  	v12 =	vadd.f32 v13, v8;
	v6 =	vld [tilespmem:s17+$0xFCD0]  }
0x75: {  	s13 =	sshra.s32 s18, $0x2;
	v10 =	vadd.f32 v14, v2;
	v8 =	vld [tilespmem:s17+$0xFCE0]  }
0x76: {  	s18 =	sadd.s32 $0x200, s18;
	v2 =	vld [tilespmem:s13+$0x1CF0];
	[tilespmem:s17+$0x16C80] =	vst v12;
	v11 =	vadd.f32 v15, v11  }
0x77: {  	v12 =	vld [tilespmem:s13+$0x8CF0];
	[tilespmem:s17+$0x16C90] =	vst v10;
	v1 =	vadd.f32 v9, v1  }
0x78: {  	v10 =	vld [tilespmem:s13+$0x1C80];
	[tilespmem:s17+$0x16CA0] =	vst v11;
	v5 =	vadd.f32 v7, v5  }
0x79: {  	v9 =	vld [tilespmem:s13+$0xFCF0];
	[tilespmem:s17+$0x16CB0] =	vst v1;
	v3 =	vadd.f32 v6, v3  }
0x7a: {  	v1 =	vld [tilespmem:s13+$0x8C80];
	[tilespmem:s17+$0x16CC0] =	vst v5;
	v4 =	vadd.f32 v8, v4  }
0x7b: {  	v5 =	vld [tilespmem:s13+$0x1C90];
	[tilespmem:s17+$0x16CD0] =	vst v3  }
0x7c: {  	v3 =	vld [tilespmem:s13+$0x8C90];
	[tilespmem:s17+$0x16CE0] =	vst v4  }
0x7d: {  	v4 =	vld [tilespmem:s13+$0x1CA0]  }
0x7e: {  	v6 =	vld [tilespmem:s13+$0x8CA0]  }
0x7f: {  	v7 =	vld [tilespmem:s13+$0x1CB0]  }
0x80: {  	v8 =	vld [tilespmem:s13+$0x8CB0]  }
0x81: {  	v11 =	vld [tilespmem:s13+$0x1CD0]  }
0x82: {  	v57 =	vld [tilespmem:s13+$0x8CD0]  }
0x83: {  	v13 =	vld [tilespmem:s13+$0x1CE0]  }
0x84: {  	v14 =	vld [tilespmem:s13+$0x8CE0]  }
0x85: {  	v2 =	vmul.f32 v12, v2;
	v15 =	vld [tilespmem:s13+$0xFC80]  }
0x86: {  	v16 =	vld [tilespmem:s13+$0xFC90]  }
0x87: {  	v17 =	vld [tilespmem:s13+$0xFCA0];
	v2 =	vadd.f32 v9, v2  }
0x88: {  	v9 =	vld [tilespmem:s13+$0x8CC0]  }
0x89: {  	[tilespmem:s13+$0x16CF0] =	vst v2;
	v2 =	vld [tilespmem:s13+$0x1CC0]  }
0x8a: {  	v1 =	vmul.f32 v1, v10;
	v10 =	vld [tilespmem:s13+$0xFCB0]  }
0x8b: {  	v3 =	vmul.f32 v3, v5;
	v5 =	vld [tilespmem:s13+$0xFCC0]  }
0x8c: {  	v4 =	vmul.f32 v6, v4;
	v1 =	vadd.f32 v15, v1;
	v6 =	vld [tilespmem:s13+$0xFCD0]  }
0x8d: {  	v7 =	vmul.f32 v8, v7;
	v8 =	vld [tilespmem:s13+$0xFCE0];
	v3 =	vadd.f32 v16, v3  }
0x8e: {  	[tilespmem:s13+$0x16C80] =	vst v1;
	v1 =	vadd.f32 v17, v4;
	v2 =	vmul.f32 v9, v2  }
0x8f: {  	v4 =	vmul.f32 v57, v11;
	[tilespmem:s13+$0x16C90] =	vst v3;
	v3 =	vadd.f32 v10, v7  }
0x90: {  	v7 =	vmul.f32 v14, v13;
	[tilespmem:s13+$0x16CA0] =	vst v1;
	v1 =	vadd.f32 v5, v2  }
0x91: {  	[tilespmem:s13+$0x16CB0] =	vst v3;
	v2 =	vadd.f32 v6, v4  }
0x92: {  	[tilespmem:s13+$0x16CC0] =	vst v1;
	v1 =	vadd.f32 v8, v7  }
0x93: {  	[tilespmem:s13+$0x16CD0] =	vst v2  }
0x94: {  	s18 =	simm.s32 $0x0;
	s19 =	rddreg [dreg:$0x8];
	[tilespmem:s13+$0x16CE0] =	vst v1  }
0x95: {  	[hbm4b:s19+s18] =	stream.linear.scatter [tilespmem:s9], [sflag:$0x7], $0x3800, $0x38;
	[tilespmem:$0x1A480] =	vst v63  }
0x96: {  	s21 =	simm.s32 $0x4E0  }
0x97: {  	[tilespmem:s24], [sflag:$0x1] =	stream.indirect.gather [hbm4b:s0+s22], $0x80, s21, s22, $0xb8;
	[tilespmem:$0x1A480] =	vst v63  }
0x98: {  	_ = 	snop  }
0x99: {  	[tilespmem:s25], [sflag:$0x2] =	stream.indirect.gather [hbm4b:s2+s22], $0x80, s21, s22, $0xb8;
	[tilespmem:$0x1A480] =	vst v63  }
0x9a: {  	s23 =	rddreg [dreg:$0x9]  }
0x9b: {  	[tilespmem:s26], [sflag:$0x3] =	stream.linear.gather [hbm4b:s23+s18], $0x3800, $0x38;
	[tilespmem:$0x1A480] =	vst v63  }
0x9c: {  	_ =	swait.ge [sflag:s10], $0x3800  }
0x9d: {  	[sflag:s10] =	ssyncset.done $0x0  }
0x9e: {  	[sflag:s10] =	ssyncadd.s32 $0xFFFFC800  }
0x9f: {  	_ =	swait.ge [sflag:s11], $0x3800  }
0xa0: {  	[sflag:s11] =	ssyncset.done $0x0  }
0xa1: {  	[sflag:s11] =	ssyncadd.s32 $0xFFFFC800  }
0xa2: {  	_ =	swait.ge [sflag:s28], $0x3800  }
0xa3: {  	[sflag:s28] =	ssyncset.done $0x0  }
0xa4: {  	[sflag:s28] =	ssyncadd.s32 $0xFFFFC800  }
0xa5: {  	_ =	swait.ge [sflag:s12], $0x3800  }
0xa6: {  	[sflag:s12] =	ssyncset.done $0x0  }
0xa7: {  	s17 =	simm.s32 $0x0;
	[sflag:s12] =	ssyncadd.s32 $0xFFFFC800  }
0xa8: {  	v1 =	vld [tilespmem:s17+$0x54F0]  }
0xa9: {  	v2 =	vld [tilespmem:s17+$0xC4F0]  }
0xaa: {  	v3 =	vld [tilespmem:s17+$0x5480]  }
0xab: {  	v4 =	vld [tilespmem:s17+$0x134F0]  }
0xac: {  	v5 =	vld [tilespmem:s17+$0xC480]  }
0xad: {  	v6 =	vld [tilespmem:s17+$0x5490]  }
0xae: {  	v8 =	vld [tilespmem:s17+$0xC490]  }
0xaf: {  	v10 =	vld [tilespmem:s17+$0xC4A0]  }
0xb0: {  	v11 =	vld [tilespmem:s17+$0xC4B0]  }
0xb1: {  	v58 =	vld [tilespmem:s17+$0x54C0]  }
0xb2: {  	v59 =	vld [tilespmem:s17+$0xC4C0]  }
0xb3: {  	v60 =	vld [tilespmem:s17+$0x54D0]  }
0xb4: {  	v61 =	vld [tilespmem:s17+$0xC4D0]  }
0xb5: {  	v62 =	vld [tilespmem:s17+$0x54E0]  }
0xb6: {  	v63 =	vld [tilespmem:s17+$0xC4E0]  }
0xb7: {  	v18 =	vld [tilespmem:s17+$0x13480];
	v1 =	vmul.f32 v2, v1  }
0xb8: {  	v2 =	vld [tilespmem:s17+$0x54A0]  }
0xb9: {  	v1 =	vadd.f32 v4, v1;
	v4 =	vld [tilespmem:s17+$0x54B0]  }
0xba: {  	v19 =	vld [tilespmem:s17+$0x13490]  }
0xbb: {  	v20 =	vld [tilespmem:s17+$0x134A0]  }
0xbc: {  	v9 =	vld [tilespmem:s17+$0x134B0];
	v3 =	vmul.f32 v5, v3  }
0xbd: {  	v7 =	vld [tilespmem:s17+$0x134C0];
	v21 =	vmul.f32 v8, v6  }
0xbe: {  	v6 =	vld [tilespmem:s17+$0x134D0];
	[tilespmem:s17+$0x16CF0] =	vst v1;
	v22 =	vmul.f32 v10, v2;
	v1 =	vmul.f32 v11, v4;
	v11 =	vadd.f32 v18, v3  }
0xbf: {  	s13 =	simm.s32 $0x80;
	v8 =	vld [tilespmem:s17+$0x134E0];
	v5 =	vmul.f32 v59, v58;
	v10 =	vadd.f32 v19, v21  }
0xc0: {  	s18 =	simm.s32 $0x400;
	v2 =	vld [tilespmem:s13+$0x54F0];
	v3 =	vmul.f32 v61, v60;
	v4 =	vmul.f32 v63, v62;
	[tilespmem:s17+$0x16C80] =	vst v11;
	v11 =	vadd.f32 v20, v22  }
.LBB2_6:
0xc1: {  	p0 =	sne.s32 s18, $0xDE00;
	v12 =	vld [tilespmem:s13+$0xC4F0];
	[tilespmem:s17+$0x16C90] =	vst v10;
	v1 =	vadd.f32 v9, v1  }
0xc2: {  	v9 =	vld [tilespmem:s13+$0x5480];
	[tilespmem:s17+$0x16CA0] =	vst v11;
	v5 =	vadd.f32 v7, v5  }
0xc3: {  	v7 =	vld [tilespmem:s13+$0x134F0];
	[tilespmem:s17+$0x16CB0] =	vst v1;
	v1 =	vadd.f32 v6, v3  }
0xc4: {  	v3 =	vld [tilespmem:s13+$0xC480];
	[tilespmem:s17+$0x16CC0] =	vst v5;
	v4 =	vadd.f32 v8, v4  }
0xc5: {  	v5 =	vld [tilespmem:s13+$0x5490];
	[tilespmem:s17+$0x16CD0] =	vst v1  }
0xc6: {  	v1 =	vld [tilespmem:s13+$0xC490];
	v2 =	vmul.f32 v12, v2;
	[tilespmem:s17+$0x16CE0] =	vst v4;
	s17 =	smov.u32 s13  }
0xc7: {  	v4 =	vld [tilespmem:s17+$0x54A0]  }
0xc8: {  	v6 =	vld [tilespmem:s17+$0xC4A0];
	v2 =	vadd.f32 v7, v2  }
0xc9: {  	v8 =	vmul.f32 v3, v9;
	v3 =	vld [tilespmem:s17+$0x54B0]  }
0xca: {  	v7 =	vld [tilespmem:s17+$0xC4B0];
	[tilespmem:s17+$0x16CF0] =	vst v2  }
0xcb: {  	v2 =	vmul.f32 v1, v5;
	v5 =	vld [tilespmem:s17+$0x54C0]  }
0xcc: {  	v9 =	vld [tilespmem:s17+$0xC4C0]  }
0xcd: {  	v11 =	vmul.f32 v6, v4;
	v4 =	vld [tilespmem:s17+$0x54D0]  }
0xce: {  	v6 =	vld [tilespmem:s17+$0xC4D0]  }
0xcf: {  	v1 =	vmul.f32 v7, v3;
	v10 =	vld [tilespmem:s17+$0x54E0]  }
0xd0: {  	v12 =	vld [tilespmem:s17+$0xC4E0]  }
0xd1: {  	v13 =	vld [tilespmem:s17+$0x13480];
	v5 =	vmul.f32 v9, v5  }
0xd2: {  	v14 =	vld [tilespmem:s17+$0x13490]  }
0xd3: {  	v15 =	vld [tilespmem:s17+$0x134A0];
	v3 =	vmul.f32 v6, v4  }
.Ltmp2:
0xd4: {  	v9 =	vld [tilespmem:s17+$0x134B0];
	(pc) =	sbr.rel @p0 .LBB2_6-.Ltmp2, $4  }
0xd5: {  	v7 =	vld [tilespmem:s17+$0x134C0];
	v4 =	vmul.f32 v12, v10  }
0xd6: {  	v12 =	vadd.f32 v13, v8;
	v6 =	vld [tilespmem:s17+$0x134D0]  }
0xd7: {  	s13 =	sshra.s32 s18, $0x2;
	v10 =	vadd.f32 v14, v2;
	v8 =	vld [tilespmem:s17+$0x134E0]  }
0xd8: {  	s18 =	sadd.s32 $0x200, s18;
	v2 =	vld [tilespmem:s13+$0x54F0];
	[tilespmem:s17+$0x16C80] =	vst v12;
	v11 =	vadd.f32 v15, v11  }
0xd9: {  	v12 =	vld [tilespmem:s13+$0xC4F0];
	[tilespmem:s17+$0x16C90] =	vst v10;
	v1 =	vadd.f32 v9, v1  }
0xda: {  	v10 =	vld [tilespmem:s13+$0x5480];
	[tilespmem:s17+$0x16CA0] =	vst v11;
	v5 =	vadd.f32 v7, v5  }
0xdb: {  	v52 =	vld [tilespmem:s13+$0x134F0];
	[tilespmem:s17+$0x16CB0] =	vst v1;
	v3 =	vadd.f32 v6, v3  }
0xdc: {  	v1 =	vld [tilespmem:s13+$0xC480];
	[tilespmem:s17+$0x16CC0] =	vst v5;
	v4 =	vadd.f32 v8, v4  }
0xdd: {  	v5 =	vld [tilespmem:s13+$0x5490];
	[tilespmem:s17+$0x16CD0] =	vst v3  }
0xde: {  	v3 =	vld [tilespmem:s13+$0xC490];
	[tilespmem:s17+$0x16CE0] =	vst v4  }
0xdf: {  	v4 =	vld [tilespmem:s13+$0x54A0]  }
0xe0: {  	v53 =	vld [tilespmem:s13+$0xC4A0]  }
0xe1: {  	v54 =	vld [tilespmem:s13+$0x54B0]  }
0xe2: {  	v55 =	vld [tilespmem:s13+$0xC4B0]  }
0xe3: {  	v56 =	vld [tilespmem:s13+$0xC4C0]  }
0xe4: {  	v11 =	vld [tilespmem:s13+$0x54D0]  }
0xe5: {  	v57 =	vld [tilespmem:s13+$0xC4D0]  }
0xe6: {  	v13 =	vld [tilespmem:s13+$0x54E0]  }
0xe7: {  	v2 =	vmul.f32 v12, v2;
	v14 =	vld [tilespmem:s13+$0xC4E0]  }
0xe8: {  	v15 =	vld [tilespmem:s13+$0x13480]  }
0xe9: {  	v16 =	vld [tilespmem:s13+$0x13490];
	v2 =	vadd.f32 v52, v2  }
0xea: {  	v17 =	vld [tilespmem:s13+$0x134A0]  }
0xeb: {  	[tilespmem:s13+$0x16CF0] =	vst v2;
	v2 =	vld [tilespmem:s13+$0x54C0]  }
0xec: {  	v58 =	vld [tilespmem:s13+$0x134B0];
	v1 =	vmul.f32 v1, v10  }
0xed: {  	v59 =	vld [tilespmem:s13+$0x134C0];
	v3 =	vmul.f32 v3, v5  }
0xee: {  	v60 =	vld [tilespmem:s13+$0x134D0];
	v4 =	vmul.f32 v53, v4;
	v1 =	vadd.f32 v15, v1  }
0xef: {  	v61 =	vld [tilespmem:s13+$0x134E0];
	v7 =	vmul.f32 v55, v54;
	v3 =	vadd.f32 v16, v3  }
0xf0: {  	[tilespmem:s13+$0x16C80] =	vst v1;
	v1 =	vadd.f32 v17, v4;
	v2 =	vmul.f32 v56, v2  }
0xf1: {  	v62 =	vmul.f32 v57, v11;
	[tilespmem:s13+$0x16C90] =	vst v3;
	v3 =	vadd.f32 v58, v7  }
0xf2: {  	v63 =	vmul.f32 v14, v13;
	[tilespmem:s13+$0x16CA0] =	vst v1;
	v1 =	vadd.f32 v59, v2  }
0xf3: {  	[tilespmem:s13+$0x16CB0] =	vst v3;
	v2 =	vadd.f32 v60, v62  }
0xf4: {  	[tilespmem:s13+$0x16CC0] =	vst v1;
	v1 =	vadd.f32 v61, v63  }
0xf5: {  	[tilespmem:s13+$0x16CD0] =	vst v2  }
0xf6: {  	s23 =	simm.s32 $0x0;
	s18 =	rddreg [dreg:$0xa];
	[tilespmem:s13+$0x16CE0] =	vst v1  }
0xf7: {  	[hbm4b:s18+s23] =	stream.linear.scatter [tilespmem:s9], [sflag:$0x7], $0x3800, $0x38;
	[tilespmem:$0x1A480] =	vst v63  }
0xf8: {  	s19 =	simm.s32 $0x550  }
0xf9: {  	[tilespmem:s29], [sflag:$0x4] =	stream.indirect.gather [hbm4b:s0+s22], $0x80, s19, s22, $0xb8;
	[tilespmem:$0x1A480] =	vst v63  }
0xfa: {  	_ = 	snop  }
0xfb: {  	[tilespmem:s30], [sflag:$0x5] =	stream.indirect.gather [hbm4b:s2+s22], $0x80, s19, s22, $0xb8;
	[tilespmem:$0x1A480] =	vst v63  }
0xfc: {  	s21 =	rddreg [dreg:$0xb]  }
0xfd: {  	[tilespmem:s31], [sflag:$0x6] =	stream.linear.gather [hbm4b:s21+s23], $0x3800, $0x38;
	[tilespmem:$0x1A480] =	vst v63  }
.LBB2_8:
0xfe: {  	_ =	swait.ge [sflag:s4], $0x3800  }
0xff: {  	[sflag:s4] =	ssyncset.done $0x0  }
0x100: {  	[sflag:s4] =	ssyncadd.s32 $0xFFFFC800  }
0x101: {  	_ =	swait.ge [sflag:s1], $0x3800  }
0x102: {  	[sflag:s1] =	ssyncset.done $0x0  }
0x103: {  	[sflag:s1] =	ssyncadd.s32 $0xFFFFC800  }
0x104: {  	_ =	swait.ge [sflag:s5], $0x3800  }
0x105: {  	[sflag:s5] =	ssyncset.done $0x0  }
0x106: {  	[sflag:s5] =	ssyncadd.s32 $0xFFFFC800  }
0x107: {  	_ =	swait.ge [sflag:s12], $0x3800  }
0x108: {  	[sflag:s12] =	ssyncset.done $0x0  }
0x109: {  	s17 =	simm.s32 $0x0;
	[sflag:s12] =	ssyncadd.s32 $0xFFFFC800  }
0x10a: {  	v1 =	vld [tilespmem:s17+$0x1CF0]  }
0x10b: {  	v2 =	vld [tilespmem:s17+$0x8CF0]  }
0x10c: {  	v3 =	vld [tilespmem:s17+$0x1C80]  }
0x10d: {  	v4 =	vld [tilespmem:s17+$0xFCF0]  }
0x10e: {  	v5 =	vld [tilespmem:s17+$0x8C80]  }
0x10f: {  	v6 =	vld [tilespmem:s17+$0x1C90]  }
0x110: {  	v8 =	vld [tilespmem:s17+$0x8C90]  }
0x111: {  	v10 =	vld [tilespmem:s17+$0x8CA0]  }
0x112: {  	v11 =	vld [tilespmem:s17+$0x8CB0]  }
0x113: {  	v12 =	vld [tilespmem:s17+$0x1CC0]  }
0x114: {  	v13 =	vld [tilespmem:s17+$0x8CC0]  }
0x115: {  	v14 =	vld [tilespmem:s17+$0x1CD0]  }
0x116: {  	v15 =	vld [tilespmem:s17+$0x8CD0]  }
0x117: {  	v16 =	vld [tilespmem:s17+$0x1CE0]  }
0x118: {  	v17 =	vld [tilespmem:s17+$0x8CE0]  }
0x119: {  	v18 =	vld [tilespmem:s17+$0xFC80];
	v1 =	vmul.f32 v2, v1  }
0x11a: {  	v2 =	vld [tilespmem:s17+$0x1CA0]  }
0x11b: {  	v1 =	vadd.f32 v4, v1;
	v4 =	vld [tilespmem:s17+$0x1CB0]  }
0x11c: {  	v19 =	vld [tilespmem:s17+$0xFC90]  }
0x11d: {  	v20 =	vld [tilespmem:s17+$0xFCA0]  }
0x11e: {  	v9 =	vld [tilespmem:s17+$0xFCB0];
	v3 =	vmul.f32 v5, v3  }
0x11f: {  	v7 =	vld [tilespmem:s17+$0xFCC0];
	v21 =	vmul.f32 v8, v6  }
0x120: {  	v6 =	vld [tilespmem:s17+$0xFCD0];
	[tilespmem:s17+$0x16CF0] =	vst v1;
	v22 =	vmul.f32 v10, v2;
	v1 =	vmul.f32 v11, v4;
	v11 =	vadd.f32 v18, v3  }
0x121: {  	s18 =	simm.s32 $0x80;
	v8 =	vld [tilespmem:s17+$0xFCE0];
	v5 =	vmul.f32 v13, v12;
	v10 =	vadd.f32 v19, v21  }
0x122: {  	s13 =	simm.s32 $0x400;
	v2 =	vld [tilespmem:s18+$0x1CF0];
	v3 =	vmul.f32 v15, v14;
	v4 =	vmul.f32 v17, v16;
	[tilespmem:s17+$0x16C80] =	vst v11;
	v11 =	vadd.f32 v20, v22  }
.LBB2_9:
0x123: {  	p0 =	sne.s32 s13, $0xDE00;
	v12 =	vld [tilespmem:s18+$0x8CF0];
	[tilespmem:s17+$0x16C90] =	vst v10;
	v1 =	vadd.f32 v9, v1  }
0x124: {  	v9 =	vld [tilespmem:s18+$0x1C80];
	[tilespmem:s17+$0x16CA0] =	vst v11;
	v5 =	vadd.f32 v7, v5  }
0x125: {  	v7 =	vld [tilespmem:s18+$0xFCF0];
	[tilespmem:s17+$0x16CB0] =	vst v1;
	v1 =	vadd.f32 v6, v3  }
0x126: {  	v3 =	vld [tilespmem:s18+$0x8C80];
	[tilespmem:s17+$0x16CC0] =	vst v5;
	v4 =	vadd.f32 v8, v4  }
0x127: {  	v5 =	vld [tilespmem:s18+$0x1C90];
	[tilespmem:s17+$0x16CD0] =	vst v1  }
0x128: {  	v1 =	vld [tilespmem:s18+$0x8C90];
	v2 =	vmul.f32 v12, v2;
	[tilespmem:s17+$0x16CE0] =	vst v4;
	s17 =	smov.u32 s18  }
0x129: {  	v4 =	vld [tilespmem:s17+$0x1CA0]  }
0x12a: {  	v6 =	vld [tilespmem:s17+$0x8CA0];
	v2 =	vadd.f32 v7, v2  }
0x12b: {  	v8 =	vmul.f32 v3, v9;
	v3 =	vld [tilespmem:s17+$0x1CB0]  }
0x12c: {  	v7 =	vld [tilespmem:s17+$0x8CB0];
	[tilespmem:s17+$0x16CF0] =	vst v2  }
0x12d: {  	v2 =	vmul.f32 v1, v5;
	v5 =	vld [tilespmem:s17+$0x1CC0]  }
0x12e: {  	v9 =	vld [tilespmem:s17+$0x8CC0]  }
0x12f: {  	v11 =	vmul.f32 v6, v4;
	v4 =	vld [tilespmem:s17+$0x1CD0]  }
0x130: {  	v6 =	vld [tilespmem:s17+$0x8CD0]  }
0x131: {  	v1 =	vmul.f32 v7, v3;
	v10 =	vld [tilespmem:s17+$0x1CE0]  }
0x132: {  	v12 =	vld [tilespmem:s17+$0x8CE0]  }
0x133: {  	v13 =	vld [tilespmem:s17+$0xFC80];
	v5 =	vmul.f32 v9, v5  }
0x134: {  	v14 =	vld [tilespmem:s17+$0xFC90]  }
0x135: {  	v15 =	vld [tilespmem:s17+$0xFCA0];
	v3 =	vmul.f32 v6, v4  }
.Ltmp3:
0x136: {  	v9 =	vld [tilespmem:s17+$0xFCB0];
	(pc) =	sbr.rel @p0 .LBB2_9-.Ltmp3, $4  }
0x137: {  	v7 =	vld [tilespmem:s17+$0xFCC0];
	v4 =	vmul.f32 v12, v10  }
0x138: {  	v12 =	vadd.f32 v13, v8;
	v6 =	vld [tilespmem:s17+$0xFCD0]  }
0x139: {  	s18 =	sshra.s32 s13, $0x2;
	v10 =	vadd.f32 v14, v2;
	v8 =	vld [tilespmem:s17+$0xFCE0]  }
0x13a: {  	s13 =	sadd.s32 $0x200, s13;
	v2 =	vld [tilespmem:s18+$0x1CF0];
	[tilespmem:s17+$0x16C80] =	vst v12;
	v11 =	vadd.f32 v15, v11  }
0x13b: {  	v12 =	vld [tilespmem:s18+$0x8CF0];
	[tilespmem:s17+$0x16C90] =	vst v10;
	v1 =	vadd.f32 v9, v1  }
0x13c: {  	v10 =	vld [tilespmem:s18+$0x1C80];
	[tilespmem:s17+$0x16CA0] =	vst v11;
	v5 =	vadd.f32 v7, v5  }
0x13d: {  	v9 =	vld [tilespmem:s18+$0xFCF0];
	[tilespmem:s17+$0x16CB0] =	vst v1;
	v3 =	vadd.f32 v6, v3  }
0x13e: {  	v1 =	vld [tilespmem:s18+$0x8C80];
	[tilespmem:s17+$0x16CC0] =	vst v5;
	v4 =	vadd.f32 v8, v4  }
0x13f: {  	v5 =	vld [tilespmem:s18+$0x1C90];
	[tilespmem:s17+$0x16CD0] =	vst v3  }
0x140: {  	v3 =	vld [tilespmem:s18+$0x8C90];
	[tilespmem:s17+$0x16CE0] =	vst v4  }
0x141: {  	v4 =	vld [tilespmem:s18+$0x1CA0]  }
0x142: {  	v6 =	vld [tilespmem:s18+$0x8CA0]  }
0x143: {  	v7 =	vld [tilespmem:s18+$0x1CB0]  }
0x144: {  	v8 =	vld [tilespmem:s18+$0x8CB0]  }
0x145: {  	v11 =	vld [tilespmem:s18+$0x1CD0]  }
0x146: {  	v57 =	vld [tilespmem:s18+$0x8CD0]  }
0x147: {  	v13 =	vld [tilespmem:s18+$0x1CE0]  }
0x148: {  	v14 =	vld [tilespmem:s18+$0x8CE0]  }
0x149: {  	v2 =	vmul.f32 v12, v2;
	v15 =	vld [tilespmem:s18+$0xFC80]  }
0x14a: {  	v16 =	vld [tilespmem:s18+$0xFC90]  }
0x14b: {  	v17 =	vld [tilespmem:s18+$0xFCA0];
	v2 =	vadd.f32 v9, v2  }
0x14c: {  	v9 =	vld [tilespmem:s18+$0x8CC0]  }
0x14d: {  	[tilespmem:s18+$0x16CF0] =	vst v2;
	v2 =	vld [tilespmem:s18+$0x1CC0]  }
0x14e: {  	v1 =	vmul.f32 v1, v10;
	v10 =	vld [tilespmem:s18+$0xFCB0]  }
0x14f: {  	v3 =	vmul.f32 v3, v5;
	v5 =	vld [tilespmem:s18+$0xFCC0]  }
0x150: {  	v4 =	vmul.f32 v6, v4;
	v1 =	vadd.f32 v15, v1;
	v6 =	vld [tilespmem:s18+$0xFCD0]  }
0x151: {  	v7 =	vmul.f32 v8, v7;
	v8 =	vld [tilespmem:s18+$0xFCE0];
	v3 =	vadd.f32 v16, v3  }
0x152: {  	[tilespmem:s18+$0x16C80] =	vst v1;
	v1 =	vadd.f32 v17, v4;
	v2 =	vmul.f32 v9, v2  }
0x153: {  	v4 =	vmul.f32 v57, v11;
	[tilespmem:s18+$0x16C90] =	vst v3;
	v3 =	vadd.f32 v10, v7  }
0x154: {  	s17 =	smul.u32 $0xE0, s23;
	v7 =	vmul.f32 v14, v13;
	[tilespmem:s18+$0x16CA0] =	vst v1;
	v1 =	vadd.f32 v5, v2  }
0x155: {  	[tilespmem:s18+$0x16CB0] =	vst v3;
	v2 =	vadd.f32 v6, v4  }
0x156: {  	s13 =	sadd.s32 s17, s15;
	[tilespmem:s18+$0x16CC0] =	vst v1;
	v1 =	vadd.f32 v8, v7  }
0x157: {  	s13 =	sshll.u32 s13, $0x4;
	[tilespmem:s18+$0x16CD0] =	vst v2  }
0x158: {  	s19 =	simm.s32 $0x0;
	s13 =	sadd.s32 s6, s13;
	[tilespmem:s18+$0x16CE0] =	vst v1  }
0x159: {  	[hbm4b:s13+s19] =	stream.linear.scatter [tilespmem:s9], [sflag:$0x7], $0x3800, $0x38;
	[tilespmem:$0x1A480] =	vst v63  }
0x15a: {  	s21 =	sadd.s32 s8, s17;
	s18 =	sadd.s32 $0x5C0, s17  }
0x15b: {  	[tilespmem:s24], [sflag:$0x1] =	stream.indirect.gather [hbm4b:s0+s22], $0x80, s18, s22, $0xb8;
	[tilespmem:$0x1A480] =	vst v63  }
0x15c: {  	s21 =	sshll.u32 s21, $0x4  }
0x15d: {  	[tilespmem:s25], [sflag:$0x2] =	stream.indirect.gather [hbm4b:s2+s22], $0x80, s18, s22, $0xb8;
	[tilespmem:$0x1A480] =	vst v63  }
0x15e: {  	s18 =	sadd.s32 s3, s21  }
0x15f: {  	s13 =	sadd.s32 $0x1C00, s18  }
0x160: {  	[tilespmem:s26], [sflag:$0x3] =	stream.linear.gather [hbm4b:s13+s19], $0x3800, $0x38;
	[tilespmem:$0x1A480] =	vst v63  }
0x161: {  	_ =	swait.ge [sflag:s10], $0x3800  }
0x162: {  	[sflag:s10] =	ssyncset.done $0x0  }
0x163: {  	[sflag:s10] =	ssyncadd.s32 $0xFFFFC800  }
0x164: {  	_ =	swait.ge [sflag:s11], $0x3800  }
0x165: {  	[sflag:s11] =	ssyncset.done $0x0  }
0x166: {  	[sflag:s11] =	ssyncadd.s32 $0xFFFFC800  }
0x167: {  	_ =	swait.ge [sflag:s28], $0x3800  }
0x168: {  	[sflag:s28] =	ssyncset.done $0x0  }
0x169: {  	[sflag:s28] =	ssyncadd.s32 $0xFFFFC800  }
0x16a: {  	_ =	swait.ge [sflag:s12], $0x3800  }
0x16b: {  	[sflag:s12] =	ssyncset.done $0x0  }
0x16c: {  	s19 =	simm.s32 $0x0;
	[sflag:s12] =	ssyncadd.s32 $0xFFFFC800  }
0x16d: {  	v1 =	vld [tilespmem:s19+$0x54F0]  }
0x16e: {  	v2 =	vld [tilespmem:s19+$0xC4F0]  }
0x16f: {  	v3 =	vld [tilespmem:s19+$0x5480]  }
0x170: {  	v4 =	vld [tilespmem:s19+$0x134F0]  }
0x171: {  	v5 =	vld [tilespmem:s19+$0xC480]  }
0x172: {  	v6 =	vld [tilespmem:s19+$0x5490]  }
0x173: {  	v8 =	vld [tilespmem:s19+$0xC490]  }
0x174: {  	v10 =	vld [tilespmem:s19+$0xC4A0]  }
0x175: {  	v11 =	vld [tilespmem:s19+$0xC4B0]  }
0x176: {  	v58 =	vld [tilespmem:s19+$0x54C0]  }
0x177: {  	v59 =	vld [tilespmem:s19+$0xC4C0]  }
0x178: {  	v60 =	vld [tilespmem:s19+$0x54D0]  }
0x179: {  	v61 =	vld [tilespmem:s19+$0xC4D0]  }
0x17a: {  	v62 =	vld [tilespmem:s19+$0x54E0]  }
0x17b: {  	v63 =	vld [tilespmem:s19+$0xC4E0]  }
0x17c: {  	v18 =	vld [tilespmem:s19+$0x13480];
	v1 =	vmul.f32 v2, v1  }
0x17d: {  	v2 =	vld [tilespmem:s19+$0x54A0]  }
0x17e: {  	v1 =	vadd.f32 v4, v1;
	v4 =	vld [tilespmem:s19+$0x54B0]  }
0x17f: {  	v19 =	vld [tilespmem:s19+$0x13490]  }
0x180: {  	v20 =	vld [tilespmem:s19+$0x134A0]  }
0x181: {  	v9 =	vld [tilespmem:s19+$0x134B0];
	v3 =	vmul.f32 v5, v3  }
0x182: {  	v7 =	vld [tilespmem:s19+$0x134C0];
	v21 =	vmul.f32 v8, v6  }
0x183: {  	v6 =	vld [tilespmem:s19+$0x134D0];
	[tilespmem:s19+$0x16CF0] =	vst v1;
	v22 =	vmul.f32 v10, v2;
	v1 =	vmul.f32 v11, v4;
	v11 =	vadd.f32 v18, v3  }
0x184: {  	s13 =	simm.s32 $0x80;
	v8 =	vld [tilespmem:s19+$0x134E0];
	v5 =	vmul.f32 v59, v58;
	v10 =	vadd.f32 v19, v21  }
0x185: {  	s21 =	simm.s32 $0x400;
	v2 =	vld [tilespmem:s13+$0x54F0];
	v3 =	vmul.f32 v61, v60;
	v4 =	vmul.f32 v63, v62;
	[tilespmem:s19+$0x16C80] =	vst v11;
	v11 =	vadd.f32 v20, v22  }
.LBB2_11:
0x186: {  	p0 =	sne.s32 s21, $0xDE00;
	v12 =	vld [tilespmem:s13+$0xC4F0];
	[tilespmem:s19+$0x16C90] =	vst v10;
	v1 =	vadd.f32 v9, v1  }
0x187: {  	v9 =	vld [tilespmem:s13+$0x5480];
	[tilespmem:s19+$0x16CA0] =	vst v11;
	v5 =	vadd.f32 v7, v5  }
0x188: {  	v7 =	vld [tilespmem:s13+$0x134F0];
	[tilespmem:s19+$0x16CB0] =	vst v1;
	v1 =	vadd.f32 v6, v3  }
0x189: {  	v3 =	vld [tilespmem:s13+$0xC480];
	[tilespmem:s19+$0x16CC0] =	vst v5;
	v4 =	vadd.f32 v8, v4  }
0x18a: {  	v5 =	vld [tilespmem:s13+$0x5490];
	[tilespmem:s19+$0x16CD0] =	vst v1  }
0x18b: {  	v1 =	vld [tilespmem:s13+$0xC490];
	v2 =	vmul.f32 v12, v2;
	[tilespmem:s19+$0x16CE0] =	vst v4;
	s19 =	smov.u32 s13  }
0x18c: {  	v4 =	vld [tilespmem:s19+$0x54A0]  }
0x18d: {  	v6 =	vld [tilespmem:s19+$0xC4A0];
	v2 =	vadd.f32 v7, v2  }
0x18e: {  	v8 =	vmul.f32 v3, v9;
	v3 =	vld [tilespmem:s19+$0x54B0]  }
0x18f: {  	v7 =	vld [tilespmem:s19+$0xC4B0];
	[tilespmem:s19+$0x16CF0] =	vst v2  }
0x190: {  	v2 =	vmul.f32 v1, v5;
	v5 =	vld [tilespmem:s19+$0x54C0]  }
0x191: {  	v9 =	vld [tilespmem:s19+$0xC4C0]  }
0x192: {  	v11 =	vmul.f32 v6, v4;
	v4 =	vld [tilespmem:s19+$0x54D0]  }
0x193: {  	v6 =	vld [tilespmem:s19+$0xC4D0]  }
0x194: {  	v1 =	vmul.f32 v7, v3;
	v10 =	vld [tilespmem:s19+$0x54E0]  }
0x195: {  	v12 =	vld [tilespmem:s19+$0xC4E0]  }
0x196: {  	v13 =	vld [tilespmem:s19+$0x13480];
	v5 =	vmul.f32 v9, v5  }
0x197: {  	v14 =	vld [tilespmem:s19+$0x13490]  }
0x198: {  	v15 =	vld [tilespmem:s19+$0x134A0];
	v3 =	vmul.f32 v6, v4  }
.Ltmp4:
0x199: {  	v9 =	vld [tilespmem:s19+$0x134B0];
	(pc) =	sbr.rel @p0 .LBB2_11-.Ltmp4, $4  }
0x19a: {  	v7 =	vld [tilespmem:s19+$0x134C0];
	v4 =	vmul.f32 v12, v10  }
0x19b: {  	v12 =	vadd.f32 v13, v8;
	v6 =	vld [tilespmem:s19+$0x134D0]  }
0x19c: {  	s13 =	sshra.s32 s21, $0x2;
	v10 =	vadd.f32 v14, v2;
	v8 =	vld [tilespmem:s19+$0x134E0]  }
0x19d: {  	s21 =	sadd.s32 $0x200, s21;
	v2 =	vld [tilespmem:s13+$0x54F0];
	[tilespmem:s19+$0x16C80] =	vst v12;
	v11 =	vadd.f32 v15, v11  }
0x19e: {  	v12 =	vld [tilespmem:s13+$0xC4F0];
	[tilespmem:s19+$0x16C90] =	vst v10;
	v1 =	vadd.f32 v9, v1  }
0x19f: {  	v10 =	vld [tilespmem:s13+$0x5480];
	[tilespmem:s19+$0x16CA0] =	vst v11;
	v5 =	vadd.f32 v7, v5  }
0x1a0: {  	v52 =	vld [tilespmem:s13+$0x134F0];
	[tilespmem:s19+$0x16CB0] =	vst v1;
	v3 =	vadd.f32 v6, v3  }
0x1a1: {  	v1 =	vld [tilespmem:s13+$0xC480];
	[tilespmem:s19+$0x16CC0] =	vst v5;
	v4 =	vadd.f32 v8, v4  }
0x1a2: {  	v5 =	vld [tilespmem:s13+$0x5490];
	[tilespmem:s19+$0x16CD0] =	vst v3  }
0x1a3: {  	v3 =	vld [tilespmem:s13+$0xC490];
	[tilespmem:s19+$0x16CE0] =	vst v4  }
0x1a4: {  	v4 =	vld [tilespmem:s13+$0x54A0]  }
0x1a5: {  	v53 =	vld [tilespmem:s13+$0xC4A0]  }
0x1a6: {  	v54 =	vld [tilespmem:s13+$0x54B0]  }
0x1a7: {  	v55 =	vld [tilespmem:s13+$0xC4B0]  }
0x1a8: {  	v56 =	vld [tilespmem:s13+$0xC4C0]  }
0x1a9: {  	v11 =	vld [tilespmem:s13+$0x54D0]  }
0x1aa: {  	v57 =	vld [tilespmem:s13+$0xC4D0]  }
0x1ab: {  	v13 =	vld [tilespmem:s13+$0x54E0]  }
0x1ac: {  	v2 =	vmul.f32 v12, v2;
	v14 =	vld [tilespmem:s13+$0xC4E0]  }
0x1ad: {  	v15 =	vld [tilespmem:s13+$0x13480]  }
0x1ae: {  	v16 =	vld [tilespmem:s13+$0x13490];
	v2 =	vadd.f32 v52, v2  }
0x1af: {  	v17 =	vld [tilespmem:s13+$0x134A0]  }
0x1b0: {  	[tilespmem:s13+$0x16CF0] =	vst v2;
	v2 =	vld [tilespmem:s13+$0x54C0]  }
0x1b1: {  	v58 =	vld [tilespmem:s13+$0x134B0];
	v1 =	vmul.f32 v1, v10  }
0x1b2: {  	v59 =	vld [tilespmem:s13+$0x134C0];
	v3 =	vmul.f32 v3, v5  }
0x1b3: {  	v60 =	vld [tilespmem:s13+$0x134D0];
	v4 =	vmul.f32 v53, v4;
	v1 =	vadd.f32 v15, v1  }
0x1b4: {  	v61 =	vld [tilespmem:s13+$0x134E0];
	v7 =	vmul.f32 v55, v54;
	v3 =	vadd.f32 v16, v3  }
0x1b5: {  	[tilespmem:s13+$0x16C80] =	vst v1;
	v1 =	vadd.f32 v17, v4;
	v2 =	vmul.f32 v56, v2  }
0x1b6: {  	v62 =	vmul.f32 v57, v11;
	[tilespmem:s13+$0x16C90] =	vst v3;
	v3 =	vadd.f32 v58, v7  }
0x1b7: {  	v63 =	vmul.f32 v14, v13;
	[tilespmem:s13+$0x16CA0] =	vst v1;
	v1 =	vadd.f32 v59, v2  }
0x1b8: {  	[tilespmem:s13+$0x16CB0] =	vst v3;
	v2 =	vadd.f32 v60, v62  }
0x1b9: {  	s21 =	sadd.s32 s17, s16;
	[tilespmem:s13+$0x16CC0] =	vst v1;
	v1 =	vadd.f32 v61, v63  }
0x1ba: {  	s19 =	sshll.u32 s21, $0x4;
	[tilespmem:s13+$0x16CD0] =	vst v2  }
0x1bb: {  	s23 =	sadd.s32 $0x1, s23;
	s21 =	sadd.s32 s6, s19;
	[tilespmem:s13+$0x16CE0] =	vst v1  }
0x1bc: {  	[hbm4b:s21+s7] =	stream.linear.scatter [tilespmem:s9], [sflag:$0x7], $0x3800, $0x38;
	[tilespmem:$0x1A480] =	vst v63  }
0x1bd: {  	p0 =	sne.s32 s23, $0x1A;
	s19 =	sadd.s32 $0x630, s17  }
0x1be: {  	[tilespmem:s29], [sflag:$0x4] =	stream.indirect.gather [hbm4b:s0+s22], $0x80, s19, s22, $0xb8;
	[tilespmem:$0x1A480] =	vst v63  }
.Ltmp5:
0x1bf: {  	_ = 	snop;
	(pc) =	sbr.rel @p0 .LBB2_8-.Ltmp5, $4  }
0x1c0: {  	_ = 	snop  }
0x1c1: {  	[tilespmem:s30], [sflag:$0x5] =	stream.indirect.gather [hbm4b:s2+s22], $0x80, s19, s22, $0xb8;
	[tilespmem:$0x1A480] =	vst v63  }
0x1c2: {  	s21 =	sadd.s32 $0x2300, s18  }
0x1c3: {  	[tilespmem:s31], [sflag:$0x6] =	stream.linear.gather [hbm4b:s21+s7], $0x3800, $0x38;
	[tilespmem:$0x1A480] =	vst v63  }
0x1c4: {  	_ =	swait.ge [sflag:s4], $0x3800  }
0x1c5: {  	[sflag:s4] =	ssyncset.done $0x0  }
0x1c6: {  	[sflag:s4] =	ssyncadd.s32 $0xFFFFC800  }
0x1c7: {  	_ =	swait.ge [sflag:s1], $0x3800  }
0x1c8: {  	[sflag:s1] =	ssyncset.done $0x0  }
0x1c9: {  	[sflag:s1] =	ssyncadd.s32 $0xFFFFC800  }
0x1ca: {  	_ =	swait.ge [sflag:s5], $0x3800  }
0x1cb: {  	[sflag:s5] =	ssyncset.done $0x0  }
0x1cc: {  	[sflag:s5] =	ssyncadd.s32 $0xFFFFC800  }
0x1cd: {  	_ =	swait.ge [sflag:s12], $0x3800  }
0x1ce: {  	[sflag:s12] =	ssyncset.done $0x0  }
0x1cf: {  	s17 =	simm.s32 $0x0;
	[sflag:s12] =	ssyncadd.s32 $0xFFFFC800  }
0x1d0: {  	v1 =	vld [tilespmem:s17+$0x1CF0]  }
0x1d1: {  	v2 =	vld [tilespmem:s17+$0x8CF0]  }
0x1d2: {  	v3 =	vld [tilespmem:s17+$0x1C80]  }
0x1d3: {  	v4 =	vld [tilespmem:s17+$0xFCF0]  }
0x1d4: {  	v5 =	vld [tilespmem:s17+$0x8C80]  }
0x1d5: {  	v6 =	vld [tilespmem:s17+$0x1C90]  }
0x1d6: {  	v8 =	vld [tilespmem:s17+$0x8C90]  }
0x1d7: {  	v10 =	vld [tilespmem:s17+$0x8CA0]  }
0x1d8: {  	v11 =	vld [tilespmem:s17+$0x8CB0]  }
0x1d9: {  	v12 =	vld [tilespmem:s17+$0x1CC0]  }
0x1da: {  	v13 =	vld [tilespmem:s17+$0x8CC0]  }
0x1db: {  	v14 =	vld [tilespmem:s17+$0x1CD0]  }
0x1dc: {  	v15 =	vld [tilespmem:s17+$0x8CD0]  }
0x1dd: {  	v16 =	vld [tilespmem:s17+$0x1CE0]  }
0x1de: {  	v17 =	vld [tilespmem:s17+$0x8CE0]  }
0x1df: {  	v18 =	vld [tilespmem:s17+$0xFC80];
	v1 =	vmul.f32 v2, v1  }
0x1e0: {  	v2 =	vld [tilespmem:s17+$0x1CA0]  }
0x1e1: {  	v1 =	vadd.f32 v4, v1;
	v4 =	vld [tilespmem:s17+$0x1CB0]  }
0x1e2: {  	v19 =	vld [tilespmem:s17+$0xFC90]  }
0x1e3: {  	v20 =	vld [tilespmem:s17+$0xFCA0]  }
0x1e4: {  	v9 =	vld [tilespmem:s17+$0xFCB0];
	v3 =	vmul.f32 v5, v3  }
0x1e5: {  	v7 =	vld [tilespmem:s17+$0xFCC0];
	v21 =	vmul.f32 v8, v6  }
0x1e6: {  	v6 =	vld [tilespmem:s17+$0xFCD0];
	[tilespmem:s17+$0x16CF0] =	vst v1;
	v22 =	vmul.f32 v10, v2;
	v1 =	vmul.f32 v11, v4;
	v11 =	vadd.f32 v18, v3  }
0x1e7: {  	s13 =	simm.s32 $0x80;
	v8 =	vld [tilespmem:s17+$0xFCE0];
	v5 =	vmul.f32 v13, v12;
	v10 =	vadd.f32 v19, v21  }
0x1e8: {  	s18 =	simm.s32 $0x400;
	v2 =	vld [tilespmem:s13+$0x1CF0];
	v3 =	vmul.f32 v15, v14;
	v4 =	vmul.f32 v17, v16;
	[tilespmem:s17+$0x16C80] =	vst v11;
	v11 =	vadd.f32 v20, v22  }
.LBB2_14:
0x1e9: {  	p0 =	sne.s32 s18, $0xDE00;
	v12 =	vld [tilespmem:s13+$0x8CF0];
	[tilespmem:s17+$0x16C90] =	vst v10;
	v1 =	vadd.f32 v9, v1  }
0x1ea: {  	v9 =	vld [tilespmem:s13+$0x1C80];
	[tilespmem:s17+$0x16CA0] =	vst v11;
	v5 =	vadd.f32 v7, v5  }
0x1eb: {  	v7 =	vld [tilespmem:s13+$0xFCF0];
	[tilespmem:s17+$0x16CB0] =	vst v1;
	v1 =	vadd.f32 v6, v3  }
0x1ec: {  	v3 =	vld [tilespmem:s13+$0x8C80];
	[tilespmem:s17+$0x16CC0] =	vst v5;
	v4 =	vadd.f32 v8, v4  }
0x1ed: {  	v5 =	vld [tilespmem:s13+$0x1C90];
	[tilespmem:s17+$0x16CD0] =	vst v1  }
0x1ee: {  	v1 =	vld [tilespmem:s13+$0x8C90];
	v2 =	vmul.f32 v12, v2;
	[tilespmem:s17+$0x16CE0] =	vst v4;
	s17 =	smov.u32 s13  }
0x1ef: {  	v4 =	vld [tilespmem:s17+$0x1CA0]  }
0x1f0: {  	v6 =	vld [tilespmem:s17+$0x8CA0];
	v2 =	vadd.f32 v7, v2  }
0x1f1: {  	v8 =	vmul.f32 v3, v9;
	v3 =	vld [tilespmem:s17+$0x1CB0]  }
0x1f2: {  	v7 =	vld [tilespmem:s17+$0x8CB0];
	[tilespmem:s17+$0x16CF0] =	vst v2  }
0x1f3: {  	v2 =	vmul.f32 v1, v5;
	v5 =	vld [tilespmem:s17+$0x1CC0]  }
0x1f4: {  	v9 =	vld [tilespmem:s17+$0x8CC0]  }
0x1f5: {  	v11 =	vmul.f32 v6, v4;
	v4 =	vld [tilespmem:s17+$0x1CD0]  }
0x1f6: {  	v6 =	vld [tilespmem:s17+$0x8CD0]  }
0x1f7: {  	v1 =	vmul.f32 v7, v3;
	v10 =	vld [tilespmem:s17+$0x1CE0]  }
0x1f8: {  	v12 =	vld [tilespmem:s17+$0x8CE0]  }
0x1f9: {  	v13 =	vld [tilespmem:s17+$0xFC80];
	v5 =	vmul.f32 v9, v5  }
0x1fa: {  	v14 =	vld [tilespmem:s17+$0xFC90]  }
0x1fb: {  	v15 =	vld [tilespmem:s17+$0xFCA0];
	v3 =	vmul.f32 v6, v4  }
.Ltmp6:
0x1fc: {  	v9 =	vld [tilespmem:s17+$0xFCB0];
	(pc) =	sbr.rel @p0 .LBB2_14-.Ltmp6, $4  }
0x1fd: {  	v7 =	vld [tilespmem:s17+$0xFCC0];
	v4 =	vmul.f32 v12, v10  }
0x1fe: {  	v12 =	vadd.f32 v13, v8;
	v6 =	vld [tilespmem:s17+$0xFCD0]  }
0x1ff: {  	s13 =	sshra.s32 s18, $0x2;
	v10 =	vadd.f32 v14, v2;
	v8 =	vld [tilespmem:s17+$0xFCE0]  }
0x200: {  	s18 =	sadd.s32 $0x200, s18;
	v2 =	vld [tilespmem:s13+$0x1CF0];
	[tilespmem:s17+$0x16C80] =	vst v12;
	v11 =	vadd.f32 v15, v11  }
0x201: {  	v12 =	vld [tilespmem:s13+$0x8CF0];
	[tilespmem:s17+$0x16C90] =	vst v10;
	v1 =	vadd.f32 v9, v1  }
0x202: {  	v10 =	vld [tilespmem:s13+$0x1C80];
	[tilespmem:s17+$0x16CA0] =	vst v11;
	v5 =	vadd.f32 v7, v5  }
0x203: {  	v9 =	vld [tilespmem:s13+$0xFCF0];
	[tilespmem:s17+$0x16CB0] =	vst v1;
	v3 =	vadd.f32 v6, v3  }
0x204: {  	v1 =	vld [tilespmem:s13+$0x8C80];
	[tilespmem:s17+$0x16CC0] =	vst v5;
	v4 =	vadd.f32 v8, v4  }
0x205: {  	v5 =	vld [tilespmem:s13+$0x1C90];
	[tilespmem:s17+$0x16CD0] =	vst v3  }
0x206: {  	v3 =	vld [tilespmem:s13+$0x8C90];
	[tilespmem:s17+$0x16CE0] =	vst v4  }
0x207: {  	v4 =	vld [tilespmem:s13+$0x1CA0]  }
0x208: {  	v6 =	vld [tilespmem:s13+$0x8CA0]  }
0x209: {  	v7 =	vld [tilespmem:s13+$0x1CB0]  }
0x20a: {  	v8 =	vld [tilespmem:s13+$0x8CB0]  }
0x20b: {  	v11 =	vld [tilespmem:s13+$0x1CD0]  }
0x20c: {  	v57 =	vld [tilespmem:s13+$0x8CD0]  }
0x20d: {  	v13 =	vld [tilespmem:s13+$0x1CE0]  }
0x20e: {  	v14 =	vld [tilespmem:s13+$0x8CE0]  }
0x20f: {  	v2 =	vmul.f32 v12, v2;
	v15 =	vld [tilespmem:s13+$0xFC80]  }
0x210: {  	v16 =	vld [tilespmem:s13+$0xFC90]  }
0x211: {  	v17 =	vld [tilespmem:s13+$0xFCA0];
	v2 =	vadd.f32 v9, v2  }
0x212: {  	v9 =	vld [tilespmem:s13+$0x8CC0]  }
0x213: {  	[tilespmem:s13+$0x16CF0] =	vst v2;
	v2 =	vld [tilespmem:s13+$0x1CC0]  }
0x214: {  	v1 =	vmul.f32 v1, v10;
	v10 =	vld [tilespmem:s13+$0xFCB0]  }
0x215: {  	v3 =	vmul.f32 v3, v5;
	v5 =	vld [tilespmem:s13+$0xFCC0]  }
0x216: {  	v4 =	vmul.f32 v6, v4;
	v1 =	vadd.f32 v15, v1;
	v6 =	vld [tilespmem:s13+$0xFCD0]  }
0x217: {  	v7 =	vmul.f32 v8, v7;
	v8 =	vld [tilespmem:s13+$0xFCE0];
	v3 =	vadd.f32 v16, v3  }
0x218: {  	[tilespmem:s13+$0x16C80] =	vst v1;
	v1 =	vadd.f32 v17, v4;
	v2 =	vmul.f32 v9, v2  }
0x219: {  	v4 =	vmul.f32 v57, v11;
	[tilespmem:s13+$0x16C90] =	vst v3;
	v3 =	vadd.f32 v10, v7  }
0x21a: {  	v7 =	vmul.f32 v14, v13;
	[tilespmem:s13+$0x16CA0] =	vst v1;
	v1 =	vadd.f32 v5, v2  }
0x21b: {  	[tilespmem:s13+$0x16CB0] =	vst v3;
	v2 =	vadd.f32 v6, v4  }
0x21c: {  	[tilespmem:s13+$0x16CC0] =	vst v1;
	v1 =	vadd.f32 v8, v7  }
0x21d: {  	[tilespmem:s13+$0x16CD0] =	vst v2  }
0x21e: {  	s21 =	simm.s32 $0x0;
	s23 =	rddreg [dreg:$0xc];
	[tilespmem:s13+$0x16CE0] =	vst v1  }
0x21f: {  	[hbm4b:s23+s21] =	stream.linear.scatter [tilespmem:s9], [sflag:$0x7], $0x3800, $0x38;
	[tilespmem:$0x1A480] =	vst v63  }
0x220: {  	_ =	swait.ge [sflag:s10], $0x3800  }
0x221: {  	[sflag:s10] =	ssyncset.done $0x0  }
0x222: {  	[sflag:s10] =	ssyncadd.s32 $0xFFFFC800  }
0x223: {  	_ =	swait.ge [sflag:s11], $0x3800  }
0x224: {  	[sflag:s11] =	ssyncset.done $0x0  }
0x225: {  	[sflag:s11] =	ssyncadd.s32 $0xFFFFC800  }
0x226: {  	_ =	swait.ge [sflag:s28], $0x3800  }
0x227: {  	[sflag:s28] =	ssyncset.done $0x0  }
0x228: {  	[sflag:s28] =	ssyncadd.s32 $0xFFFFC800  }
0x229: {  	_ =	swait.ge [sflag:s12], $0x3800  }
0x22a: {  	[sflag:s12] =	ssyncset.done $0x0  }
0x22b: {  	s17 =	simm.s32 $0x0;
	[sflag:s12] =	ssyncadd.s32 $0xFFFFC800  }
0x22c: {  	v1 =	vld [tilespmem:s17+$0x54F0]  }
0x22d: {  	v2 =	vld [tilespmem:s17+$0xC4F0]  }
0x22e: {  	v3 =	vld [tilespmem:s17+$0x5480]  }
0x22f: {  	v4 =	vld [tilespmem:s17+$0x134F0]  }
0x230: {  	v5 =	vld [tilespmem:s17+$0xC480]  }
0x231: {  	v6 =	vld [tilespmem:s17+$0x5490]  }
0x232: {  	v8 =	vld [tilespmem:s17+$0xC490]  }
0x233: {  	v10 =	vld [tilespmem:s17+$0xC4A0]  }
0x234: {  	v11 =	vld [tilespmem:s17+$0xC4B0]  }
0x235: {  	v58 =	vld [tilespmem:s17+$0x54C0]  }
0x236: {  	v59 =	vld [tilespmem:s17+$0xC4C0]  }
0x237: {  	v60 =	vld [tilespmem:s17+$0x54D0]  }
0x238: {  	v61 =	vld [tilespmem:s17+$0xC4D0]  }
0x239: {  	v62 =	vld [tilespmem:s17+$0x54E0]  }
0x23a: {  	v63 =	vld [tilespmem:s17+$0xC4E0]  }
0x23b: {  	v18 =	vld [tilespmem:s17+$0x13480];
	v1 =	vmul.f32 v2, v1  }
0x23c: {  	v2 =	vld [tilespmem:s17+$0x54A0]  }
0x23d: {  	v1 =	vadd.f32 v4, v1;
	v4 =	vld [tilespmem:s17+$0x54B0]  }
0x23e: {  	v19 =	vld [tilespmem:s17+$0x13490]  }
0x23f: {  	v20 =	vld [tilespmem:s17+$0x134A0]  }
0x240: {  	v9 =	vld [tilespmem:s17+$0x134B0];
	v3 =	vmul.f32 v5, v3  }
0x241: {  	v7 =	vld [tilespmem:s17+$0x134C0];
	v21 =	vmul.f32 v8, v6  }
0x242: {  	v6 =	vld [tilespmem:s17+$0x134D0];
	[tilespmem:s17+$0x16CF0] =	vst v1;
	v22 =	vmul.f32 v10, v2;
	v1 =	vmul.f32 v11, v4;
	v11 =	vadd.f32 v18, v3  }
0x243: {  	s13 =	simm.s32 $0x80;
	v8 =	vld [tilespmem:s17+$0x134E0];
	v5 =	vmul.f32 v59, v58;
	v10 =	vadd.f32 v19, v21  }
0x244: {  	s18 =	simm.s32 $0x400;
	v2 =	vld [tilespmem:s13+$0x54F0];
	v3 =	vmul.f32 v61, v60;
	v4 =	vmul.f32 v63, v62;
	[tilespmem:s17+$0x16C80] =	vst v11;
	v11 =	vadd.f32 v20, v22  }
.LBB2_16:
0x245: {  	p0 =	sne.s32 s18, $0xDE00;
	v12 =	vld [tilespmem:s13+$0xC4F0];
	[tilespmem:s17+$0x16C90] =	vst v10;
	v1 =	vadd.f32 v9, v1  }
0x246: {  	v9 =	vld [tilespmem:s13+$0x5480];
	[tilespmem:s17+$0x16CA0] =	vst v11;
	v5 =	vadd.f32 v7, v5  }
0x247: {  	v7 =	vld [tilespmem:s13+$0x134F0];
	[tilespmem:s17+$0x16CB0] =	vst v1;
	v1 =	vadd.f32 v6, v3  }
0x248: {  	v3 =	vld [tilespmem:s13+$0xC480];
	[tilespmem:s17+$0x16CC0] =	vst v5;
	v4 =	vadd.f32 v8, v4  }
0x249: {  	v5 =	vld [tilespmem:s13+$0x5490];
	[tilespmem:s17+$0x16CD0] =	vst v1  }
0x24a: {  	v1 =	vld [tilespmem:s13+$0xC490];
	v2 =	vmul.f32 v12, v2;
	[tilespmem:s17+$0x16CE0] =	vst v4;
	s17 =	smov.u32 s13  }
0x24b: {  	v4 =	vld [tilespmem:s17+$0x54A0]  }
0x24c: {  	v6 =	vld [tilespmem:s17+$0xC4A0];
	v2 =	vadd.f32 v7, v2  }
0x24d: {  	v8 =	vmul.f32 v3, v9;
	v3 =	vld [tilespmem:s17+$0x54B0]  }
0x24e: {  	v7 =	vld [tilespmem:s17+$0xC4B0];
	[tilespmem:s17+$0x16CF0] =	vst v2  }
0x24f: {  	v2 =	vmul.f32 v1, v5;
	v5 =	vld [tilespmem:s17+$0x54C0]  }
0x250: {  	v9 =	vld [tilespmem:s17+$0xC4C0]  }
0x251: {  	v11 =	vmul.f32 v6, v4;
	v4 =	vld [tilespmem:s17+$0x54D0]  }
0x252: {  	v6 =	vld [tilespmem:s17+$0xC4D0]  }
0x253: {  	v1 =	vmul.f32 v7, v3;
	v10 =	vld [tilespmem:s17+$0x54E0]  }
0x254: {  	v12 =	vld [tilespmem:s17+$0xC4E0]  }
0x255: {  	v13 =	vld [tilespmem:s17+$0x13480];
	v5 =	vmul.f32 v9, v5  }
0x256: {  	v14 =	vld [tilespmem:s17+$0x13490]  }
0x257: {  	v15 =	vld [tilespmem:s17+$0x134A0];
	v3 =	vmul.f32 v6, v4  }
.Ltmp7:
0x258: {  	v9 =	vld [tilespmem:s17+$0x134B0];
	(pc) =	sbr.rel @p0 .LBB2_16-.Ltmp7, $4  }
0x259: {  	v7 =	vld [tilespmem:s17+$0x134C0];
	v4 =	vmul.f32 v12, v10  }
0x25a: {  	v12 =	vadd.f32 v13, v8;
	v6 =	vld [tilespmem:s17+$0x134D0]  }
0x25b: {  	s13 =	sshra.s32 s18, $0x2;
	v10 =	vadd.f32 v14, v2;
	v8 =	vld [tilespmem:s17+$0x134E0]  }
0x25c: {  	s18 =	sadd.s32 $0x200, s18;
	v2 =	vld [tilespmem:s13+$0x54F0];
	[tilespmem:s17+$0x16C80] =	vst v12;
	v11 =	vadd.f32 v15, v11  }
0x25d: {  	v12 =	vld [tilespmem:s13+$0xC4F0];
	[tilespmem:s17+$0x16C90] =	vst v10;
	v1 =	vadd.f32 v9, v1  }
0x25e: {  	v10 =	vld [tilespmem:s13+$0x5480];
	[tilespmem:s17+$0x16CA0] =	vst v11;
	v5 =	vadd.f32 v7, v5  }
0x25f: {  	v52 =	vld [tilespmem:s13+$0x134F0];
	[tilespmem:s17+$0x16CB0] =	vst v1;
	v3 =	vadd.f32 v6, v3  }
0x260: {  	v1 =	vld [tilespmem:s13+$0xC480];
	[tilespmem:s17+$0x16CC0] =	vst v5;
	v4 =	vadd.f32 v8, v4  }
0x261: {  	v5 =	vld [tilespmem:s13+$0x5490];
	[tilespmem:s17+$0x16CD0] =	vst v3  }
0x262: {  	v3 =	vld [tilespmem:s13+$0xC490];
	[tilespmem:s17+$0x16CE0] =	vst v4  }
0x263: {  	v4 =	vld [tilespmem:s13+$0x54A0]  }
0x264: {  	v53 =	vld [tilespmem:s13+$0xC4A0]  }
0x265: {  	v54 =	vld [tilespmem:s13+$0x54B0]  }
0x266: {  	v55 =	vld [tilespmem:s13+$0xC4B0]  }
0x267: {  	v56 =	vld [tilespmem:s13+$0xC4C0]  }
0x268: {  	v11 =	vld [tilespmem:s13+$0x54D0]  }
0x269: {  	v57 =	vld [tilespmem:s13+$0xC4D0]  }
0x26a: {  	v13 =	vld [tilespmem:s13+$0x54E0]  }
0x26b: {  	v2 =	vmul.f32 v12, v2;
	v14 =	vld [tilespmem:s13+$0xC4E0]  }
0x26c: {  	v15 =	vld [tilespmem:s13+$0x13480]  }
0x26d: {  	v16 =	vld [tilespmem:s13+$0x13490];
	v2 =	vadd.f32 v52, v2  }
0x26e: {  	v17 =	vld [tilespmem:s13+$0x134A0]  }
0x26f: {  	[tilespmem:s13+$0x16CF0] =	vst v2;
	v2 =	vld [tilespmem:s13+$0x54C0]  }
0x270: {  	v58 =	vld [tilespmem:s13+$0x134B0];
	v1 =	vmul.f32 v1, v10  }
0x271: {  	v59 =	vld [tilespmem:s13+$0x134C0];
	v3 =	vmul.f32 v3, v5  }
0x272: {  	v60 =	vld [tilespmem:s13+$0x134D0];
	v4 =	vmul.f32 v53, v4;
	v1 =	vadd.f32 v15, v1  }
0x273: {  	v61 =	vld [tilespmem:s13+$0x134E0];
	v7 =	vmul.f32 v55, v54;
	v3 =	vadd.f32 v16, v3  }
0x274: {  	[tilespmem:s13+$0x16C80] =	vst v1;
	v1 =	vadd.f32 v17, v4;
	v2 =	vmul.f32 v56, v2  }
0x275: {  	v62 =	vmul.f32 v57, v11;
	[tilespmem:s13+$0x16C90] =	vst v3;
	v3 =	vadd.f32 v58, v7  }
0x276: {  	v63 =	vmul.f32 v14, v13;
	[tilespmem:s13+$0x16CA0] =	vst v1;
	v1 =	vadd.f32 v59, v2  }
0x277: {  	[tilespmem:s13+$0x16CB0] =	vst v3;
	v2 =	vadd.f32 v60, v62  }
0x278: {  	[tilespmem:s13+$0x16CC0] =	vst v1;
	v1 =	vadd.f32 v61, v63  }
0x279: {  	[tilespmem:s13+$0x16CD0] =	vst v2  }
0x27a: {  	s21 =	rddreg [dreg:$0xd];
	[tilespmem:s13+$0x16CE0] =	vst v1  }
0x27b: {  	[hbm4b:s21+s7] =	stream.linear.scatter [tilespmem:s9], [sflag:$0x7], $0x3800, $0x38;
	[tilespmem:$0x1A480] =	vst v63  }
0x27c: {  	_ =	swait.ge [sflag:s12], $0x3800  }
0x27d: {  	s14 =	sadd.s32 $0x1, s14;
	s23 =	rddreg [dreg:$0xe]  }
0x27e: {  	p0 =	sne.s32 s14, s23  }
.Ltmp8:
0x27f: {  	_ = 	snop;
	(pc) =	sbr.rel @p0 .LBB2_1-.Ltmp8, $3  }
0x280: {  	_ =	sdelay $0x1  }
0x281: {  	[sflag:s12] =	ssyncset.done $0x0  }
0x282: {  	[sflag:s12] =	ssyncadd.s32 $0xFFFFC800  }
0x283: {  	_ =	sfence.sel $0x180000  }
0x284: {  	[bflag:$0x0] =	sbarrier.arrive $0xFFFF  }
0x285: {  	_ =	strace $0x90000047  }
0x286: {  	s0 =	stileid.u32;
	[bflag:$0x2] =	sbarrier.arrive $0xFFFF  }
0x287: {  	p0 =	sne.s32 s0, $0x0;
	s0 =	rddreg [dreg:$0x5]  }
0x288: {  	s0 =	sadd.s32 @!p0 $0x100000, s0  }
0x289: {  	[sflag:s0] =	ssyncadd.tile.s32 @!p0 $0x1;
	_ =	shalt  }
.Lfunc_end2:
_tile_overlayer_lowered:
.L_overlay_start_2:
0x28a: {  	(tag) =	ssettag $0x2  }
0x28b: {  	s0 =	rddreg [dreg:$0x0];
	s2 =	stileid.u32  }
0x28c: {  	s1 =	rddreg [dreg:$0x1];
	p0 =	sne.s32 s2, $0x0  }
0x28d: {  	s3 =	rddreg [dreg:$0x2];
	[bflag:$0x3] =	sbarrier.arrive $0xFFFF;
	s2 =	simm.s32 @!p0 $0x1C08  }
0x28e: {  	[timem:s3], [sflag:s2] =	dma.local @!p0 [hbm:s0], s1  }
0x28f: {  	s0 =	simm.s32 @!p0 $0x8  }
0x290: {  	_ =	swait.ge @!p0 [sflag:s0], s1  }
0x291: {  	s1 =	ssub.s32 @!p0 $0x0, s1;
	[sflag:s0] =	ssyncset.done @!p0 $0x0  }
0x292: {  	[sflag:s0] =	ssyncadd.s32 @!p0 s1  }
0x293: {  	[bflag:$0x3] =	sbarrier.arrive $0xFFFF  }
0x294: {  	_ =	shalt  }

</sc_bundles>
